<compile_context>
chip_gen: v7x
topology: tpu7x:2x2x1
jax: 0.10.2.dev20260603
libtpu: 0.0.44.dev20260713+nightly
codegen_flags: <defaults>
</compile_context>

<pallas_src>
import functools

import jax
import jax.numpy as jnp
from jax import lax
from jax.experimental import pallas as pl
from jax.experimental.pallas import tpu as pltpu
from jax.experimental.pallas import tpu_sc as plsc

N = 10000
D = 128
E = 320000
NC = 2
NS = 16
CHUNK = 128
NBUF = 2

NPAD = 10240
DEG_PAD = 10240
E_PAD = 327680
ECHUNKS = E_PAD // CHUNK
CHUNKS_C = E_PAD // (NS * CHUNK)
CHUNKS_E = E_PAD // (NC * NS * CHUNK)
ZROWS = NPAD // NS
OROWS = NPAD // NS
DEG_T = DEG_PAD // NS

_mesh = lambda: plsc.VectorSubcoreMesh(
    core_axis_name="c", subcore_axis_name="s", num_cores=NC, num_subcores=NS)


def _deg_body(ei_hbm, ones_hbm, zeros_hbm, out_hbm, dst_idx, ones_v, acc, sem):
  cid = lax.axis_index("c")
  tid = lax.axis_index("s")
  pltpu.sync_copy(zeros_hbm, acc.at[pl.ds(tid * DEG_T, DEG_T)])
  pltpu.sync_copy(ones_hbm, ones_v)
  row0 = (cid * NS + tid) * CHUNKS_E
  pltpu.sync_copy(ei_hbm.at[1, pl.ds(row0, CHUNKS_E)], dst_idx)
  plsc.subcore_barrier()

  @pl.loop(0, CHUNKS_E // 8)
  def _(g):
    for b in range(8):
      pltpu.async_copy(ones_v, acc.at[dst_idx.at[g * 8 + b]], sem, add=True)
    for b in range(8):
      pltpu.make_async_copy(ones_v, acc.at[dst_idx.at[g * 8 + b]], sem).wait()

  plsc.subcore_barrier()
  pltpu.sync_copy(acc.at[pl.ds(tid * DEG_T, DEG_T)],
                  out_hbm.at[pl.ds((cid * NS + tid) * DEG_T, DEG_T)])


def _make_deg_kernel():
  return pl.kernel(
      _deg_body,
      out_type=jax.ShapeDtypeStruct((NC * DEG_PAD,), jnp.float32),
      mesh=_mesh(),
      scratch_types=[
          pltpu.VMEM((CHUNKS_E, CHUNK), jnp.int32),
          pltpu.VMEM((CHUNK,), jnp.float32),
          pltpu.VMEM_SHARED((DEG_PAD,), jnp.float32),
          pltpu.SemaphoreType.DMA,
      ],
  )


G = 16


def _prop_body(table_hbm, ei_hbm, zrows_hbm, out_hbm,
               src_idx, dst_idx, rows, acc, sem, sem_s, *,
               chunks, core_rows, table_cores):
  cid = lax.axis_index("c")
  tid = lax.axis_index("s")
  pltpu.sync_copy(zrows_hbm, acc.at[pl.ds(tid * ZROWS, ZROWS)])
  row0 = cid * core_rows + tid * chunks
  plsc.subcore_barrier()

  nsc = chunks // G
  tbl = table_hbm.at[cid] if table_cores else table_hbm
  pltpu.sync_copy(ei_hbm.at[0, pl.ds(row0, G)], src_idx.at[0])
  pltpu.sync_copy(ei_hbm.at[1, pl.ds(row0, G)], dst_idx.at[0])
  for b in range(NBUF):
    pltpu.async_copy(tbl.at[src_idx.at[0, b]], rows.at[b], sem)

  @pl.loop(0, nsc)
  def _(s):
    p = s % 2

    @pl.when(s + 1 < nsc)
    def _():
      pltpu.async_copy(ei_hbm.at[0, pl.ds(row0 + (s + 1) * G, G)],
                       src_idx.at[1 - p], sem_s)
      pltpu.async_copy(ei_hbm.at[1, pl.ds(row0 + (s + 1) * G, G)],
                       dst_idx.at[1 - p], sem_s)

    @pl.loop(0, (G - NBUF) // NBUF)
    def _(k):
      for b in range(NBUF):
        j = k * NBUF + b
        pltpu.make_async_copy(
            tbl.at[src_idx.at[p, j]], rows.at[b], sem).wait()
        pltpu.sync_copy(rows.at[b], acc.at[dst_idx.at[p, j]], add=True)
        pltpu.async_copy(tbl.at[src_idx.at[p, j + NBUF]], rows.at[b], sem)

    @pl.when(s + 1 < nsc)
    def _():
      pltpu.make_async_copy(ei_hbm.at[0, pl.ds(row0 + (s + 1) * G, G)],
                            src_idx.at[1 - p], sem_s).wait()
      pltpu.make_async_copy(ei_hbm.at[1, pl.ds(row0 + (s + 1) * G, G)],
                            dst_idx.at[1 - p], sem_s).wait()

    for b in range(NBUF):
      j = G - NBUF + b
      pltpu.make_async_copy(
          tbl.at[src_idx.at[p, j]], rows.at[b], sem).wait()
      pltpu.sync_copy(rows.at[b], acc.at[dst_idx.at[p, j]], add=True)

      @pl.when(s + 1 < nsc)
      def _():
        pltpu.async_copy(tbl.at[src_idx.at[1 - p, b]], rows.at[b], sem)

  plsc.subcore_barrier()
  pltpu.sync_copy(acc.at[pl.ds(tid * OROWS, OROWS)],
                  out_hbm.at[cid, pl.ds(tid * OROWS, OROWS)])


def _make_prop_kernel(chunks, core_rows, table_cores):
  body = functools.partial(
      _prop_body, chunks=chunks, core_rows=core_rows, table_cores=table_cores)
  return pl.kernel(
      body,
      out_type=jax.ShapeDtypeStruct((NC, NPAD, D), jnp.float32),
      mesh=_mesh(),
      scratch_types=[
          pltpu.VMEM((2, G, CHUNK), jnp.int32),
          pltpu.VMEM((2, G, CHUNK), jnp.int32),
          pltpu.VMEM((NBUF, CHUNK, D), jnp.float32),
          pltpu.VMEM_SHARED((NPAD, D), jnp.float32),
          pltpu.SemaphoreType.DMA,
          pltpu.SemaphoreType.DMA,
      ],
  )


BM = 2000


def _tc_scale_body(x_ref, h_ref, deg_ref, out_ref):
  dis = lax.rsqrt(deg_ref[...])
  out_ref[0] = x_ref[...] * dis
  out_ref[1] = h_ref[...] * dis


def _tc_scale(x, h, deg_col):
  return pl.pallas_call(
      _tc_scale_body,
      grid=(N // BM,),
      in_specs=[
          pl.BlockSpec((BM, D), lambda i: (i, 0)),
          pl.BlockSpec((BM, D), lambda i: (i, 0)),
          pl.BlockSpec((BM, 1), lambda i: (i, 0)),
      ],
      out_specs=pl.BlockSpec((NC, BM, D), lambda i: (0, i, 0)),
      out_shape=jax.ShapeDtypeStruct((NC, N, D), jnp.float32),
  )(x, h, deg_col)


def _tc_gates_body(acc0_ref, acc1_ref, v20_ref, v21_ref, h_ref, deg_ref,
                   w1_ref, b1_ref, w2_ref, b2_ref, t1_ref, u_ref, hrs_ref):
  dis = lax.rsqrt(deg_ref[...])
  px = (acc0_ref[0] + v20_ref[0]) * dis
  ph = (acc1_ref[0] + v21_ref[0]) * dis
  w1 = w1_ref[...]
  ru = jax.nn.sigmoid(
      jnp.dot(px, w1[:D], preferred_element_type=jnp.float32)
      + jnp.dot(ph, w1[D:], preferred_element_type=jnp.float32)
      + b1_ref[...])
  r = ru[:, :D]
  u = ru[:, D:]
  t1_ref[...] = (jnp.dot(px, w2_ref[...][:D], preferred_element_type=jnp.float32)
                 + b2_ref[...])
  u_ref[...] = u
  hrs_ref[...] = h_ref[...] * r * dis


def _tc_gates(accC, v2, h, deg_col, w1, b1, w2, b2):
  return pl.pallas_call(
      _tc_gates_body,
      grid=(N // BM,),
      in_specs=[
          pl.BlockSpec((1, BM, D), lambda i: (0, i, 0)),
          pl.BlockSpec((1, BM, D), lambda i: (1, i, 0)),
          pl.BlockSpec((1, BM, D), lambda i: (0, i, 0)),
          pl.BlockSpec((1, BM, D), lambda i: (1, i, 0)),
          pl.BlockSpec((BM, D), lambda i: (i, 0)),
          pl.BlockSpec((BM, 1), lambda i: (i, 0)),
          pl.BlockSpec((2 * D, 2 * D), lambda i: (0, 0)),
          pl.BlockSpec((2 * D,), lambda i: (0,)),
          pl.BlockSpec((2 * D, D), lambda i: (0, 0)),
          pl.BlockSpec((D,), lambda i: (0,)),
      ],
      out_specs=[
          pl.BlockSpec((BM, D), lambda i: (i, 0)),
          pl.BlockSpec((BM, D), lambda i: (i, 0)),
          pl.BlockSpec((BM, D), lambda i: (i, 0)),
      ],
      out_shape=[
          jax.ShapeDtypeStruct((N, D), jnp.float32),
          jax.ShapeDtypeStruct((N, D), jnp.float32),
          jax.ShapeDtypeStruct((N, D), jnp.float32),
      ],
  )(accC, accC, v2, v2, h, deg_col, w1, b1, w2, b2)


def _tc_out_body(accE0_ref, accE1_ref, hrs_ref, t1_ref, u_ref, h_ref, deg_ref,
                 w2_ref, out_ref):
  dis = lax.rsqrt(deg_ref[...])
  phr = (accE0_ref[0] + accE1_ref[0] + hrs_ref[...]) * dis
  c = jnp.tanh(t1_ref[...]
               + jnp.dot(phr, w2_ref[...][D:], preferred_element_type=jnp.float32))
  u = u_ref[...]
  out_ref[...] = u * h_ref[...] + (1.0 - u) * c


def _tc_out(accE, hrs, t1, u, h, deg_col, w2):
  return pl.pallas_call(
      _tc_out_body,
      grid=(N // BM,),
      in_specs=[
          pl.BlockSpec((1, BM, D), lambda i: (0, i, 0)),
          pl.BlockSpec((1, BM, D), lambda i: (1, i, 0)),
          pl.BlockSpec((BM, D), lambda i: (i, 0)),
          pl.BlockSpec((BM, D), lambda i: (i, 0)),
          pl.BlockSpec((BM, D), lambda i: (i, 0)),
          pl.BlockSpec((BM, D), lambda i: (i, 0)),
          pl.BlockSpec((BM, 1), lambda i: (i, 0)),
          pl.BlockSpec((2 * D, D), lambda i: (0, 0)),
      ],
      out_specs=pl.BlockSpec((BM, D), lambda i: (i, 0)),
      out_shape=jax.ShapeDtypeStruct((N, D), jnp.float32),
  )(accE, accE, hrs, t1, u, h, deg_col, w2)


def kernel(x, edge_index, H, W1, b1, W2, b2):
  npe = E_PAD - E
  pad_i = jnp.arange(npe, dtype=jnp.int32)
  pad = jnp.stack([(pad_i * 37) % N, N + (pad_i % (NPAD - N))])
  ei2 = jnp.concatenate(
      [edge_index.astype(jnp.int32).reshape(2, E // CHUNK, CHUNK),
       pad.reshape(2, npe // CHUNK, CHUNK)], axis=1)

  ones_v = jnp.ones((CHUNK,), jnp.float32)
  zeros_deg = jnp.zeros((DEG_T,), jnp.float32)
  zrows = jnp.zeros((ZROWS, D), jnp.float32)

  deg_parts = _make_deg_kernel()(ei2, ones_v, zeros_deg)
  deg = deg_parts.reshape(NC, DEG_PAD)[:, :N].sum(axis=0) + 1.0
  deg_col = deg[:, None]

  v2 = _tc_scale(x, H, deg_col)
  accC = _make_prop_kernel(CHUNKS_C, 0, True)(
      v2, ei2, zrows)
  t1, u, hrs = _tc_gates(accC, v2, H, deg_col, W1, b1, W2, b2)
  accE = _make_prop_kernel(CHUNKS_E, ECHUNKS // NC, False)(
      hrs, ei2, zrows)
  return _tc_out(accE, hrs, t1, u, H, deg_col, W2)

# --- scband reference (transcript-rebuilt; emitter-appended) ---
"""Pipeline reference for scband-tgcn-43903155699829 (READ-ONLY COPY).

The authoritative reference and input builder live on the scoring server;
editing this copy changes nothing except your own understanding.
"""

import jax, jax.numpy as jnp
import numpy as np

N_NODES = 10000
N_EDGES = 320000
D_IN = 128
D_OUT = 128


def gcn_conv(x, edge_index, W, b, num_nodes):
    # x: [N, F_in], GCNConv with normalize=True, add_self_loops=True, improved=False
    x = x @ W
    src = edge_index[0]
    dst = edge_index[1]
    si = jnp.arange(num_nodes, dtype=edge_index.dtype)
    src = jnp.concatenate([src, si])
    dst = jnp.concatenate([dst, si])
    w = jnp.ones(src.shape[0], dtype=x.dtype)
    deg = jax.ops.segment_sum(w, dst, num_segments=num_nodes)
    deg_inv_sqrt = jnp.where(deg > 0, 1.0 / jnp.sqrt(deg), 0.0)
    norm = deg_inv_sqrt[src] * w * deg_inv_sqrt[dst]
    msgs = x[src] * norm[:, None]
    out = jax.ops.segment_sum(msgs, dst, num_segments=num_nodes)
    return out + b


def setup_inputs(seed: int = 0) -> dict:
    key = jax.random.key(seed)
    k1, k2, k3, k4, k5 = jax.random.split(key, 5)
    x = jax.random.normal(k1, (N_NODES, D_IN), dtype=jnp.float32)
    edge_index = jax.random.randint(k2, (2, N_EDGES), 0, N_NODES, dtype=jnp.int64)
    H = jax.random.normal(k3, (N_NODES, D_OUT), dtype=jnp.float32)
    fan_in = D_IN + D_OUT
    s1 = float(np.sqrt(6.0 / (fan_in + 2 * D_OUT)))
    s2 = float(np.sqrt(6.0 / (fan_in + D_OUT)))
    W1 = jax.random.uniform(k4, (fan_in, 2 * D_OUT), minval=-s1, maxval=s1, dtype=jnp.float32)
    b1 = jnp.ones((2 * D_OUT,), dtype=jnp.float32)  # graph_conv1.bias set to ones
    W2 = jax.random.uniform(k5, (fan_in, D_OUT), minval=-s2, maxval=s2, dtype=jnp.float32)
    b2 = jnp.zeros((D_OUT,), dtype=jnp.float32)
    return {"x": x, "edge_index": edge_index, "H": H, "W1": W1, "b1": b1, "W2": W2, "b2": b2}


def reference(x, edge_index, H, W1, b1, W2, b2):
    num_nodes = x.shape[0]
    concatenation = jax.nn.sigmoid(
        gcn_conv(jnp.concatenate([x, H], axis=1), edge_index, W1, b1, num_nodes)
    )
    r, u = jnp.split(concatenation, 2, axis=1)
    c = jnp.tanh(
        gcn_conv(jnp.concatenate([x, H * r], axis=1), edge_index, W2, b2, num_nodes)
    )
    H_new = u * H + (1.0 - u) * c
    return H_new

if __name__ == "__main__":
    import jax
    _d = setup_inputs()
    print(jax.jit(kernel)(*tuple(_d.values())))

</pallas_src>

<mosaic_0001>
#map = affine_map<(d0, d1) -> (0, 0, 0)>
#map1 = affine_map<(d0, d1) -> (0)>
module attributes {stable_mosaic.version = 14 : i64} {
  func.func @_deg_body(%arg0: i32, %arg1: i32, %arg2: memref<2x2560x128xi32, #tpu.memory_space<hbm>>, %arg3: memref<128xf32, #tpu.memory_space<hbm>>, %arg4: memref<640xf32, #tpu.memory_space<hbm>>, %arg5: memref<20480xf32, #tpu.memory_space<hbm>>, %arg6: memref<80x128xi32, #tpu.memory_space<vmem>>, %arg7: memref<128xf32, #tpu.memory_space<vmem>>, %arg8: memref<10240xf32, #tpu.memory_space<vmem_shared>>, %arg9: memref<!tpu.dma_semaphore, #tpu.memory_space<semaphore_mem>>) attributes {dimension_semantics = [#tpu.dimension_semantics<core_parallel>, #tpu.dimension_semantics<subcore_parallel>], iteration_bounds = array<i64: 2, 16>, scalar_prefetch = 0 : i64, scratch_operands = 4 : i64, tpu.core_type = #tpu.core_type<sc_vector_subcore>, window_params = [{transform_indices = #map}, {transform_indices = #map1}, {transform_indices = #map1}, {transform_indices = #map1}]} {
    %mul3A = arith.constant 640 : i32
    %mul3A_0 = arith.muli %arg1, %mul3A : i32
    "tpu.region"() ({
      %run_scoped3A_17 = tpu.sem_alloc : memref<!tpu.dma_semaphore, #tpu.memory_space<semaphore_mem>>
      %dma_start3A = tpu.memref_slice %arg8[%mul3A_0] : memref<10240xf32, #tpu.memory_space<vmem_shared>> -> memref<640xf32, #tpu.memory_space<vmem_shared>>
      tpu.enqueue_dma source(%arg4 : memref<640xf32, #tpu.memory_space<hbm>>) target(%dma_start3A : memref<640xf32, #tpu.memory_space<vmem_shared>>) target_semaphore(%run_scoped3A_17 : memref<!tpu.dma_semaphore, #tpu.memory_space<semaphore_mem>>)
      %dma_wait3A = tpu.memref_slice %arg8[%mul3A_0] : memref<10240xf32, #tpu.memory_space<vmem_shared>> -> memref<640xf32, #tpu.memory_space<vmem_shared>>
      tpu.wait_dma2 semaphore(%run_scoped3A_17 : memref<!tpu.dma_semaphore, #tpu.memory_space<semaphore_mem>>) src(%arg4 : memref<640xf32, #tpu.memory_space<hbm>>) dst(%dma_wait3A : memref<640xf32, #tpu.memory_space<vmem_shared>>)
      tpu.yield
    }) : () -> ()
    "tpu.region"() ({
      %run_scoped3A_17 = tpu.sem_alloc : memref<!tpu.dma_semaphore, #tpu.memory_space<semaphore_mem>>
      tpu.enqueue_dma source(%arg3 : memref<128xf32, #tpu.memory_space<hbm>>) target(%arg7 : memref<128xf32, #tpu.memory_space<vmem>>) target_semaphore(%run_scoped3A_17 : memref<!tpu.dma_semaphore, #tpu.memory_space<semaphore_mem>>)
      tpu.wait_dma2 semaphore(%run_scoped3A_17 : memref<!tpu.dma_semaphore, #tpu.memory_space<semaphore_mem>>) src(%arg3 : memref<128xf32, #tpu.memory_space<hbm>>) dst(%arg7 : memref<128xf32, #tpu.memory_space<vmem>>)
      tpu.yield
    }) : () -> ()
    %mul3A_1 = arith.constant 16 : i32
    %mul3A_2 = arith.muli %arg0, %mul3A_1 : i32
    %add3A = arith.addi %mul3A_2, %arg1 : i32
    %mul3A_3 = arith.constant 80 : i32
    %mul3A_4 = arith.muli %add3A, %mul3A_3 : i32
    %run_scoped3A = arith.constant 1 : i32
    "tpu.region"() ({
      %run_scoped3A_17 = tpu.sem_alloc : memref<!tpu.dma_semaphore, #tpu.memory_space<semaphore_mem>>
      %dma_start3A = arith.constant 0 : i32
      %dma_start3A_18 = tpu.memref_slice %arg2[%run_scoped3A, %mul3A_4, %dma_start3A] : memref<2x2560x128xi32, #tpu.memory_space<hbm>> -> memref<1x80x128xi32, #tpu.memory_space<hbm>>
      %dma_start3A_19 = tpu.memref_squeeze %dma_start3A_18 : memref<1x80x128xi32, #tpu.memory_space<hbm>> -> memref<80x128xi32, #tpu.memory_space<hbm>>
      %dma_start3A_20 = arith.constant 0 : i32
      %dma_start3A_21 = tpu.memref_slice %arg2[%run_scoped3A, %mul3A_4, %dma_start3A_20] : memref<2x2560x128xi32, #tpu.memory_space<hbm>> -> memref<1x80x128xi32, #tpu.memory_space<hbm>>
      %dma_start3A_22 = tpu.memref_squeeze %dma_start3A_21 : memref<1x80x128xi32, #tpu.memory_space<hbm>> -> memref<80x128xi32, #tpu.memory_space<hbm>>
      tpu.enqueue_dma source(%dma_start3A_22 : memref<80x128xi32, #tpu.memory_space<hbm>>) target(%arg6 : memref<80x128xi32, #tpu.memory_space<vmem>>) target_semaphore(%run_scoped3A_17 : memref<!tpu.dma_semaphore, #tpu.memory_space<semaphore_mem>>)
      %dma_wait3A = arith.constant 0 : i32
      %dma_wait3A_23 = tpu.memref_slice %arg2[%run_scoped3A, %mul3A_4, %dma_wait3A] : memref<2x2560x128xi32, #tpu.memory_space<hbm>> -> memref<1x80x128xi32, #tpu.memory_space<hbm>>
      %dma_wait3A_24 = tpu.memref_squeeze %dma_wait3A_23 : memref<1x80x128xi32, #tpu.memory_space<hbm>> -> memref<80x128xi32, #tpu.memory_space<hbm>>
      %dma_wait3A_25 = arith.constant 0 : i32
      %dma_wait3A_26 = tpu.memref_slice %arg2[%run_scoped3A, %mul3A_4, %dma_wait3A_25] : memref<2x2560x128xi32, #tpu.memory_space<hbm>> -> memref<1x80x128xi32, #tpu.memory_space<hbm>>
      %dma_wait3A_27 = tpu.memref_squeeze %dma_wait3A_26 : memref<1x80x128xi32, #tpu.memory_space<hbm>> -> memref<80x128xi32, #tpu.memory_space<hbm>>
      tpu.wait_dma2 semaphore(%run_scoped3A_17 : memref<!tpu.dma_semaphore, #tpu.memory_space<semaphore_mem>>) src(%dma_wait3A_27 : memref<80x128xi32, #tpu.memory_space<hbm>>) dst(%arg6 : memref<80x128xi32, #tpu.memory_space<vmem>>)
      tpu.yield
    }) : () -> ()
    %barrier3A = arith.constant 0 : index
    tpu.barrier barrier_id(%barrier3A)
    %scan3A = arith.constant 0 : i32
    %scan3A_5 = arith.constant 10 : i32
    %scan3A_6 = arith.addi %scan3A, %scan3A_5 : i32
    %scan3A_7 = arith.constant 1 : i32
    scf.for %scan3A_17 = %scan3A to %scan3A_6 step %scan3A_7  : i32 {
      %mul3A_18 = arith.constant 1 : i32
      %mul3A_19 = arith.muli %scan3A_17, %mul3A_18 : i32
      %add3A_20 = arith.constant 0 : i32
      %add3A_21 = arith.addi %add3A_20, %mul3A_19 : i32
      %mul3A_22 = arith.constant 8 : i32
      %mul3A_23 = arith.muli %add3A_21, %mul3A_22 : i32
      %add3A_24 = arith.constant 0 : i32
      %add3A_25 = arith.addi %mul3A_23, %add3A_24 : i32
      %dma_start3A = arith.constant 0 : i32
      %dma_start3A_26 = tpu.memref_slice %arg6[%add3A_25, %dma_start3A] : memref<80x128xi32, #tpu.memory_space<vmem>> -> memref<1x128xi32, #tpu.memory_space<vmem>>
      %dma_start3A_27 = tpu.memref_squeeze %dma_start3A_26 : memref<1x128xi32, #tpu.memory_space<vmem>> -> memref<128xi32, #tpu.memory_space<vmem>>
      %dma_start3A_28 = arith.constant 0 : i32
      %dma_start3A_29 = tpu.memref_slice %arg8[%dma_start3A_28] : memref<10240xf32, #tpu.memory_space<vmem_shared>> -> memref<10240xf32, #tpu.memory_space<vmem_shared>>
      tpu.enqueue_indirect_dma source(%arg7 : memref<128xf32, #tpu.memory_space<vmem>>) target(%dma_start3A_29 : memref<10240xf32, #tpu.memory_space<vmem_shared>>) offsets(%dma_start3A_27 : memref<128xi32, #tpu.memory_space<vmem>>) semaphore(%arg9 : memref<!tpu.dma_semaphore, #tpu.memory_space<semaphore_mem>>) {add = true}
      %mul3A_30 = arith.constant 8 : i32
      %mul3A_31 = arith.muli %add3A_21, %mul3A_30 : i32
      %add3A_32 = arith.constant 1 : i32
      %add3A_33 = arith.addi %mul3A_31, %add3A_32 : i32
      %dma_start3A_34 = arith.constant 0 : i32
      %dma_start3A_35 = tpu.memref_slice %arg6[%add3A_33, %dma_start3A_34] : memref<80x128xi32, #tpu.memory_space<vmem>> -> memref<1x128xi32, #tpu.memory_space<vmem>>
      %dma_start3A_36 = tpu.memref_squeeze %dma_start3A_35 : memref<1x128xi32, #tpu.memory_space<vmem>> -> memref<128xi32, #tpu.memory_space<vmem>>
      %dma_start3A_37 = arith.constant 0 : i32
      %dma_start3A_38 = tpu.memref_slice %arg8[%dma_start3A_37] : memref<10240xf32, #tpu.memory_space<vmem_shared>> -> memref<10240xf32, #tpu.memory_space<vmem_shared>>
      tpu.enqueue_indirect_dma source(%arg7 : memref<128xf32, #tpu.memory_space<vmem>>) target(%dma_start3A_38 : memref<10240xf32, #tpu.memory_space<vmem_shared>>) offsets(%dma_start3A_36 : memref<128xi32, #tpu.memory_space<vmem>>) semaphore(%arg9 : memref<!tpu.dma_semaphore, #tpu.memory_space<semaphore_mem>>) {add = true}
      %mul3A_39 = arith.constant 8 : i32
      %mul3A_40 = arith.muli %add3A_21, %mul3A_39 : i32
      %add3A_41 = arith.constant 2 : i32
      %add3A_42 = arith.addi %mul3A_40, %add3A_41 : i32
      %dma_start3A_43 = arith.constant 0 : i32
      %dma_start3A_44 = tpu.memref_slice %arg6[%add3A_42, %dma_start3A_43] : memref<80x128xi32, #tpu.memory_space<vmem>> -> memref<1x128xi32, #tpu.memory_space<vmem>>
      %dma_start3A_45 = tpu.memref_squeeze %dma_start3A_44 : memref<1x128xi32, #tpu.memory_space<vmem>> -> memref<128xi32, #tpu.memory_space<vmem>>
      %dma_start3A_46 = arith.constant 0 : i32
      %dma_start3A_47 = tpu.memref_slice %arg8[%dma_start3A_46] : memref<10240xf32, #tpu.memory_space<vmem_shared>> -> memref<10240xf32, #tpu.memory_space<vmem_shared>>
      tpu.enqueue_indirect_dma source(%arg7 : memref<128xf32, #tpu.memory_space<vmem>>) target(%dma_start3A_47 : memref<10240xf32, #tpu.memory_space<vmem_shared>>) offsets(%dma_start3A_45 : memref<128xi32, #tpu.memory_space<vmem>>) semaphore(%arg9 : memref<!tpu.dma_semaphore, #tpu.memory_space<semaphore_mem>>) {add = true}
      %mul3A_48 = arith.constant 8 : i32
      %mul3A_49 = arith.muli %add3A_21, %mul3A_48 : i32
      %add3A_50 = arith.constant 3 : i32
      %add3A_51 = arith.addi %mul3A_49, %add3A_50 : i32
      %dma_start3A_52 = arith.constant 0 : i32
      %dma_start3A_53 = tpu.memref_slice %arg6[%add3A_51, %dma_start3A_52] : memref<80x128xi32, #tpu.memory_space<vmem>> -> memref<1x128xi32, #tpu.memory_space<vmem>>
      %dma_start3A_54 = tpu.memref_squeeze %dma_start3A_53 : memref<1x128xi32, #tpu.memory_space<vmem>> -> memref<128xi32, #tpu.memory_space<vmem>>
      %dma_start3A_55 = arith.constant 0 : i32
      %dma_start3A_56 = tpu.memref_slice %arg8[%dma_start3A_55] : memref<10240xf32, #tpu.memory_space<vmem_shared>> -> memref<10240xf32, #tpu.memory_space<vmem_shared>>
      tpu.enqueue_indirect_dma source(%arg7 : memref<128xf32, #tpu.memory_space<vmem>>) target(%dma_start3A_56 : memref<10240xf32, #tpu.memory_space<vmem_shared>>) offsets(%dma_start3A_54 : memref<128xi32, #tpu.memory_space<vmem>>) semaphore(%arg9 : memref<!tpu.dma_semaphore, #tpu.memory_space<semaphore_mem>>) {add = true}
      %mul3A_57 = arith.constant 8 : i32
      %mul3A_58 = arith.muli %add3A_21, %mul3A_57 : i32
      %add3A_59 = arith.constant 4 : i32
      %add3A_60 = arith.addi %mul3A_58, %add3A_59 : i32
      %dma_start3A_61 = arith.constant 0 : i32
      %dma_start3A_62 = tpu.memref_slice %arg6[%add3A_60, %dma_start3A_61] : memref<80x128xi32, #tpu.memory_space<vmem>> -> memref<1x128xi32, #tpu.memory_space<vmem>>
      %dma_start3A_63 = tpu.memref_squeeze %dma_start3A_62 : memref<1x128xi32, #tpu.memory_space<vmem>> -> memref<128xi32, #tpu.memory_space<vmem>>
      %dma_start3A_64 = arith.constant 0 : i32
      %dma_start3A_65 = tpu.memref_slice %arg8[%dma_start3A_64] : memref<10240xf32, #tpu.memory_space<vmem_shared>> -> memref<10240xf32, #tpu.memory_space<vmem_shared>>
      tpu.enqueue_indirect_dma source(%arg7 : memref<128xf32, #tpu.memory_space<vmem>>) target(%dma_start3A_65 : memref<10240xf32, #tpu.memory_space<vmem_shared>>) offsets(%dma_start3A_63 : memref<128xi32, #tpu.memory_space<vmem>>) semaphore(%arg9 : memref<!tpu.dma_semaphore, #tpu.memory_space<semaphore_mem>>) {add = true}
      %mul3A_66 = arith.constant 8 : i32
      %mul3A_67 = arith.muli %add3A_21, %mul3A_66 : i32
      %add3A_68 = arith.constant 5 : i32
      %add3A_69 = arith.addi %mul3A_67, %add3A_68 : i32
      %dma_start3A_70 = arith.constant 0 : i32
      %dma_start3A_71 = tpu.memref_slice %arg6[%add3A_69, %dma_start3A_70] : memref<80x128xi32, #tpu.memory_space<vmem>> -> memref<1x128xi32, #tpu.memory_space<vmem>>
      %dma_start3A_72 = tpu.memref_squeeze %dma_start3A_71 : memref<1x128xi32, #tpu.memory_space<vmem>> -> memref<128xi32, #tpu.memory_space<vmem>>
      %dma_start3A_73 = arith.constant 0 : i32
      %dma_start3A_74 = tpu.memref_slice %arg8[%dma_start3A_73] : memref<10240xf32, #tpu.memory_space<vmem_shared>> -> memref<10240xf32, #tpu.memory_space<vmem_shared>>
      tpu.enqueue_indirect_dma source(%arg7 : memref<128xf32, #tpu.memory_space<vmem>>) target(%dma_start3A_74 : memref<10240xf32, #tpu.memory_space<vmem_shared>>) offsets(%dma_start3A_72 : memref<128xi32, #tpu.memory_space<vmem>>) semaphore(%arg9 : memref<!tpu.dma_semaphore, #tpu.memory_space<semaphore_mem>>) {add = true}
      %mul3A_75 = arith.constant 8 : i32
      %mul3A_76 = arith.muli %add3A_21, %mul3A_75 : i32
      %add3A_77 = arith.constant 6 : i32
      %add3A_78 = arith.addi %mul3A_76, %add3A_77 : i32
      %dma_start3A_79 = arith.constant 0 : i32
      %dma_start3A_80 = tpu.memref_slice %arg6[%add3A_78, %dma_start3A_79] : memref<80x128xi32, #tpu.memory_space<vmem>> -> memref<1x128xi32, #tpu.memory_space<vmem>>
      %dma_start3A_81 = tpu.memref_squeeze %dma_start3A_80 : memref<1x128xi32, #tpu.memory_space<vmem>> -> memref<128xi32, #tpu.memory_space<vmem>>
      %dma_start3A_82 = arith.constant 0 : i32
      %dma_start3A_83 = tpu.memref_slice %arg8[%dma_start3A_82] : memref<10240xf32, #tpu.memory_space<vmem_shared>> -> memref<10240xf32, #tpu.memory_space<vmem_shared>>
      tpu.enqueue_indirect_dma source(%arg7 : memref<128xf32, #tpu.memory_space<vmem>>) target(%dma_start3A_83 : memref<10240xf32, #tpu.memory_space<vmem_shared>>) offsets(%dma_start3A_81 : memref<128xi32, #tpu.memory_space<vmem>>) semaphore(%arg9 : memref<!tpu.dma_semaphore, #tpu.memory_space<semaphore_mem>>) {add = true}
      %mul3A_84 = arith.constant 8 : i32
      %mul3A_85 = arith.muli %add3A_21, %mul3A_84 : i32
      %add3A_86 = arith.constant 7 : i32
      %add3A_87 = arith.addi %mul3A_85, %add3A_86 : i32
      %dma_start3A_88 = arith.constant 0 : i32
      %dma_start3A_89 = tpu.memref_slice %arg6[%add3A_87, %dma_start3A_88] : memref<80x128xi32, #tpu.memory_space<vmem>> -> memref<1x128xi32, #tpu.memory_space<vmem>>
      %dma_start3A_90 = tpu.memref_squeeze %dma_start3A_89 : memref<1x128xi32, #tpu.memory_space<vmem>> -> memref<128xi32, #tpu.memory_space<vmem>>
      %dma_start3A_91 = arith.constant 0 : i32
      %dma_start3A_92 = tpu.memref_slice %arg8[%dma_start3A_91] : memref<10240xf32, #tpu.memory_space<vmem_shared>> -> memref<10240xf32, #tpu.memory_space<vmem_shared>>
      tpu.enqueue_indirect_dma source(%arg7 : memref<128xf32, #tpu.memory_space<vmem>>) target(%dma_start3A_92 : memref<10240xf32, #tpu.memory_space<vmem_shared>>) offsets(%dma_start3A_90 : memref<128xi32, #tpu.memory_space<vmem>>) semaphore(%arg9 : memref<!tpu.dma_semaphore, #tpu.memory_space<semaphore_mem>>) {add = true}
      %mul3A_93 = arith.constant 8 : i32
      %mul3A_94 = arith.muli %add3A_21, %mul3A_93 : i32
      %add3A_95 = arith.constant 0 : i32
      %add3A_96 = arith.addi %mul3A_94, %add3A_95 : i32
      %dma_wait3A = arith.constant 0 : i32
      %dma_wait3A_97 = tpu.memref_slice %arg6[%add3A_96, %dma_wait3A] : memref<80x128xi32, #tpu.memory_space<vmem>> -> memref<1x128xi32, #tpu.memory_space<vmem>>
      %dma_wait3A_98 = tpu.memref_squeeze %dma_wait3A_97 : memref<1x128xi32, #tpu.memory_space<vmem>> -> memref<128xi32, #tpu.memory_space<vmem>>
      %dma_wait3A_99 = arith.constant 0 : i32
      %dma_wait3A_100 = tpu.memref_slice %arg8[%dma_wait3A_99] : memref<10240xf32, #tpu.memory_space<vmem_shared>> -> memref<10240xf32, #tpu.memory_space<vmem_shared>>
      tpu.wait_indirect_dma semaphore(%arg9 : memref<!tpu.dma_semaphore, #tpu.memory_space<semaphore_mem>>) src(%arg7 : memref<128xf32, #tpu.memory_space<vmem>>) dst(%dma_wait3A_100 : memref<10240xf32, #tpu.memory_space<vmem_shared>>)
      %mul3A_101 = arith.constant 8 : i32
      %mul3A_102 = arith.muli %add3A_21, %mul3A_101 : i32
      %add3A_103 = arith.constant 1 : i32
      %add3A_104 = arith.addi %mul3A_102, %add3A_103 : i32
      %dma_wait3A_105 = arith.constant 0 : i32
      %dma_wait3A_106 = tpu.memref_slice %arg6[%add3A_104, %dma_wait3A_105] : memref<80x128xi32, #tpu.memory_space<vmem>> -> memref<1x128xi32, #tpu.memory_space<vmem>>
      %dma_wait3A_107 = tpu.memref_squeeze %dma_wait3A_106 : memref<1x128xi32, #tpu.memory_space<vmem>> -> memref<128xi32, #tpu.memory_space<vmem>>
      %dma_wait3A_108 = arith.constant 0 : i32
      %dma_wait3A_109 = tpu.memref_slice %arg8[%dma_wait3A_108] : memref<10240xf32, #tpu.memory_space<vmem_shared>> -> memref<10240xf32, #tpu.memory_space<vmem_shared>>
      tpu.wait_indirect_dma semaphore(%arg9 : memref<!tpu.dma_semaphore, #tpu.memory_space<semaphore_mem>>) src(%arg7 : memref<128xf32, #tpu.memory_space<vmem>>) dst(%dma_wait3A_109 : memref<10240xf32, #tpu.memory_space<vmem_shared>>)
      %mul3A_110 = arith.constant 8 : i32
      %mul3A_111 = arith.muli %add3A_21, %mul3A_110 : i32
      %add3A_112 = arith.constant 2 : i32
      %add3A_113 = arith.addi %mul3A_111, %add3A_112 : i32
      %dma_wait3A_114 = arith.constant 0 : i32
      %dma_wait3A_115 = tpu.memref_slice %arg6[%add3A_113, %dma_wait3A_114] : memref<80x128xi32, #tpu.memory_space<vmem>> -> memref<1x128xi32, #tpu.memory_space<vmem>>
      %dma_wait3A_116 = tpu.memref_squeeze %dma_wait3A_115 : memref<1x128xi32, #tpu.memory_space<vmem>> -> memref<128xi32, #tpu.memory_space<vmem>>
      %dma_wait3A_117 = arith.constant 0 : i32
      %dma_wait3A_118 = tpu.memref_slice %arg8[%dma_wait3A_117] : memref<10240xf32, #tpu.memory_space<vmem_shared>> -> memref<10240xf32, #tpu.memory_space<vmem_shared>>
      tpu.wait_indirect_dma semaphore(%arg9 : memref<!tpu.dma_semaphore, #tpu.memory_space<semaphore_mem>>) src(%arg7 : memref<128xf32, #tpu.memory_space<vmem>>) dst(%dma_wait3A_118 : memref<10240xf32, #tpu.memory_space<vmem_shared>>)
      %mul3A_119 = arith.constant 8 : i32
      %mul3A_120 = arith.muli %add3A_21, %mul3A_119 : i32
      %add3A_121 = arith.constant 3 : i32
      %add3A_122 = arith.addi %mul3A_120, %add3A_121 : i32
      %dma_wait3A_123 = arith.constant 0 : i32
      %dma_wait3A_124 = tpu.memref_slice %arg6[%add3A_122, %dma_wait3A_123] : memref<80x128xi32, #tpu.memory_space<vmem>> -> memref<1x128xi32, #tpu.memory_space<vmem>>
      %dma_wait3A_125 = tpu.memref_squeeze %dma_wait3A_124 : memref<1x128xi32, #tpu.memory_space<vmem>> -> memref<128xi32, #tpu.memory_space<vmem>>
      %dma_wait3A_126 = arith.constant 0 : i32
      %dma_wait3A_127 = tpu.memref_slice %arg8[%dma_wait3A_126] : memref<10240xf32, #tpu.memory_space<vmem_shared>> -> memref<10240xf32, #tpu.memory_space<vmem_shared>>
      tpu.wait_indirect_dma semaphore(%arg9 : memref<!tpu.dma_semaphore, #tpu.memory_space<semaphore_mem>>) src(%arg7 : memref<128xf32, #tpu.memory_space<vmem>>) dst(%dma_wait3A_127 : memref<10240xf32, #tpu.memory_space<vmem_shared>>)
      %mul3A_128 = arith.constant 8 : i32
      %mul3A_129 = arith.muli %add3A_21, %mul3A_128 : i32
      %add3A_130 = arith.constant 4 : i32
      %add3A_131 = arith.addi %mul3A_129, %add3A_130 : i32
      %dma_wait3A_132 = arith.constant 0 : i32
      %dma_wait3A_133 = tpu.memref_slice %arg6[%add3A_131, %dma_wait3A_132] : memref<80x128xi32, #tpu.memory_space<vmem>> -> memref<1x128xi32, #tpu.memory_space<vmem>>
      %dma_wait3A_134 = tpu.memref_squeeze %dma_wait3A_133 : memref<1x128xi32, #tpu.memory_space<vmem>> -> memref<128xi32, #tpu.memory_space<vmem>>
      %dma_wait3A_135 = arith.constant 0 : i32
      %dma_wait3A_136 = tpu.memref_slice %arg8[%dma_wait3A_135] : memref<10240xf32, #tpu.memory_space<vmem_shared>> -> memref<10240xf32, #tpu.memory_space<vmem_shared>>
      tpu.wait_indirect_dma semaphore(%arg9 : memref<!tpu.dma_semaphore, #tpu.memory_space<semaphore_mem>>) src(%arg7 : memref<128xf32, #tpu.memory_space<vmem>>) dst(%dma_wait3A_136 : memref<10240xf32, #tpu.memory_space<vmem_shared>>)
      %mul3A_137 = arith.constant 8 : i32
      %mul3A_138 = arith.muli %add3A_21, %mul3A_137 : i32
      %add3A_139 = arith.constant 5 : i32
      %add3A_140 = arith.addi %mul3A_138, %add3A_139 : i32
      %dma_wait3A_141 = arith.constant 0 : i32
      %dma_wait3A_142 = tpu.memref_slice %arg6[%add3A_140, %dma_wait3A_141] : memref<80x128xi32, #tpu.memory_space<vmem>> -> memref<1x128xi32, #tpu.memory_space<vmem>>
      %dma_wait3A_143 = tpu.memref_squeeze %dma_wait3A_142 : memref<1x128xi32, #tpu.memory_space<vmem>> -> memref<128xi32, #tpu.memory_space<vmem>>
      %dma_wait3A_144 = arith.constant 0 : i32
      %dma_wait3A_145 = tpu.memref_slice %arg8[%dma_wait3A_144] : memref<10240xf32, #tpu.memory_space<vmem_shared>> -> memref<10240xf32, #tpu.memory_space<vmem_shared>>
      tpu.wait_indirect_dma semaphore(%arg9 : memref<!tpu.dma_semaphore, #tpu.memory_space<semaphore_mem>>) src(%arg7 : memref<128xf32, #tpu.memory_space<vmem>>) dst(%dma_wait3A_145 : memref<10240xf32, #tpu.memory_space<vmem_shared>>)
      %mul3A_146 = arith.constant 8 : i32
      %mul3A_147 = arith.muli %add3A_21, %mul3A_146 : i32
      %add3A_148 = arith.constant 6 : i32
      %add3A_149 = arith.addi %mul3A_147, %add3A_148 : i32
      %dma_wait3A_150 = arith.constant 0 : i32
      %dma_wait3A_151 = tpu.memref_slice %arg6[%add3A_149, %dma_wait3A_150] : memref<80x128xi32, #tpu.memory_space<vmem>> -> memref<1x128xi32, #tpu.memory_space<vmem>>
      %dma_wait3A_152 = tpu.memref_squeeze %dma_wait3A_151 : memref<1x128xi32, #tpu.memory_space<vmem>> -> memref<128xi32, #tpu.memory_space<vmem>>
      %dma_wait3A_153 = arith.constant 0 : i32
      %dma_wait3A_154 = tpu.memref_slice %arg8[%dma_wait3A_153] : memref<10240xf32, #tpu.memory_space<vmem_shared>> -> memref<10240xf32, #tpu.memory_space<vmem_shared>>
      tpu.wait_indirect_dma semaphore(%arg9 : memref<!tpu.dma_semaphore, #tpu.memory_space<semaphore_mem>>) src(%arg7 : memref<128xf32, #tpu.memory_space<vmem>>) dst(%dma_wait3A_154 : memref<10240xf32, #tpu.memory_space<vmem_shared>>)
      %mul3A_155 = arith.constant 8 : i32
      %mul3A_156 = arith.muli %add3A_21, %mul3A_155 : i32
      %add3A_157 = arith.constant 7 : i32
      %add3A_158 = arith.addi %mul3A_156, %add3A_157 : i32
      %dma_wait3A_159 = arith.constant 0 : i32
      %dma_wait3A_160 = tpu.memref_slice %arg6[%add3A_158, %dma_wait3A_159] : memref<80x128xi32, #tpu.memory_space<vmem>> -> memref<1x128xi32, #tpu.memory_space<vmem>>
      %dma_wait3A_161 = tpu.memref_squeeze %dma_wait3A_160 : memref<1x128xi32, #tpu.memory_space<vmem>> -> memref<128xi32, #tpu.memory_space<vmem>>
      %dma_wait3A_162 = arith.constant 0 : i32
      %dma_wait3A_163 = tpu.memref_slice %arg8[%dma_wait3A_162] : memref<10240xf32, #tpu.memory_space<vmem_shared>> -> memref<10240xf32, #tpu.memory_space<vmem_shared>>
      tpu.wait_indirect_dma semaphore(%arg9 : memref<!tpu.dma_semaphore, #tpu.memory_space<semaphore_mem>>) src(%arg7 : memref<128xf32, #tpu.memory_space<vmem>>) dst(%dma_wait3A_163 : memref<10240xf32, #tpu.memory_space<vmem_shared>>)
    }
    %scan3A_8 = arith.constant 10 : i32
    %barrier3A_9 = arith.constant 0 : index
    tpu.barrier barrier_id(%barrier3A_9)
    %mul3A_10 = arith.constant 640 : i32
    %mul3A_11 = arith.muli %arg1, %mul3A_10 : i32
    %mul3A_12 = arith.constant 16 : i32
    %mul3A_13 = arith.muli %arg0, %mul3A_12 : i32
    %add3A_14 = arith.addi %mul3A_13, %arg1 : i32
    %mul3A_15 = arith.constant 640 : i32
    %mul3A_16 = arith.muli %add3A_14, %mul3A_15 : i32
    "tpu.region"() ({
      %run_scoped3A_17 = tpu.sem_alloc : memref<!tpu.dma_semaphore, #tpu.memory_space<semaphore_mem>>
      %dma_start3A = tpu.memref_slice %arg5[%mul3A_16] : memref<20480xf32, #tpu.memory_space<hbm>> -> memref<640xf32, #tpu.memory_space<hbm>>
      %dma_start3A_18 = tpu.memref_slice %arg8[%mul3A_11] : memref<10240xf32, #tpu.memory_space<vmem_shared>> -> memref<640xf32, #tpu.memory_space<vmem_shared>>
      tpu.enqueue_dma source(%dma_start3A_18 : memref<640xf32, #tpu.memory_space<vmem_shared>>) target(%dma_start3A : memref<640xf32, #tpu.memory_space<hbm>>) target_semaphore(%run_scoped3A_17 : memref<!tpu.dma_semaphore, #tpu.memory_space<semaphore_mem>>)
      %dma_wait3A = tpu.memref_slice %arg5[%mul3A_16] : memref<20480xf32, #tpu.memory_space<hbm>> -> memref<640xf32, #tpu.memory_space<hbm>>
      %dma_wait3A_19 = tpu.memref_slice %arg8[%mul3A_11] : memref<10240xf32, #tpu.memory_space<vmem_shared>> -> memref<640xf32, #tpu.memory_space<vmem_shared>>
      tpu.wait_dma2 semaphore(%run_scoped3A_17 : memref<!tpu.dma_semaphore, #tpu.memory_space<semaphore_mem>>) src(%dma_wait3A_19 : memref<640xf32, #tpu.memory_space<vmem_shared>>) dst(%dma_wait3A : memref<640xf32, #tpu.memory_space<hbm>>)
      tpu.yield
    }) : () -> ()
    return
  }
}

#map = affine_map<(d0, d1) -> (0, 0, 0)>
#map1 = affine_map<(d0, d1) -> (0, 0)>
module attributes {stable_mosaic.version = 14 : i64} {
  func.func @_prop_body(%arg0: i32, %arg1: i32, %arg2: memref<2x10000x128xf32, #tpu.memory_space<hbm>>, %arg3: memref<2x2560x128xi32, #tpu.memory_space<hbm>>, %arg4: memref<640x128xf32, #tpu.memory_space<hbm>>, %arg5: memref<2x10240x128xf32, #tpu.memory_space<hbm>>, %arg6: memref<2x16x128xi32, #tpu.memory_space<vmem>>, %arg7: memref<2x16x128xi32, #tpu.memory_space<vmem>>, %arg8: memref<2x128x128xf32, #tpu.memory_space<vmem>>, %arg9: memref<10240x128xf32, #tpu.memory_space<vmem_shared>>, %arg10: memref<!tpu.dma_semaphore, #tpu.memory_space<semaphore_mem>>, %arg11: memref<!tpu.dma_semaphore, #tpu.memory_space<semaphore_mem>>) attributes {dimension_semantics = [#tpu.dimension_semantics<core_parallel>, #tpu.dimension_semantics<subcore_parallel>], iteration_bounds = array<i64: 2, 16>, scalar_prefetch = 0 : i64, scratch_operands = 6 : i64, tpu.core_type = #tpu.core_type<sc_vector_subcore>, window_params = [{transform_indices = #map}, {transform_indices = #map}, {transform_indices = #map1}, {transform_indices = #map}]} {
    %mul3A = arith.constant 640 : i32
    %mul3A_0 = arith.muli %arg1, %mul3A : i32
    "tpu.region"() ({
      %run_scoped3A_50 = tpu.sem_alloc : memref<!tpu.dma_semaphore, #tpu.memory_space<semaphore_mem>>
      %dma_start3A_51 = arith.constant 0 : i32
      %dma_start3A_52 = tpu.memref_slice %arg9[%mul3A_0, %dma_start3A_51] : memref<10240x128xf32, #tpu.memory_space<vmem_shared>> -> memref<640x128xf32, #tpu.memory_space<vmem_shared>>
      tpu.enqueue_dma source(%arg4 : memref<640x128xf32, #tpu.memory_space<hbm>>) target(%dma_start3A_52 : memref<640x128xf32, #tpu.memory_space<vmem_shared>>) target_semaphore(%run_scoped3A_50 : memref<!tpu.dma_semaphore, #tpu.memory_space<semaphore_mem>>)
      %dma_wait3A = arith.constant 0 : i32
      %dma_wait3A_53 = tpu.memref_slice %arg9[%mul3A_0, %dma_wait3A] : memref<10240x128xf32, #tpu.memory_space<vmem_shared>> -> memref<640x128xf32, #tpu.memory_space<vmem_shared>>
      tpu.wait_dma2 semaphore(%run_scoped3A_50 : memref<!tpu.dma_semaphore, #tpu.memory_space<semaphore_mem>>) src(%arg4 : memref<640x128xf32, #tpu.memory_space<hbm>>) dst(%dma_wait3A_53 : memref<640x128xf32, #tpu.memory_space<vmem_shared>>)
      tpu.yield
    }) : () -> ()
    %mul3A_1 = arith.constant 0 : i32
    %mul3A_2 = arith.muli %arg0, %mul3A_1 : i32
    %mul3A_3 = arith.constant 160 : i32
    %mul3A_4 = arith.muli %arg1, %mul3A_3 : i32
    %add3A = arith.addi %mul3A_2, %mul3A_4 : i32
    %barrier3A = arith.constant 0 : index
    tpu.barrier barrier_id(%barrier3A)
    %run_scoped3A = arith.constant 0 : i32
    %run_scoped3A_5 = arith.constant 0 : i32
    "tpu.region"() ({
      %run_scoped3A_50 = tpu.sem_alloc : memref<!tpu.dma_semaphore, #tpu.memory_space<semaphore_mem>>
      %dma_start3A_51 = arith.constant 0 : i32
      %dma_start3A_52 = arith.constant 0 : i32
      %dma_start3A_53 = tpu.memref_slice %arg6[%run_scoped3A_5, %dma_start3A_51, %dma_start3A_52] : memref<2x16x128xi32, #tpu.memory_space<vmem>> -> memref<1x16x128xi32, #tpu.memory_space<vmem>>
      %dma_start3A_54 = tpu.memref_squeeze %dma_start3A_53 : memref<1x16x128xi32, #tpu.memory_space<vmem>> -> memref<16x128xi32, #tpu.memory_space<vmem>>
      %dma_start3A_55 = arith.constant 0 : i32
      %dma_start3A_56 = tpu.memref_slice %arg3[%run_scoped3A, %add3A, %dma_start3A_55] : memref<2x2560x128xi32, #tpu.memory_space<hbm>> -> memref<1x16x128xi32, #tpu.memory_space<hbm>>
      %dma_start3A_57 = tpu.memref_squeeze %dma_start3A_56 : memref<1x16x128xi32, #tpu.memory_space<hbm>> -> memref<16x128xi32, #tpu.memory_space<hbm>>
      %dma_start3A_58 = arith.constant 0 : i32
      %dma_start3A_59 = arith.constant 0 : i32
      %dma_start3A_60 = tpu.memref_slice %arg6[%run_scoped3A_5, %dma_start3A_58, %dma_start3A_59] : memref<2x16x128xi32, #tpu.memory_space<vmem>> -> memref<1x16x128xi32, #tpu.memory_space<vmem>>
      %dma_start3A_61 = tpu.memref_squeeze %dma_start3A_60 : memref<1x16x128xi32, #tpu.memory_space<vmem>> -> memref<16x128xi32, #tpu.memory_space<vmem>>
      %dma_start3A_62 = arith.constant 0 : i32
      %dma_start3A_63 = tpu.memref_slice %arg3[%run_scoped3A, %add3A, %dma_start3A_62] : memref<2x2560x128xi32, #tpu.memory_space<hbm>> -> memref<1x16x128xi32, #tpu.memory_space<hbm>>
      %dma_start3A_64 = tpu.memref_squeeze %dma_start3A_63 : memref<1x16x128xi32, #tpu.memory_space<hbm>> -> memref<16x128xi32, #tpu.memory_space<hbm>>
      tpu.enqueue_dma source(%dma_start3A_64 : memref<16x128xi32, #tpu.memory_space<hbm>>) target(%dma_start3A_61 : memref<16x128xi32, #tpu.memory_space<vmem>>) target_semaphore(%run_scoped3A_50 : memref<!tpu.dma_semaphore, #tpu.memory_space<semaphore_mem>>)
      %dma_wait3A = arith.constant 0 : i32
      %dma_wait3A_65 = arith.constant 0 : i32
      %dma_wait3A_66 = tpu.memref_slice %arg6[%run_scoped3A_5, %dma_wait3A, %dma_wait3A_65] : memref<2x16x128xi32, #tpu.memory_space<vmem>> -> memref<1x16x128xi32, #tpu.memory_space<vmem>>
      %dma_wait3A_67 = tpu.memref_squeeze %dma_wait3A_66 : memref<1x16x128xi32, #tpu.memory_space<vmem>> -> memref<16x128xi32, #tpu.memory_space<vmem>>
      %dma_wait3A_68 = arith.constant 0 : i32
      %dma_wait3A_69 = tpu.memref_slice %arg3[%run_scoped3A, %add3A, %dma_wait3A_68] : memref<2x2560x128xi32, #tpu.memory_space<hbm>> -> memref<1x16x128xi32, #tpu.memory_space<hbm>>
      %dma_wait3A_70 = tpu.memref_squeeze %dma_wait3A_69 : memref<1x16x128xi32, #tpu.memory_space<hbm>> -> memref<16x128xi32, #tpu.memory_space<hbm>>
      %dma_wait3A_71 = arith.constant 0 : i32
      %dma_wait3A_72 = arith.constant 0 : i32
      %dma_wait3A_73 = tpu.memref_slice %arg6[%run_scoped3A_5, %dma_wait3A_71, %dma_wait3A_72] : memref<2x16x128xi32, #tpu.memory_space<vmem>> -> memref<1x16x128xi32, #tpu.memory_space<vmem>>
      %dma_wait3A_74 = tpu.memref_squeeze %dma_wait3A_73 : memref<1x16x128xi32, #tpu.memory_space<vmem>> -> memref<16x128xi32, #tpu.memory_space<vmem>>
      %dma_wait3A_75 = arith.constant 0 : i32
      %dma_wait3A_76 = tpu.memref_slice %arg3[%run_scoped3A, %add3A, %dma_wait3A_75] : memref<2x2560x128xi32, #tpu.memory_space<hbm>> -> memref<1x16x128xi32, #tpu.memory_space<hbm>>
      %dma_wait3A_77 = tpu.memref_squeeze %dma_wait3A_76 : memref<1x16x128xi32, #tpu.memory_space<hbm>> -> memref<16x128xi32, #tpu.memory_space<hbm>>
      tpu.wait_dma2 semaphore(%run_scoped3A_50 : memref<!tpu.dma_semaphore, #tpu.memory_space<semaphore_mem>>) src(%dma_wait3A_77 : memref<16x128xi32, #tpu.memory_space<hbm>>) dst(%dma_wait3A_74 : memref<16x128xi32, #tpu.memory_space<vmem>>)
      tpu.yield
    }) : () -> ()
    %run_scoped3A_6 = arith.constant 1 : i32
    %run_scoped3A_7 = arith.constant 0 : i32
    "tpu.region"() ({
      %run_scoped3A_50 = tpu.sem_alloc : memref<!tpu.dma_semaphore, #tpu.memory_space<semaphore_mem>>
      %dma_start3A_51 = arith.constant 0 : i32
      %dma_start3A_52 = arith.constant 0 : i32
      %dma_start3A_53 = tpu.memref_slice %arg7[%run_scoped3A_7, %dma_start3A_51, %dma_start3A_52] : memref<2x16x128xi32, #tpu.memory_space<vmem>> -> memref<1x16x128xi32, #tpu.memory_space<vmem>>
      %dma_start3A_54 = tpu.memref_squeeze %dma_start3A_53 : memref<1x16x128xi32, #tpu.memory_space<vmem>> -> memref<16x128xi32, #tpu.memory_space<vmem>>
      %dma_start3A_55 = arith.constant 0 : i32
      %dma_start3A_56 = tpu.memref_slice %arg3[%run_scoped3A_6, %add3A, %dma_start3A_55] : memref<2x2560x128xi32, #tpu.memory_space<hbm>> -> memref<1x16x128xi32, #tpu.memory_space<hbm>>
      %dma_start3A_57 = tpu.memref_squeeze %dma_start3A_56 : memref<1x16x128xi32, #tpu.memory_space<hbm>> -> memref<16x128xi32, #tpu.memory_space<hbm>>
      %dma_start3A_58 = arith.constant 0 : i32
      %dma_start3A_59 = arith.constant 0 : i32
      %dma_start3A_60 = tpu.memref_slice %arg7[%run_scoped3A_7, %dma_start3A_58, %dma_start3A_59] : memref<2x16x128xi32, #tpu.memory_space<vmem>> -> memref<1x16x128xi32, #tpu.memory_space<vmem>>
      %dma_start3A_61 = tpu.memref_squeeze %dma_start3A_60 : memref<1x16x128xi32, #tpu.memory_space<vmem>> -> memref<16x128xi32, #tpu.memory_space<vmem>>
      %dma_start3A_62 = arith.constant 0 : i32
      %dma_start3A_63 = tpu.memref_slice %arg3[%run_scoped3A_6, %add3A, %dma_start3A_62] : memref<2x2560x128xi32, #tpu.memory_space<hbm>> -> memref<1x16x128xi32, #tpu.memory_space<hbm>>
      %dma_start3A_64 = tpu.memref_squeeze %dma_start3A_63 : memref<1x16x128xi32, #tpu.memory_space<hbm>> -> memref<16x128xi32, #tpu.memory_space<hbm>>
      tpu.enqueue_dma source(%dma_start3A_64 : memref<16x128xi32, #tpu.memory_space<hbm>>) target(%dma_start3A_61 : memref<16x128xi32, #tpu.memory_space<vmem>>) target_semaphore(%run_scoped3A_50 : memref<!tpu.dma_semaphore, #tpu.memory_space<semaphore_mem>>)
      %dma_wait3A = arith.constant 0 : i32
      %dma_wait3A_65 = arith.constant 0 : i32
      %dma_wait3A_66 = tpu.memref_slice %arg7[%run_scoped3A_7, %dma_wait3A, %dma_wait3A_65] : memref<2x16x128xi32, #tpu.memory_space<vmem>> -> memref<1x16x128xi32, #tpu.memory_space<vmem>>
      %dma_wait3A_67 = tpu.memref_squeeze %dma_wait3A_66 : memref<1x16x128xi32, #tpu.memory_space<vmem>> -> memref<16x128xi32, #tpu.memory_space<vmem>>
      %dma_wait3A_68 = arith.constant 0 : i32
      %dma_wait3A_69 = tpu.memref_slice %arg3[%run_scoped3A_6, %add3A, %dma_wait3A_68] : memref<2x2560x128xi32, #tpu.memory_space<hbm>> -> memref<1x16x128xi32, #tpu.memory_space<hbm>>
      %dma_wait3A_70 = tpu.memref_squeeze %dma_wait3A_69 : memref<1x16x128xi32, #tpu.memory_space<hbm>> -> memref<16x128xi32, #tpu.memory_space<hbm>>
      %dma_wait3A_71 = arith.constant 0 : i32
      %dma_wait3A_72 = arith.constant 0 : i32
      %dma_wait3A_73 = tpu.memref_slice %arg7[%run_scoped3A_7, %dma_wait3A_71, %dma_wait3A_72] : memref<2x16x128xi32, #tpu.memory_space<vmem>> -> memref<1x16x128xi32, #tpu.memory_space<vmem>>
      %dma_wait3A_74 = tpu.memref_squeeze %dma_wait3A_73 : memref<1x16x128xi32, #tpu.memory_space<vmem>> -> memref<16x128xi32, #tpu.memory_space<vmem>>
      %dma_wait3A_75 = arith.constant 0 : i32
      %dma_wait3A_76 = tpu.memref_slice %arg3[%run_scoped3A_6, %add3A, %dma_wait3A_75] : memref<2x2560x128xi32, #tpu.memory_space<hbm>> -> memref<1x16x128xi32, #tpu.memory_space<hbm>>
      %dma_wait3A_77 = tpu.memref_squeeze %dma_wait3A_76 : memref<1x16x128xi32, #tpu.memory_space<hbm>> -> memref<16x128xi32, #tpu.memory_space<hbm>>
      tpu.wait_dma2 semaphore(%run_scoped3A_50 : memref<!tpu.dma_semaphore, #tpu.memory_space<semaphore_mem>>) src(%dma_wait3A_77 : memref<16x128xi32, #tpu.memory_space<hbm>>) dst(%dma_wait3A_74 : memref<16x128xi32, #tpu.memory_space<vmem>>)
      tpu.yield
    }) : () -> ()
    %dma_start3A = arith.constant 0 : i32
    %dma_start3A_8 = arith.constant 0 : i32
    %dma_start3A_9 = arith.constant 0 : i32
    %dma_start3A_10 = arith.constant 0 : i32
    %dma_start3A_11 = arith.constant 0 : i32
    %dma_start3A_12 = tpu.memref_slice %arg8[%dma_start3A_9, %dma_start3A_10, %dma_start3A_11] : memref<2x128x128xf32, #tpu.memory_space<vmem>> -> memref<1x128x128xf32, #tpu.memory_space<vmem>>
    %dma_start3A_13 = tpu.memref_squeeze %dma_start3A_12 : memref<1x128x128xf32, #tpu.memory_space<vmem>> -> memref<128x128xf32, #tpu.memory_space<vmem>>
    %dma_start3A_14 = arith.constant 0 : i32
    %dma_start3A_15 = tpu.memref_slice %arg6[%dma_start3A, %dma_start3A_8, %dma_start3A_14] : memref<2x16x128xi32, #tpu.memory_space<vmem>> -> memref<1x1x128xi32, #tpu.memory_space<vmem>>
    %dma_start3A_16 = tpu.memref_squeeze %dma_start3A_15 : memref<1x1x128xi32, #tpu.memory_space<vmem>> -> memref<128xi32, #tpu.memory_space<vmem>>
    %dma_start3A_17 = arith.constant 0 : i32
    %dma_start3A_18 = arith.constant 0 : i32
    %dma_start3A_19 = tpu.memref_slice %arg2[%arg0, %dma_start3A_17, %dma_start3A_18] : memref<2x10000x128xf32, #tpu.memory_space<hbm>> -> memref<1x10000x128xf32, #tpu.memory_space<hbm>>
    %dma_start3A_20 = tpu.memref_squeeze %dma_start3A_19 : memref<1x10000x128xf32, #tpu.memory_space<hbm>> -> memref<10000x128xf32, #tpu.memory_space<hbm>>
    %dma_start3A_21 = arith.constant 0 : i32
    %dma_start3A_22 = arith.constant 0 : i32
    %dma_start3A_23 = tpu.memref_slice %dma_start3A_20[%dma_start3A_21, %dma_start3A_22] : memref<10000x128xf32, #tpu.memory_space<hbm>> -> memref<10000x128xf32, #tpu.memory_space<hbm>>
    tpu.enqueue_indirect_dma source(%dma_start3A_23 : memref<10000x128xf32, #tpu.memory_space<hbm>>) target(%dma_start3A_13 : memref<128x128xf32, #tpu.memory_space<vmem>>) offsets(%dma_start3A_16 : memref<128xi32, #tpu.memory_space<vmem>>) semaphore(%arg10 : memref<!tpu.dma_semaphore, #tpu.memory_space<semaphore_mem>>)
    %dma_start3A_24 = arith.constant 0 : i32
    %dma_start3A_25 = arith.constant 1 : i32
    %dma_start3A_26 = arith.constant 1 : i32
    %dma_start3A_27 = arith.constant 0 : i32
    %dma_start3A_28 = arith.constant 0 : i32
    %dma_start3A_29 = tpu.memref_slice %arg8[%dma_start3A_26, %dma_start3A_27, %dma_start3A_28] : memref<2x128x128xf32, #tpu.memory_space<vmem>> -> memref<1x128x128xf32, #tpu.memory_space<vmem>>
    %dma_start3A_30 = tpu.memref_squeeze %dma_start3A_29 : memref<1x128x128xf32, #tpu.memory_space<vmem>> -> memref<128x128xf32, #tpu.memory_space<vmem>>
    %dma_start3A_31 = arith.constant 0 : i32
    %dma_start3A_32 = tpu.memref_slice %arg6[%dma_start3A_24, %dma_start3A_25, %dma_start3A_31] : memref<2x16x128xi32, #tpu.memory_space<vmem>> -> memref<1x1x128xi32, #tpu.memory_space<vmem>>
    %dma_start3A_33 = tpu.memref_squeeze %dma_start3A_32 : memref<1x1x128xi32, #tpu.memory_space<vmem>> -> memref<128xi32, #tpu.memory_space<vmem>>
    %dma_start3A_34 = arith.constant 0 : i32
    %dma_start3A_35 = arith.constant 0 : i32
    %dma_start3A_36 = tpu.memref_slice %arg2[%arg0, %dma_start3A_34, %dma_start3A_35] : memref<2x10000x128xf32, #tpu.memory_space<hbm>> -> memref<1x10000x128xf32, #tpu.memory_space<hbm>>
    %dma_start3A_37 = tpu.memref_squeeze %dma_start3A_36 : memref<1x10000x128xf32, #tpu.memory_space<hbm>> -> memref<10000x128xf32, #tpu.memory_space<hbm>>
    %dma_start3A_38 = arith.constant 0 : i32
    %dma_start3A_39 = arith.constant 0 : i32
    %dma_start3A_40 = tpu.memref_slice %dma_start3A_37[%dma_start3A_38, %dma_start3A_39] : memref<10000x128xf32, #tpu.memory_space<hbm>> -> memref<10000x128xf32, #tpu.memory_space<hbm>>
    tpu.enqueue_indirect_dma source(%dma_start3A_40 : memref<10000x128xf32, #tpu.memory_space<hbm>>) target(%dma_start3A_30 : memref<128x128xf32, #tpu.memory_space<vmem>>) offsets(%dma_start3A_33 : memref<128xi32, #tpu.memory_space<vmem>>) semaphore(%arg10 : memref<!tpu.dma_semaphore, #tpu.memory_space<semaphore_mem>>)
    %scan3A = arith.constant 0 : i32
    %scan3A_41 = arith.constant 10 : i32
    %scan3A_42 = arith.addi %scan3A, %scan3A_41 : i32
    %scan3A_43 = arith.constant 1 : i32
    scf.for %scan3A_50 = %scan3A to %scan3A_42 step %scan3A_43  : i32 {
      %mul3A_51 = arith.constant 1 : i32
      %mul3A_52 = arith.muli %scan3A_50, %mul3A_51 : i32
      %add3A_53 = arith.constant 0 : i32
      %add3A_54 = arith.addi %add3A_53, %mul3A_52 : i32
      %jit3A = arith.constant 2 : i32
      %eq3A = arith.constant 0 : i32
      %eq3A_55 = arith.cmpi eq, %jit3A, %eq3A : i32
      %jit3A_56 = arith.constant 1 : i32
      %select_n3A = arith.select %eq3A_55, %jit3A_56, %jit3A : i32
      %rem3A = arith.remsi %add3A_54, %select_n3A : i32
      %ne3A = arith.constant 0 : i32
      %ne3A_57 = arith.cmpi ne, %rem3A, %ne3A : i32
      %lt3A = arith.constant 0 : i32
      %lt3A_58 = arith.cmpi slt, %rem3A, %lt3A : i32
      %lt3A_59 = arith.constant 0 : i32
      %lt3A_60 = arith.cmpi slt, %select_n3A, %lt3A_59 : i32
      %ne3A_61 = arith.xori %lt3A_58, %lt3A_60 : i1
      %and3A = arith.andi %ne3A_61, %ne3A_57 : i1
      %add3A_62 = arith.addi %rem3A, %select_n3A : i32
      %select_n3A_63 = arith.select %and3A, %add3A_62, %rem3A : i32
      %add3A_64 = arith.constant 1 : i32
      %add3A_65 = arith.addi %add3A_54, %add3A_64 : i32
      %lt3A_66 = arith.constant 10 : i32
      %lt3A_67 = arith.cmpi slt, %add3A_65, %lt3A_66 : i32
      %convert_element_type3A = arith.extui %lt3A_67 : i1 to i32
      %cond3A = arith.constant 0 : i32
      %cond3A_68 = arith.cmpi ne, %convert_element_type3A, %cond3A : i32
      scf.if %cond3A_68 {
        %add3A_130 = arith.constant 1 : i32
        %add3A_131 = arith.addi %add3A_54, %add3A_130 : i32
        %mul3A_132 = arith.constant 16 : i32
        %mul3A_133 = arith.muli %add3A_131, %mul3A_132 : i32
        %add3A_134 = arith.addi %add3A, %mul3A_133 : i32
        %sub3A = arith.constant 1 : i32
        %sub3A_135 = arith.subi %sub3A, %select_n3A_63 : i32
        %dma_start3A_136 = arith.constant 0 : i32
        %dma_start3A_137 = arith.constant 0 : i32
        %dma_start3A_138 = arith.constant 0 : i32
        %dma_start3A_139 = tpu.memref_slice %arg6[%sub3A_135, %dma_start3A_137, %dma_start3A_138] : memref<2x16x128xi32, #tpu.memory_space<vmem>> -> memref<1x16x128xi32, #tpu.memory_space<vmem>>
        %dma_start3A_140 = tpu.memref_squeeze %dma_start3A_139 : memref<1x16x128xi32, #tpu.memory_space<vmem>> -> memref<16x128xi32, #tpu.memory_space<vmem>>
        %dma_start3A_141 = arith.constant 0 : i32
        %dma_start3A_142 = tpu.memref_slice %arg3[%dma_start3A_136, %add3A_134, %dma_start3A_141] : memref<2x2560x128xi32, #tpu.memory_space<hbm>> -> memref<1x16x128xi32, #tpu.memory_space<hbm>>
        %dma_start3A_143 = tpu.memref_squeeze %dma_start3A_142 : memref<1x16x128xi32, #tpu.memory_space<hbm>> -> memref<16x128xi32, #tpu.memory_space<hbm>>
        %dma_start3A_144 = arith.constant 0 : i32
        %dma_start3A_145 = arith.constant 0 : i32
        %dma_start3A_146 = tpu.memref_slice %arg6[%sub3A_135, %dma_start3A_144, %dma_start3A_145] : memref<2x16x128xi32, #tpu.memory_space<vmem>> -> memref<1x16x128xi32, #tpu.memory_space<vmem>>
        %dma_start3A_147 = tpu.memref_squeeze %dma_start3A_146 : memref<1x16x128xi32, #tpu.memory_space<vmem>> -> memref<16x128xi32, #tpu.memory_space<vmem>>
        %dma_start3A_148 = arith.constant 0 : i32
        %dma_start3A_149 = tpu.memref_slice %arg3[%dma_start3A_136, %add3A_134, %dma_start3A_148] : memref<2x2560x128xi32, #tpu.memory_space<hbm>> -> memref<1x16x128xi32, #tpu.memory_space<hbm>>
        %dma_start3A_150 = tpu.memref_squeeze %dma_start3A_149 : memref<1x16x128xi32, #tpu.memory_space<hbm>> -> memref<16x128xi32, #tpu.memory_space<hbm>>
        tpu.enqueue_dma source(%dma_start3A_150 : memref<16x128xi32, #tpu.memory_space<hbm>>) target(%dma_start3A_147 : memref<16x128xi32, #tpu.memory_space<vmem>>) target_semaphore(%arg11 : memref<!tpu.dma_semaphore, #tpu.memory_space<semaphore_mem>>)
        %add3A_151 = arith.constant 1 : i32
        %add3A_152 = arith.addi %add3A_54, %add3A_151 : i32
        %mul3A_153 = arith.constant 16 : i32
        %mul3A_154 = arith.muli %add3A_152, %mul3A_153 : i32
        %add3A_155 = arith.addi %add3A, %mul3A_154 : i32
        %sub3A_156 = arith.constant 1 : i32
        %sub3A_157 = arith.subi %sub3A_156, %select_n3A_63 : i32
        %dma_start3A_158 = arith.constant 1 : i32
        %dma_start3A_159 = arith.constant 0 : i32
        %dma_start3A_160 = arith.constant 0 : i32
        %dma_start3A_161 = tpu.memref_slice %arg7[%sub3A_157, %dma_start3A_159, %dma_start3A_160] : memref<2x16x128xi32, #tpu.memory_space<vmem>> -> memref<1x16x128xi32, #tpu.memory_space<vmem>>
        %dma_start3A_162 = tpu.memref_squeeze %dma_start3A_161 : memref<1x16x128xi32, #tpu.memory_space<vmem>> -> memref<16x128xi32, #tpu.memory_space<vmem>>
        %dma_start3A_163 = arith.constant 0 : i32
        %dma_start3A_164 = tpu.memref_slice %arg3[%dma_start3A_158, %add3A_155, %dma_start3A_163] : memref<2x2560x128xi32, #tpu.memory_space<hbm>> -> memref<1x16x128xi32, #tpu.memory_space<hbm>>
        %dma_start3A_165 = tpu.memref_squeeze %dma_start3A_164 : memref<1x16x128xi32, #tpu.memory_space<hbm>> -> memref<16x128xi32, #tpu.memory_space<hbm>>
        %dma_start3A_166 = arith.constant 0 : i32
        %dma_start3A_167 = arith.constant 0 : i32
        %dma_start3A_168 = tpu.memref_slice %arg7[%sub3A_157, %dma_start3A_166, %dma_start3A_167] : memref<2x16x128xi32, #tpu.memory_space<vmem>> -> memref<1x16x128xi32, #tpu.memory_space<vmem>>
        %dma_start3A_169 = tpu.memref_squeeze %dma_start3A_168 : memref<1x16x128xi32, #tpu.memory_space<vmem>> -> memref<16x128xi32, #tpu.memory_space<vmem>>
        %dma_start3A_170 = arith.constant 0 : i32
        %dma_start3A_171 = tpu.memref_slice %arg3[%dma_start3A_158, %add3A_155, %dma_start3A_170] : memref<2x2560x128xi32, #tpu.memory_space<hbm>> -> memref<1x16x128xi32, #tpu.memory_space<hbm>>
        %dma_start3A_172 = tpu.memref_squeeze %dma_start3A_171 : memref<1x16x128xi32, #tpu.memory_space<hbm>> -> memref<16x128xi32, #tpu.memory_space<hbm>>
        tpu.enqueue_dma source(%dma_start3A_172 : memref<16x128xi32, #tpu.memory_space<hbm>>) target(%dma_start3A_169 : memref<16x128xi32, #tpu.memory_space<vmem>>) target_semaphore(%arg11 : memref<!tpu.dma_semaphore, #tpu.memory_space<semaphore_mem>>)
      } else {
      }
      %scan3A_69 = arith.constant 0 : i32
      %scan3A_70 = arith.constant 7 : i32
      %scan3A_71 = arith.addi %scan3A_69, %scan3A_70 : i32
      %scan3A_72 = arith.constant 1 : i32
      scf.for %scan3A_130 = %scan3A_69 to %scan3A_71 step %scan3A_72  : i32 {
        %mul3A_131 = arith.constant 1 : i32
        %mul3A_132 = arith.muli %scan3A_130, %mul3A_131 : i32
        %add3A_133 = arith.constant 0 : i32
        %add3A_134 = arith.addi %add3A_133, %mul3A_132 : i32
        %mul3A_135 = arith.constant 2 : i32
        %mul3A_136 = arith.muli %add3A_134, %mul3A_135 : i32
        %add3A_137 = arith.constant 0 : i32
        %add3A_138 = arith.addi %mul3A_136, %add3A_137 : i32
        %dma_wait3A_139 = arith.constant 0 : i32
        %dma_wait3A_140 = arith.constant 0 : i32
        %dma_wait3A_141 = arith.constant 0 : i32
        %dma_wait3A_142 = tpu.memref_slice %arg8[%dma_wait3A_139, %dma_wait3A_140, %dma_wait3A_141] : memref<2x128x128xf32, #tpu.memory_space<vmem>> -> memref<1x128x128xf32, #tpu.memory_space<vmem>>
        %dma_wait3A_143 = tpu.memref_squeeze %dma_wait3A_142 : memref<1x128x128xf32, #tpu.memory_space<vmem>> -> memref<128x128xf32, #tpu.memory_space<vmem>>
        %dma_wait3A_144 = arith.constant 0 : i32
        %dma_wait3A_145 = tpu.memref_slice %arg6[%select_n3A_63, %add3A_138, %dma_wait3A_144] : memref<2x16x128xi32, #tpu.memory_space<vmem>> -> memref<1x1x128xi32, #tpu.memory_space<vmem>>
        %dma_wait3A_146 = tpu.memref_squeeze %dma_wait3A_145 : memref<1x1x128xi32, #tpu.memory_space<vmem>> -> memref<128xi32, #tpu.memory_space<vmem>>
        %dma_wait3A_147 = arith.constant 0 : i32
        %dma_wait3A_148 = arith.constant 0 : i32
        %dma_wait3A_149 = tpu.memref_slice %arg2[%arg0, %dma_wait3A_147, %dma_wait3A_148] : memref<2x10000x128xf32, #tpu.memory_space<hbm>> -> memref<1x10000x128xf32, #tpu.memory_space<hbm>>
        %dma_wait3A_150 = tpu.memref_squeeze %dma_wait3A_149 : memref<1x10000x128xf32, #tpu.memory_space<hbm>> -> memref<10000x128xf32, #tpu.memory_space<hbm>>
        %dma_wait3A_151 = arith.constant 0 : i32
        %dma_wait3A_152 = arith.constant 0 : i32
        %dma_wait3A_153 = tpu.memref_slice %dma_wait3A_150[%dma_wait3A_151, %dma_wait3A_152] : memref<10000x128xf32, #tpu.memory_space<hbm>> -> memref<10000x128xf32, #tpu.memory_space<hbm>>
        tpu.wait_indirect_dma semaphore(%arg10 : memref<!tpu.dma_semaphore, #tpu.memory_space<semaphore_mem>>) src(%dma_wait3A_153 : memref<10000x128xf32, #tpu.memory_space<hbm>>) dst(%dma_wait3A_143 : memref<128x128xf32, #tpu.memory_space<vmem>>)
        %run_scoped3A_154 = arith.constant 0 : i32
        "tpu.region"() ({
          %run_scoped3A_209 = tpu.sem_alloc : memref<!tpu.dma_semaphore, #tpu.memory_space<semaphore_mem>>
          %dma_start3A_210 = arith.constant 0 : i32
          %dma_start3A_211 = arith.constant 0 : i32
          %dma_start3A_212 = tpu.memref_slice %arg8[%run_scoped3A_154, %dma_start3A_210, %dma_start3A_211] : memref<2x128x128xf32, #tpu.memory_space<vmem>> -> memref<1x128x128xf32, #tpu.memory_space<vmem>>
          %dma_start3A_213 = tpu.memref_squeeze %dma_start3A_212 : memref<1x128x128xf32, #tpu.memory_space<vmem>> -> memref<128x128xf32, #tpu.memory_space<vmem>>
          %dma_start3A_214 = arith.constant 0 : i32
          %dma_start3A_215 = tpu.memref_slice %arg7[%select_n3A_63, %add3A_138, %dma_start3A_214] : memref<2x16x128xi32, #tpu.memory_space<vmem>> -> memref<1x1x128xi32, #tpu.memory_space<vmem>>
          %dma_start3A_216 = tpu.memref_squeeze %dma_start3A_215 : memref<1x1x128xi32, #tpu.memory_space<vmem>> -> memref<128xi32, #tpu.memory_space<vmem>>
          %dma_start3A_217 = arith.constant 0 : i32
          %dma_start3A_218 = arith.constant 0 : i32
          %dma_start3A_219 = tpu.memref_slice %arg9[%dma_start3A_217, %dma_start3A_218] : memref<10240x128xf32, #tpu.memory_space<vmem_shared>> -> memref<10240x128xf32, #tpu.memory_space<vmem_shared>>
          tpu.enqueue_indirect_dma source(%dma_start3A_213 : memref<128x128xf32, #tpu.memory_space<vmem>>) target(%dma_start3A_219 : memref<10240x128xf32, #tpu.memory_space<vmem_shared>>) offsets(%dma_start3A_216 : memref<128xi32, #tpu.memory_space<vmem>>) semaphore(%run_scoped3A_209 : memref<!tpu.dma_semaphore, #tpu.memory_space<semaphore_mem>>) {add = true}
          %dma_wait3A_220 = arith.constant 0 : i32
          %dma_wait3A_221 = arith.constant 0 : i32
          %dma_wait3A_222 = tpu.memref_slice %arg8[%run_scoped3A_154, %dma_wait3A_220, %dma_wait3A_221] : memref<2x128x128xf32, #tpu.memory_space<vmem>> -> memref<1x128x128xf32, #tpu.memory_space<vmem>>
          %dma_wait3A_223 = tpu.memref_squeeze %dma_wait3A_222 : memref<1x128x128xf32, #tpu.memory_space<vmem>> -> memref<128x128xf32, #tpu.memory_space<vmem>>
          %dma_wait3A_224 = arith.constant 0 : i32
          %dma_wait3A_225 = tpu.memref_slice %arg7[%select_n3A_63, %add3A_138, %dma_wait3A_224] : memref<2x16x128xi32, #tpu.memory_space<vmem>> -> memref<1x1x128xi32, #tpu.memory_space<vmem>>
          %dma_wait3A_226 = tpu.memref_squeeze %dma_wait3A_225 : memref<1x1x128xi32, #tpu.memory_space<vmem>> -> memref<128xi32, #tpu.memory_space<vmem>>
          %dma_wait3A_227 = arith.constant 0 : i32
          %dma_wait3A_228 = arith.constant 0 : i32
          %dma_wait3A_229 = tpu.memref_slice %arg9[%dma_wait3A_227, %dma_wait3A_228] : memref<10240x128xf32, #tpu.memory_space<vmem_shared>> -> memref<10240x128xf32, #tpu.memory_space<vmem_shared>>
          tpu.wait_indirect_dma semaphore(%run_scoped3A_209 : memref<!tpu.dma_semaphore, #tpu.memory_space<semaphore_mem>>) src(%dma_wait3A_223 : memref<128x128xf32, #tpu.memory_space<vmem>>) dst(%dma_wait3A_229 : memref<10240x128xf32, #tpu.memory_space<vmem_shared>>)
          tpu.yield
        }) : () -> ()
        %add3A_155 = arith.constant 2 : i32
        %add3A_156 = arith.addi %add3A_138, %add3A_155 : i32
        %dma_start3A_157 = arith.constant 0 : i32
        %dma_start3A_158 = arith.constant 0 : i32
        %dma_start3A_159 = arith.constant 0 : i32
        %dma_start3A_160 = tpu.memref_slice %arg8[%dma_start3A_157, %dma_start3A_158, %dma_start3A_159] : memref<2x128x128xf32, #tpu.memory_space<vmem>> -> memref<1x128x128xf32, #tpu.memory_space<vmem>>
        %dma_start3A_161 = tpu.memref_squeeze %dma_start3A_160 : memref<1x128x128xf32, #tpu.memory_space<vmem>> -> memref<128x128xf32, #tpu.memory_space<vmem>>
        %dma_start3A_162 = arith.constant 0 : i32
        %dma_start3A_163 = tpu.memref_slice %arg6[%select_n3A_63, %add3A_156, %dma_start3A_162] : memref<2x16x128xi32, #tpu.memory_space<vmem>> -> memref<1x1x128xi32, #tpu.memory_space<vmem>>
        %dma_start3A_164 = tpu.memref_squeeze %dma_start3A_163 : memref<1x1x128xi32, #tpu.memory_space<vmem>> -> memref<128xi32, #tpu.memory_space<vmem>>
        %dma_start3A_165 = arith.constant 0 : i32
        %dma_start3A_166 = arith.constant 0 : i32
        %dma_start3A_167 = tpu.memref_slice %arg2[%arg0, %dma_start3A_165, %dma_start3A_166] : memref<2x10000x128xf32, #tpu.memory_space<hbm>> -> memref<1x10000x128xf32, #tpu.memory_space<hbm>>
        %dma_start3A_168 = tpu.memref_squeeze %dma_start3A_167 : memref<1x10000x128xf32, #tpu.memory_space<hbm>> -> memref<10000x128xf32, #tpu.memory_space<hbm>>
        %dma_start3A_169 = arith.constant 0 : i32
        %dma_start3A_170 = arith.constant 0 : i32
        %dma_start3A_171 = tpu.memref_slice %dma_start3A_168[%dma_start3A_169, %dma_start3A_170] : memref<10000x128xf32, #tpu.memory_space<hbm>> -> memref<10000x128xf32, #tpu.memory_space<hbm>>
        tpu.enqueue_indirect_dma source(%dma_start3A_171 : memref<10000x128xf32, #tpu.memory_space<hbm>>) target(%dma_start3A_161 : memref<128x128xf32, #tpu.memory_space<vmem>>) offsets(%dma_start3A_164 : memref<128xi32, #tpu.memory_space<vmem>>) semaphore(%arg10 : memref<!tpu.dma_semaphore, #tpu.memory_space<semaphore_mem>>)
        %mul3A_172 = arith.constant 2 : i32
        %mul3A_173 = arith.muli %add3A_134, %mul3A_172 : i32
        %add3A_174 = arith.constant 1 : i32
        %add3A_175 = arith.addi %mul3A_173, %add3A_174 : i32
        %dma_wait3A_176 = arith.constant 1 : i32
        %dma_wait3A_177 = arith.constant 0 : i32
        %dma_wait3A_178 = arith.constant 0 : i32
        %dma_wait3A_179 = tpu.memref_slice %arg8[%dma_wait3A_176, %dma_wait3A_177, %dma_wait3A_178] : memref<2x128x128xf32, #tpu.memory_space<vmem>> -> memref<1x128x128xf32, #tpu.memory_space<vmem>>
        %dma_wait3A_180 = tpu.memref_squeeze %dma_wait3A_179 : memref<1x128x128xf32, #tpu.memory_space<vmem>> -> memref<128x128xf32, #tpu.memory_space<vmem>>
        %dma_wait3A_181 = arith.constant 0 : i32
        %dma_wait3A_182 = tpu.memref_slice %arg6[%select_n3A_63, %add3A_175, %dma_wait3A_181] : memref<2x16x128xi32, #tpu.memory_space<vmem>> -> memref<1x1x128xi32, #tpu.memory_space<vmem>>
        %dma_wait3A_183 = tpu.memref_squeeze %dma_wait3A_182 : memref<1x1x128xi32, #tpu.memory_space<vmem>> -> memref<128xi32, #tpu.memory_space<vmem>>
        %dma_wait3A_184 = arith.constant 0 : i32
        %dma_wait3A_185 = arith.constant 0 : i32
        %dma_wait3A_186 = tpu.memref_slice %arg2[%arg0, %dma_wait3A_184, %dma_wait3A_185] : memref<2x10000x128xf32, #tpu.memory_space<hbm>> -> memref<1x10000x128xf32, #tpu.memory_space<hbm>>
        %dma_wait3A_187 = tpu.memref_squeeze %dma_wait3A_186 : memref<1x10000x128xf32, #tpu.memory_space<hbm>> -> memref<10000x128xf32, #tpu.memory_space<hbm>>
        %dma_wait3A_188 = arith.constant 0 : i32
        %dma_wait3A_189 = arith.constant 0 : i32
        %dma_wait3A_190 = tpu.memref_slice %dma_wait3A_187[%dma_wait3A_188, %dma_wait3A_189] : memref<10000x128xf32, #tpu.memory_space<hbm>> -> memref<10000x128xf32, #tpu.memory_space<hbm>>
        tpu.wait_indirect_dma semaphore(%arg10 : memref<!tpu.dma_semaphore, #tpu.memory_space<semaphore_mem>>) src(%dma_wait3A_190 : memref<10000x128xf32, #tpu.memory_space<hbm>>) dst(%dma_wait3A_180 : memref<128x128xf32, #tpu.memory_space<vmem>>)
        %run_scoped3A_191 = arith.constant 1 : i32
        "tpu.region"() ({
          %run_scoped3A_209 = tpu.sem_alloc : memref<!tpu.dma_semaphore, #tpu.memory_space<semaphore_mem>>
          %dma_start3A_210 = arith.constant 0 : i32
          %dma_start3A_211 = arith.constant 0 : i32
          %dma_start3A_212 = tpu.memref_slice %arg8[%run_scoped3A_191, %dma_start3A_210, %dma_start3A_211] : memref<2x128x128xf32, #tpu.memory_space<vmem>> -> memref<1x128x128xf32, #tpu.memory_space<vmem>>
          %dma_start3A_213 = tpu.memref_squeeze %dma_start3A_212 : memref<1x128x128xf32, #tpu.memory_space<vmem>> -> memref<128x128xf32, #tpu.memory_space<vmem>>
          %dma_start3A_214 = arith.constant 0 : i32
          %dma_start3A_215 = tpu.memref_slice %arg7[%select_n3A_63, %add3A_175, %dma_start3A_214] : memref<2x16x128xi32, #tpu.memory_space<vmem>> -> memref<1x1x128xi32, #tpu.memory_space<vmem>>
          %dma_start3A_216 = tpu.memref_squeeze %dma_start3A_215 : memref<1x1x128xi32, #tpu.memory_space<vmem>> -> memref<128xi32, #tpu.memory_space<vmem>>
          %dma_start3A_217 = arith.constant 0 : i32
          %dma_start3A_218 = arith.constant 0 : i32
          %dma_start3A_219 = tpu.memref_slice %arg9[%dma_start3A_217, %dma_start3A_218] : memref<10240x128xf32, #tpu.memory_space<vmem_shared>> -> memref<10240x128xf32, #tpu.memory_space<vmem_shared>>
          tpu.enqueue_indirect_dma source(%dma_start3A_213 : memref<128x128xf32, #tpu.memory_space<vmem>>) target(%dma_start3A_219 : memref<10240x128xf32, #tpu.memory_space<vmem_shared>>) offsets(%dma_start3A_216 : memref<128xi32, #tpu.memory_space<vmem>>) semaphore(%run_scoped3A_209 : memref<!tpu.dma_semaphore, #tpu.memory_space<semaphore_mem>>) {add = true}
          %dma_wait3A_220 = arith.constant 0 : i32
          %dma_wait3A_221 = arith.constant 0 : i32
          %dma_wait3A_222 = tpu.memref_slice %arg8[%run_scoped3A_191, %dma_wait3A_220, %dma_wait3A_221] : memref<2x128x128xf32, #tpu.memory_space<vmem>> -> memref<1x128x128xf32, #tpu.memory_space<vmem>>
          %dma_wait3A_223 = tpu.memref_squeeze %dma_wait3A_222 : memref<1x128x128xf32, #tpu.memory_space<vmem>> -> memref<128x128xf32, #tpu.memory_space<vmem>>
          %dma_wait3A_224 = arith.constant 0 : i32
          %dma_wait3A_225 = tpu.memref_slice %arg7[%select_n3A_63, %add3A_175, %dma_wait3A_224] : memref<2x16x128xi32, #tpu.memory_space<vmem>> -> memref<1x1x128xi32, #tpu.memory_space<vmem>>
          %dma_wait3A_226 = tpu.memref_squeeze %dma_wait3A_225 : memref<1x1x128xi32, #tpu.memory_space<vmem>> -> memref<128xi32, #tpu.memory_space<vmem>>
          %dma_wait3A_227 = arith.constant 0 : i32
          %dma_wait3A_228 = arith.constant 0 : i32
          %dma_wait3A_229 = tpu.memref_slice %arg9[%dma_wait3A_227, %dma_wait3A_228] : memref<10240x128xf32, #tpu.memory_space<vmem_shared>> -> memref<10240x128xf32, #tpu.memory_space<vmem_shared>>
          tpu.wait_indirect_dma semaphore(%run_scoped3A_209 : memref<!tpu.dma_semaphore, #tpu.memory_space<semaphore_mem>>) src(%dma_wait3A_223 : memref<128x128xf32, #tpu.memory_space<vmem>>) dst(%dma_wait3A_229 : memref<10240x128xf32, #tpu.memory_space<vmem_shared>>)
          tpu.yield
        }) : () -> ()
        %add3A_192 = arith.constant 2 : i32
        %add3A_193 = arith.addi %add3A_175, %add3A_192 : i32
        %dma_start3A_194 = arith.constant 1 : i32
        %dma_start3A_195 = arith.constant 0 : i32
        %dma_start3A_196 = arith.constant 0 : i32
        %dma_start3A_197 = tpu.memref_slice %arg8[%dma_start3A_194, %dma_start3A_195, %dma_start3A_196] : memref<2x128x128xf32, #tpu.memory_space<vmem>> -> memref<1x128x128xf32, #tpu.memory_space<vmem>>
        %dma_start3A_198 = tpu.memref_squeeze %dma_start3A_197 : memref<1x128x128xf32, #tpu.memory_space<vmem>> -> memref<128x128xf32, #tpu.memory_space<vmem>>
        %dma_start3A_199 = arith.constant 0 : i32
        %dma_start3A_200 = tpu.memref_slice %arg6[%select_n3A_63, %add3A_193, %dma_start3A_199] : memref<2x16x128xi32, #tpu.memory_space<vmem>> -> memref<1x1x128xi32, #tpu.memory_space<vmem>>
        %dma_start3A_201 = tpu.memref_squeeze %dma_start3A_200 : memref<1x1x128xi32, #tpu.memory_space<vmem>> -> memref<128xi32, #tpu.memory_space<vmem>>
        %dma_start3A_202 = arith.constant 0 : i32
        %dma_start3A_203 = arith.constant 0 : i32
        %dma_start3A_204 = tpu.memref_slice %arg2[%arg0, %dma_start3A_202, %dma_start3A_203] : memref<2x10000x128xf32, #tpu.memory_space<hbm>> -> memref<1x10000x128xf32, #tpu.memory_space<hbm>>
        %dma_start3A_205 = tpu.memref_squeeze %dma_start3A_204 : memref<1x10000x128xf32, #tpu.memory_space<hbm>> -> memref<10000x128xf32, #tpu.memory_space<hbm>>
        %dma_start3A_206 = arith.constant 0 : i32
        %dma_start3A_207 = arith.constant 0 : i32
        %dma_start3A_208 = tpu.memref_slice %dma_start3A_205[%dma_start3A_206, %dma_start3A_207] : memref<10000x128xf32, #tpu.memory_space<hbm>> -> memref<10000x128xf32, #tpu.memory_space<hbm>>
        tpu.enqueue_indirect_dma source(%dma_start3A_208 : memref<10000x128xf32, #tpu.memory_space<hbm>>) target(%dma_start3A_198 : memref<128x128xf32, #tpu.memory_space<vmem>>) offsets(%dma_start3A_201 : memref<128xi32, #tpu.memory_space<vmem>>) semaphore(%arg10 : memref<!tpu.dma_semaphore, #tpu.memory_space<semaphore_mem>>)
      }
      %scan3A_73 = arith.constant 7 : i32
      %add3A_74 = arith.constant 1 : i32
      %add3A_75 = arith.addi %add3A_54, %add3A_74 : i32
      %lt3A_76 = arith.constant 10 : i32
      %lt3A_77 = arith.cmpi slt, %add3A_75, %lt3A_76 : i32
      %convert_element_type3A_78 = arith.extui %lt3A_77 : i1 to i32
      %cond3A_79 = arith.constant 0 : i32
      %cond3A_80 = arith.cmpi ne, %convert_element_type3A_78, %cond3A_79 : i32
      scf.if %cond3A_80 {
        %add3A_130 = arith.constant 1 : i32
        %add3A_131 = arith.addi %add3A_54, %add3A_130 : i32
        %mul3A_132 = arith.constant 16 : i32
        %mul3A_133 = arith.muli %add3A_131, %mul3A_132 : i32
        %add3A_134 = arith.addi %add3A, %mul3A_133 : i32
        %sub3A = arith.constant 1 : i32
        %sub3A_135 = arith.subi %sub3A, %select_n3A_63 : i32
        %dma_wait3A_136 = arith.constant 0 : i32
        %dma_wait3A_137 = arith.constant 0 : i32
        %dma_wait3A_138 = arith.constant 0 : i32
        %dma_wait3A_139 = tpu.memref_slice %arg6[%sub3A_135, %dma_wait3A_137, %dma_wait3A_138] : memref<2x16x128xi32, #tpu.memory_space<vmem>> -> memref<1x16x128xi32, #tpu.memory_space<vmem>>
        %dma_wait3A_140 = tpu.memref_squeeze %dma_wait3A_139 : memref<1x16x128xi32, #tpu.memory_space<vmem>> -> memref<16x128xi32, #tpu.memory_space<vmem>>
        %dma_wait3A_141 = arith.constant 0 : i32
        %dma_wait3A_142 = tpu.memref_slice %arg3[%dma_wait3A_136, %add3A_134, %dma_wait3A_141] : memref<2x2560x128xi32, #tpu.memory_space<hbm>> -> memref<1x16x128xi32, #tpu.memory_space<hbm>>
        %dma_wait3A_143 = tpu.memref_squeeze %dma_wait3A_142 : memref<1x16x128xi32, #tpu.memory_space<hbm>> -> memref<16x128xi32, #tpu.memory_space<hbm>>
        %dma_wait3A_144 = arith.constant 0 : i32
        %dma_wait3A_145 = arith.constant 0 : i32
        %dma_wait3A_146 = tpu.memref_slice %arg6[%sub3A_135, %dma_wait3A_144, %dma_wait3A_145] : memref<2x16x128xi32, #tpu.memory_space<vmem>> -> memref<1x16x128xi32, #tpu.memory_space<vmem>>
        %dma_wait3A_147 = tpu.memref_squeeze %dma_wait3A_146 : memref<1x16x128xi32, #tpu.memory_space<vmem>> -> memref<16x128xi32, #tpu.memory_space<vmem>>
        %dma_wait3A_148 = arith.constant 0 : i32
        %dma_wait3A_149 = tpu.memref_slice %arg3[%dma_wait3A_136, %add3A_134, %dma_wait3A_148] : memref<2x2560x128xi32, #tpu.memory_space<hbm>> -> memref<1x16x128xi32, #tpu.memory_space<hbm>>
        %dma_wait3A_150 = tpu.memref_squeeze %dma_wait3A_149 : memref<1x16x128xi32, #tpu.memory_space<hbm>> -> memref<16x128xi32, #tpu.memory_space<hbm>>
        tpu.wait_dma2 semaphore(%arg11 : memref<!tpu.dma_semaphore, #tpu.memory_space<semaphore_mem>>) src(%dma_wait3A_150 : memref<16x128xi32, #tpu.memory_space<hbm>>) dst(%dma_wait3A_147 : memref<16x128xi32, #tpu.memory_space<vmem>>)
        %add3A_151 = arith.constant 1 : i32
        %add3A_152 = arith.addi %add3A_54, %add3A_151 : i32
        %mul3A_153 = arith.constant 16 : i32
        %mul3A_154 = arith.muli %add3A_152, %mul3A_153 : i32
        %add3A_155 = arith.addi %add3A, %mul3A_154 : i32
        %sub3A_156 = arith.constant 1 : i32
        %sub3A_157 = arith.subi %sub3A_156, %select_n3A_63 : i32
        %dma_wait3A_158 = arith.constant 1 : i32
        %dma_wait3A_159 = arith.constant 0 : i32
        %dma_wait3A_160 = arith.constant 0 : i32
        %dma_wait3A_161 = tpu.memref_slice %arg7[%sub3A_157, %dma_wait3A_159, %dma_wait3A_160] : memref<2x16x128xi32, #tpu.memory_space<vmem>> -> memref<1x16x128xi32, #tpu.memory_space<vmem>>
        %dma_wait3A_162 = tpu.memref_squeeze %dma_wait3A_161 : memref<1x16x128xi32, #tpu.memory_space<vmem>> -> memref<16x128xi32, #tpu.memory_space<vmem>>
        %dma_wait3A_163 = arith.constant 0 : i32
        %dma_wait3A_164 = tpu.memref_slice %arg3[%dma_wait3A_158, %add3A_155, %dma_wait3A_163] : memref<2x2560x128xi32, #tpu.memory_space<hbm>> -> memref<1x16x128xi32, #tpu.memory_space<hbm>>
        %dma_wait3A_165 = tpu.memref_squeeze %dma_wait3A_164 : memref<1x16x128xi32, #tpu.memory_space<hbm>> -> memref<16x128xi32, #tpu.memory_space<hbm>>
        %dma_wait3A_166 = arith.constant 0 : i32
        %dma_wait3A_167 = arith.constant 0 : i32
        %dma_wait3A_168 = tpu.memref_slice %arg7[%sub3A_157, %dma_wait3A_166, %dma_wait3A_167] : memref<2x16x128xi32, #tpu.memory_space<vmem>> -> memref<1x16x128xi32, #tpu.memory_space<vmem>>
        %dma_wait3A_169 = tpu.memref_squeeze %dma_wait3A_168 : memref<1x16x128xi32, #tpu.memory_space<vmem>> -> memref<16x128xi32, #tpu.memory_space<vmem>>
        %dma_wait3A_170 = arith.constant 0 : i32
        %dma_wait3A_171 = tpu.memref_slice %arg3[%dma_wait3A_158, %add3A_155, %dma_wait3A_170] : memref<2x2560x128xi32, #tpu.memory_space<hbm>> -> memref<1x16x128xi32, #tpu.memory_space<hbm>>
        %dma_wait3A_172 = tpu.memref_squeeze %dma_wait3A_171 : memref<1x16x128xi32, #tpu.memory_space<hbm>> -> memref<16x128xi32, #tpu.memory_space<hbm>>
        tpu.wait_dma2 semaphore(%arg11 : memref<!tpu.dma_semaphore, #tpu.memory_space<semaphore_mem>>) src(%dma_wait3A_172 : memref<16x128xi32, #tpu.memory_space<hbm>>) dst(%dma_wait3A_169 : memref<16x128xi32, #tpu.memory_space<vmem>>)
      } else {
      }
      %dma_wait3A = arith.constant 14 : i32
      %dma_wait3A_81 = arith.constant 0 : i32
      %dma_wait3A_82 = arith.constant 0 : i32
      %dma_wait3A_83 = arith.constant 0 : i32
      %dma_wait3A_84 = tpu.memref_slice %arg8[%dma_wait3A_81, %dma_wait3A_82, %dma_wait3A_83] : memref<2x128x128xf32, #tpu.memory_space<vmem>> -> memref<1x128x128xf32, #tpu.memory_space<vmem>>
      %dma_wait3A_85 = tpu.memref_squeeze %dma_wait3A_84 : memref<1x128x128xf32, #tpu.memory_space<vmem>> -> memref<128x128xf32, #tpu.memory_space<vmem>>
      %dma_wait3A_86 = arith.constant 0 : i32
      %dma_wait3A_87 = tpu.memref_slice %arg6[%select_n3A_63, %dma_wait3A, %dma_wait3A_86] : memref<2x16x128xi32, #tpu.memory_space<vmem>> -> memref<1x1x128xi32, #tpu.memory_space<vmem>>
      %dma_wait3A_88 = tpu.memref_squeeze %dma_wait3A_87 : memref<1x1x128xi32, #tpu.memory_space<vmem>> -> memref<128xi32, #tpu.memory_space<vmem>>
      %dma_wait3A_89 = arith.constant 0 : i32
      %dma_wait3A_90 = arith.constant 0 : i32
      %dma_wait3A_91 = tpu.memref_slice %arg2[%arg0, %dma_wait3A_89, %dma_wait3A_90] : memref<2x10000x128xf32, #tpu.memory_space<hbm>> -> memref<1x10000x128xf32, #tpu.memory_space<hbm>>
      %dma_wait3A_92 = tpu.memref_squeeze %dma_wait3A_91 : memref<1x10000x128xf32, #tpu.memory_space<hbm>> -> memref<10000x128xf32, #tpu.memory_space<hbm>>
      %dma_wait3A_93 = arith.constant 0 : i32
      %dma_wait3A_94 = arith.constant 0 : i32
      %dma_wait3A_95 = tpu.memref_slice %dma_wait3A_92[%dma_wait3A_93, %dma_wait3A_94] : memref<10000x128xf32, #tpu.memory_space<hbm>> -> memref<10000x128xf32, #tpu.memory_space<hbm>>
      tpu.wait_indirect_dma semaphore(%arg10 : memref<!tpu.dma_semaphore, #tpu.memory_space<semaphore_mem>>) src(%dma_wait3A_95 : memref<10000x128xf32, #tpu.memory_space<hbm>>) dst(%dma_wait3A_85 : memref<128x128xf32, #tpu.memory_space<vmem>>)
      %run_scoped3A_96 = arith.constant 0 : i32
      %run_scoped3A_97 = arith.constant 14 : i32
      "tpu.region"() ({
        %run_scoped3A_130 = tpu.sem_alloc : memref<!tpu.dma_semaphore, #tpu.memory_space<semaphore_mem>>
        %dma_start3A_131 = arith.constant 0 : i32
        %dma_start3A_132 = arith.constant 0 : i32
        %dma_start3A_133 = tpu.memref_slice %arg8[%run_scoped3A_96, %dma_start3A_131, %dma_start3A_132] : memref<2x128x128xf32, #tpu.memory_space<vmem>> -> memref<1x128x128xf32, #tpu.memory_space<vmem>>
        %dma_start3A_134 = tpu.memref_squeeze %dma_start3A_133 : memref<1x128x128xf32, #tpu.memory_space<vmem>> -> memref<128x128xf32, #tpu.memory_space<vmem>>
        %dma_start3A_135 = arith.constant 0 : i32
        %dma_start3A_136 = tpu.memref_slice %arg7[%select_n3A_63, %run_scoped3A_97, %dma_start3A_135] : memref<2x16x128xi32, #tpu.memory_space<vmem>> -> memref<1x1x128xi32, #tpu.memory_space<vmem>>
        %dma_start3A_137 = tpu.memref_squeeze %dma_start3A_136 : memref<1x1x128xi32, #tpu.memory_space<vmem>> -> memref<128xi32, #tpu.memory_space<vmem>>
        %dma_start3A_138 = arith.constant 0 : i32
        %dma_start3A_139 = arith.constant 0 : i32
        %dma_start3A_140 = tpu.memref_slice %arg9[%dma_start3A_138, %dma_start3A_139] : memref<10240x128xf32, #tpu.memory_space<vmem_shared>> -> memref<10240x128xf32, #tpu.memory_space<vmem_shared>>
        tpu.enqueue_indirect_dma source(%dma_start3A_134 : memref<128x128xf32, #tpu.memory_space<vmem>>) target(%dma_start3A_140 : memref<10240x128xf32, #tpu.memory_space<vmem_shared>>) offsets(%dma_start3A_137 : memref<128xi32, #tpu.memory_space<vmem>>) semaphore(%run_scoped3A_130 : memref<!tpu.dma_semaphore, #tpu.memory_space<semaphore_mem>>) {add = true}
        %dma_wait3A_141 = arith.constant 0 : i32
        %dma_wait3A_142 = arith.constant 0 : i32
        %dma_wait3A_143 = tpu.memref_slice %arg8[%run_scoped3A_96, %dma_wait3A_141, %dma_wait3A_142] : memref<2x128x128xf32, #tpu.memory_space<vmem>> -> memref<1x128x128xf32, #tpu.memory_space<vmem>>
        %dma_wait3A_144 = tpu.memref_squeeze %dma_wait3A_143 : memref<1x128x128xf32, #tpu.memory_space<vmem>> -> memref<128x128xf32, #tpu.memory_space<vmem>>
        %dma_wait3A_145 = arith.constant 0 : i32
        %dma_wait3A_146 = tpu.memref_slice %arg7[%select_n3A_63, %run_scoped3A_97, %dma_wait3A_145] : memref<2x16x128xi32, #tpu.memory_space<vmem>> -> memref<1x1x128xi32, #tpu.memory_space<vmem>>
        %dma_wait3A_147 = tpu.memref_squeeze %dma_wait3A_146 : memref<1x1x128xi32, #tpu.memory_space<vmem>> -> memref<128xi32, #tpu.memory_space<vmem>>
        %dma_wait3A_148 = arith.constant 0 : i32
        %dma_wait3A_149 = arith.constant 0 : i32
        %dma_wait3A_150 = tpu.memref_slice %arg9[%dma_wait3A_148, %dma_wait3A_149] : memref<10240x128xf32, #tpu.memory_space<vmem_shared>> -> memref<10240x128xf32, #tpu.memory_space<vmem_shared>>
        tpu.wait_indirect_dma semaphore(%run_scoped3A_130 : memref<!tpu.dma_semaphore, #tpu.memory_space<semaphore_mem>>) src(%dma_wait3A_144 : memref<128x128xf32, #tpu.memory_space<vmem>>) dst(%dma_wait3A_150 : memref<10240x128xf32, #tpu.memory_space<vmem_shared>>)
        tpu.yield
      }) : () -> ()
      %add3A_98 = arith.constant 1 : i32
      %add3A_99 = arith.addi %add3A_54, %add3A_98 : i32
      %lt3A_100 = arith.constant 10 : i32
      %lt3A_101 = arith.cmpi slt, %add3A_99, %lt3A_100 : i32
      %convert_element_type3A_102 = arith.extui %lt3A_101 : i1 to i32
      %cond3A_103 = arith.constant 0 : i32
      %cond3A_104 = arith.cmpi ne, %convert_element_type3A_102, %cond3A_103 : i32
      scf.if %cond3A_104 {
        %sub3A = arith.constant 1 : i32
        %sub3A_130 = arith.subi %sub3A, %select_n3A_63 : i32
        %dma_start3A_131 = arith.constant 0 : i32
        %dma_start3A_132 = arith.constant 0 : i32
        %dma_start3A_133 = arith.constant 0 : i32
        %dma_start3A_134 = arith.constant 0 : i32
        %dma_start3A_135 = tpu.memref_slice %arg8[%dma_start3A_132, %dma_start3A_133, %dma_start3A_134] : memref<2x128x128xf32, #tpu.memory_space<vmem>> -> memref<1x128x128xf32, #tpu.memory_space<vmem>>
        %dma_start3A_136 = tpu.memref_squeeze %dma_start3A_135 : memref<1x128x128xf32, #tpu.memory_space<vmem>> -> memref<128x128xf32, #tpu.memory_space<vmem>>
        %dma_start3A_137 = arith.constant 0 : i32
        %dma_start3A_138 = tpu.memref_slice %arg6[%sub3A_130, %dma_start3A_131, %dma_start3A_137] : memref<2x16x128xi32, #tpu.memory_space<vmem>> -> memref<1x1x128xi32, #tpu.memory_space<vmem>>
        %dma_start3A_139 = tpu.memref_squeeze %dma_start3A_138 : memref<1x1x128xi32, #tpu.memory_space<vmem>> -> memref<128xi32, #tpu.memory_space<vmem>>
        %dma_start3A_140 = arith.constant 0 : i32
        %dma_start3A_141 = arith.constant 0 : i32
        %dma_start3A_142 = tpu.memref_slice %arg2[%arg0, %dma_start3A_140, %dma_start3A_141] : memref<2x10000x128xf32, #tpu.memory_space<hbm>> -> memref<1x10000x128xf32, #tpu.memory_space<hbm>>
        %dma_start3A_143 = tpu.memref_squeeze %dma_start3A_142 : memref<1x10000x128xf32, #tpu.memory_space<hbm>> -> memref<10000x128xf32, #tpu.memory_space<hbm>>
        %dma_start3A_144 = arith.constant 0 : i32
        %dma_start3A_145 = arith.constant 0 : i32
        %dma_start3A_146 = tpu.memref_slice %dma_start3A_143[%dma_start3A_144, %dma_start3A_145] : memref<10000x128xf32, #tpu.memory_space<hbm>> -> memref<10000x128xf32, #tpu.memory_space<hbm>>
        tpu.enqueue_indirect_dma source(%dma_start3A_146 : memref<10000x128xf32, #tpu.memory_space<hbm>>) target(%dma_start3A_136 : memref<128x128xf32, #tpu.memory_space<vmem>>) offsets(%dma_start3A_139 : memref<128xi32, #tpu.memory_space<vmem>>) semaphore(%arg10 : memref<!tpu.dma_semaphore, #tpu.memory_space<semaphore_mem>>)
      } else {
      }
      %dma_wait3A_105 = arith.constant 15 : i32
      %dma_wait3A_106 = arith.constant 1 : i32
      %dma_wait3A_107 = arith.constant 0 : i32
      %dma_wait3A_108 = arith.constant 0 : i32
      %dma_wait3A_109 = tpu.memref_slice %arg8[%dma_wait3A_106, %dma_wait3A_107, %dma_wait3A_108] : memref<2x128x128xf32, #tpu.memory_space<vmem>> -> memref<1x128x128xf32, #tpu.memory_space<vmem>>
      %dma_wait3A_110 = tpu.memref_squeeze %dma_wait3A_109 : memref<1x128x128xf32, #tpu.memory_space<vmem>> -> memref<128x128xf32, #tpu.memory_space<vmem>>
      %dma_wait3A_111 = arith.constant 0 : i32
      %dma_wait3A_112 = tpu.memref_slice %arg6[%select_n3A_63, %dma_wait3A_105, %dma_wait3A_111] : memref<2x16x128xi32, #tpu.memory_space<vmem>> -> memref<1x1x128xi32, #tpu.memory_space<vmem>>
      %dma_wait3A_113 = tpu.memref_squeeze %dma_wait3A_112 : memref<1x1x128xi32, #tpu.memory_space<vmem>> -> memref<128xi32, #tpu.memory_space<vmem>>
      %dma_wait3A_114 = arith.constant 0 : i32
      %dma_wait3A_115 = arith.constant 0 : i32
      %dma_wait3A_116 = tpu.memref_slice %arg2[%arg0, %dma_wait3A_114, %dma_wait3A_115] : memref<2x10000x128xf32, #tpu.memory_space<hbm>> -> memref<1x10000x128xf32, #tpu.memory_space<hbm>>
      %dma_wait3A_117 = tpu.memref_squeeze %dma_wait3A_116 : memref<1x10000x128xf32, #tpu.memory_space<hbm>> -> memref<10000x128xf32, #tpu.memory_space<hbm>>
      %dma_wait3A_118 = arith.constant 0 : i32
      %dma_wait3A_119 = arith.constant 0 : i32
      %dma_wait3A_120 = tpu.memref_slice %dma_wait3A_117[%dma_wait3A_118, %dma_wait3A_119] : memref<10000x128xf32, #tpu.memory_space<hbm>> -> memref<10000x128xf32, #tpu.memory_space<hbm>>
      tpu.wait_indirect_dma semaphore(%arg10 : memref<!tpu.dma_semaphore, #tpu.memory_space<semaphore_mem>>) src(%dma_wait3A_120 : memref<10000x128xf32, #tpu.memory_space<hbm>>) dst(%dma_wait3A_110 : memref<128x128xf32, #tpu.memory_space<vmem>>)
      %run_scoped3A_121 = arith.constant 1 : i32
      %run_scoped3A_122 = arith.constant 15 : i32
      "tpu.region"() ({
        %run_scoped3A_130 = tpu.sem_alloc : memref<!tpu.dma_semaphore, #tpu.memory_space<semaphore_mem>>
        %dma_start3A_131 = arith.constant 0 : i32
        %dma_start3A_132 = arith.constant 0 : i32
        %dma_start3A_133 = tpu.memref_slice %arg8[%run_scoped3A_121, %dma_start3A_131, %dma_start3A_132] : memref<2x128x128xf32, #tpu.memory_space<vmem>> -> memref<1x128x128xf32, #tpu.memory_space<vmem>>
        %dma_start3A_134 = tpu.memref_squeeze %dma_start3A_133 : memref<1x128x128xf32, #tpu.memory_space<vmem>> -> memref<128x128xf32, #tpu.memory_space<vmem>>
        %dma_start3A_135 = arith.constant 0 : i32
        %dma_start3A_136 = tpu.memref_slice %arg7[%select_n3A_63, %run_scoped3A_122, %dma_start3A_135] : memref<2x16x128xi32, #tpu.memory_space<vmem>> -> memref<1x1x128xi32, #tpu.memory_space<vmem>>
        %dma_start3A_137 = tpu.memref_squeeze %dma_start3A_136 : memref<1x1x128xi32, #tpu.memory_space<vmem>> -> memref<128xi32, #tpu.memory_space<vmem>>
        %dma_start3A_138 = arith.constant 0 : i32
        %dma_start3A_139 = arith.constant 0 : i32
        %dma_start3A_140 = tpu.memref_slice %arg9[%dma_start3A_138, %dma_start3A_139] : memref<10240x128xf32, #tpu.memory_space<vmem_shared>> -> memref<10240x128xf32, #tpu.memory_space<vmem_shared>>
        tpu.enqueue_indirect_dma source(%dma_start3A_134 : memref<128x128xf32, #tpu.memory_space<vmem>>) target(%dma_start3A_140 : memref<10240x128xf32, #tpu.memory_space<vmem_shared>>) offsets(%dma_start3A_137 : memref<128xi32, #tpu.memory_space<vmem>>) semaphore(%run_scoped3A_130 : memref<!tpu.dma_semaphore, #tpu.memory_space<semaphore_mem>>) {add = true}
        %dma_wait3A_141 = arith.constant 0 : i32
        %dma_wait3A_142 = arith.constant 0 : i32
        %dma_wait3A_143 = tpu.memref_slice %arg8[%run_scoped3A_121, %dma_wait3A_141, %dma_wait3A_142] : memref<2x128x128xf32, #tpu.memory_space<vmem>> -> memref<1x128x128xf32, #tpu.memory_space<vmem>>
        %dma_wait3A_144 = tpu.memref_squeeze %dma_wait3A_143 : memref<1x128x128xf32, #tpu.memory_space<vmem>> -> memref<128x128xf32, #tpu.memory_space<vmem>>
        %dma_wait3A_145 = arith.constant 0 : i32
        %dma_wait3A_146 = tpu.memref_slice %arg7[%select_n3A_63, %run_scoped3A_122, %dma_wait3A_145] : memref<2x16x128xi32, #tpu.memory_space<vmem>> -> memref<1x1x128xi32, #tpu.memory_space<vmem>>
        %dma_wait3A_147 = tpu.memref_squeeze %dma_wait3A_146 : memref<1x1x128xi32, #tpu.memory_space<vmem>> -> memref<128xi32, #tpu.memory_space<vmem>>
        %dma_wait3A_148 = arith.constant 0 : i32
        %dma_wait3A_149 = arith.constant 0 : i32
        %dma_wait3A_150 = tpu.memref_slice %arg9[%dma_wait3A_148, %dma_wait3A_149] : memref<10240x128xf32, #tpu.memory_space<vmem_shared>> -> memref<10240x128xf32, #tpu.memory_space<vmem_shared>>
        tpu.wait_indirect_dma semaphore(%run_scoped3A_130 : memref<!tpu.dma_semaphore, #tpu.memory_space<semaphore_mem>>) src(%dma_wait3A_144 : memref<128x128xf32, #tpu.memory_space<vmem>>) dst(%dma_wait3A_150 : memref<10240x128xf32, #tpu.memory_space<vmem_shared>>)
        tpu.yield
      }) : () -> ()
      %add3A_123 = arith.constant 1 : i32
      %add3A_124 = arith.addi %add3A_54, %add3A_123 : i32
      %lt3A_125 = arith.constant 10 : i32
      %lt3A_126 = arith.cmpi slt, %add3A_124, %lt3A_125 : i32
      %convert_element_type3A_127 = arith.extui %lt3A_126 : i1 to i32
      %cond3A_128 = arith.constant 0 : i32
      %cond3A_129 = arith.cmpi ne, %convert_element_type3A_127, %cond3A_128 : i32
      scf.if %cond3A_129 {
        %sub3A = arith.constant 1 : i32
        %sub3A_130 = arith.subi %sub3A, %select_n3A_63 : i32
        %dma_start3A_131 = arith.constant 1 : i32
        %dma_start3A_132 = arith.constant 1 : i32
        %dma_start3A_133 = arith.constant 0 : i32
        %dma_start3A_134 = arith.constant 0 : i32
        %dma_start3A_135 = tpu.memref_slice %arg8[%dma_start3A_132, %dma_start3A_133, %dma_start3A_134] : memref<2x128x128xf32, #tpu.memory_space<vmem>> -> memref<1x128x128xf32, #tpu.memory_space<vmem>>
        %dma_start3A_136 = tpu.memref_squeeze %dma_start3A_135 : memref<1x128x128xf32, #tpu.memory_space<vmem>> -> memref<128x128xf32, #tpu.memory_space<vmem>>
        %dma_start3A_137 = arith.constant 0 : i32
        %dma_start3A_138 = tpu.memref_slice %arg6[%sub3A_130, %dma_start3A_131, %dma_start3A_137] : memref<2x16x128xi32, #tpu.memory_space<vmem>> -> memref<1x1x128xi32, #tpu.memory_space<vmem>>
        %dma_start3A_139 = tpu.memref_squeeze %dma_start3A_138 : memref<1x1x128xi32, #tpu.memory_space<vmem>> -> memref<128xi32, #tpu.memory_space<vmem>>
        %dma_start3A_140 = arith.constant 0 : i32
        %dma_start3A_141 = arith.constant 0 : i32
        %dma_start3A_142 = tpu.memref_slice %arg2[%arg0, %dma_start3A_140, %dma_start3A_141] : memref<2x10000x128xf32, #tpu.memory_space<hbm>> -> memref<1x10000x128xf32, #tpu.memory_space<hbm>>
        %dma_start3A_143 = tpu.memref_squeeze %dma_start3A_142 : memref<1x10000x128xf32, #tpu.memory_space<hbm>> -> memref<10000x128xf32, #tpu.memory_space<hbm>>
        %dma_start3A_144 = arith.constant 0 : i32
        %dma_start3A_145 = arith.constant 0 : i32
        %dma_start3A_146 = tpu.memref_slice %dma_start3A_143[%dma_start3A_144, %dma_start3A_145] : memref<10000x128xf32, #tpu.memory_space<hbm>> -> memref<10000x128xf32, #tpu.memory_space<hbm>>
        tpu.enqueue_indirect_dma source(%dma_start3A_146 : memref<10000x128xf32, #tpu.memory_space<hbm>>) target(%dma_start3A_136 : memref<128x128xf32, #tpu.memory_space<vmem>>) offsets(%dma_start3A_139 : memref<128xi32, #tpu.memory_space<vmem>>) semaphore(%arg10 : memref<!tpu.dma_semaphore, #tpu.memory_space<semaphore_mem>>)
      } else {
      }
    }
    %scan3A_44 = arith.constant 10 : i32
    %barrier3A_45 = arith.constant 0 : index
    tpu.barrier barrier_id(%barrier3A_45)
    %mul3A_46 = arith.constant 640 : i32
    %mul3A_47 = arith.muli %arg1, %mul3A_46 : i32
    %mul3A_48 = arith.constant 640 : i32
    %mul3A_49 = arith.muli %arg1, %mul3A_48 : i32
    "tpu.region"() ({
      %run_scoped3A_50 = tpu.sem_alloc : memref<!tpu.dma_semaphore, #tpu.memory_space<semaphore_mem>>
      %dma_start3A_51 = arith.constant 0 : i32
      %dma_start3A_52 = tpu.memref_slice %arg5[%arg0, %mul3A_49, %dma_start3A_51] : memref<2x10240x128xf32, #tpu.memory_space<hbm>> -> memref<1x640x128xf32, #tpu.memory_space<hbm>>
      %dma_start3A_53 = tpu.memref_squeeze %dma_start3A_52 : memref<1x640x128xf32, #tpu.memory_space<hbm>> -> memref<640x128xf32, #tpu.memory_space<hbm>>
      %dma_start3A_54 = arith.constant 0 : i32
      %dma_start3A_55 = tpu.memref_slice %arg9[%mul3A_47, %dma_start3A_54] : memref<10240x128xf32, #tpu.memory_space<vmem_shared>> -> memref<640x128xf32, #tpu.memory_space<vmem_shared>>
      tpu.enqueue_dma source(%dma_start3A_55 : memref<640x128xf32, #tpu.memory_space<vmem_shared>>) target(%dma_start3A_53 : memref<640x128xf32, #tpu.memory_space<hbm>>) target_semaphore(%run_scoped3A_50 : memref<!tpu.dma_semaphore, #tpu.memory_space<semaphore_mem>>)
      %dma_wait3A = arith.constant 0 : i32
      %dma_wait3A_56 = tpu.memref_slice %arg5[%arg0, %mul3A_49, %dma_wait3A] : memref<2x10240x128xf32, #tpu.memory_space<hbm>> -> memref<1x640x128xf32, #tpu.memory_space<hbm>>
      %dma_wait3A_57 = tpu.memref_squeeze %dma_wait3A_56 : memref<1x640x128xf32, #tpu.memory_space<hbm>> -> memref<640x128xf32, #tpu.memory_space<hbm>>
      %dma_wait3A_58 = arith.constant 0 : i32
      %dma_wait3A_59 = tpu.memref_slice %arg9[%mul3A_47, %dma_wait3A_58] : memref<10240x128xf32, #tpu.memory_space<vmem_shared>> -> memref<640x128xf32, #tpu.memory_space<vmem_shared>>
      tpu.wait_dma2 semaphore(%run_scoped3A_50 : memref<!tpu.dma_semaphore, #tpu.memory_space<semaphore_mem>>) src(%dma_wait3A_59 : memref<640x128xf32, #tpu.memory_space<vmem_shared>>) dst(%dma_wait3A_57 : memref<640x128xf32, #tpu.memory_space<hbm>>)
      tpu.yield
    }) : () -> ()
    return
  }
}

#map = affine_map<(d0, d1) -> (0, 0)>
#map1 = affine_map<(d0, d1) -> (0, 0, 0)>
module attributes {stable_mosaic.version = 14 : i64} {
  func.func @_prop_body(%arg0: i32, %arg1: i32, %arg2: memref<10000x128xf32, #tpu.memory_space<hbm>>, %arg3: memref<2x2560x128xi32, #tpu.memory_space<hbm>>, %arg4: memref<640x128xf32, #tpu.memory_space<hbm>>, %arg5: memref<2x10240x128xf32, #tpu.memory_space<hbm>>, %arg6: memref<2x16x128xi32, #tpu.memory_space<vmem>>, %arg7: memref<2x16x128xi32, #tpu.memory_space<vmem>>, %arg8: memref<2x128x128xf32, #tpu.memory_space<vmem>>, %arg9: memref<10240x128xf32, #tpu.memory_space<vmem_shared>>, %arg10: memref<!tpu.dma_semaphore, #tpu.memory_space<semaphore_mem>>, %arg11: memref<!tpu.dma_semaphore, #tpu.memory_space<semaphore_mem>>) attributes {dimension_semantics = [#tpu.dimension_semantics<core_parallel>, #tpu.dimension_semantics<subcore_parallel>], iteration_bounds = array<i64: 2, 16>, scalar_prefetch = 0 : i64, scratch_operands = 6 : i64, tpu.core_type = #tpu.core_type<sc_vector_subcore>, window_params = [{transform_indices = #map}, {transform_indices = #map1}, {transform_indices = #map}, {transform_indices = #map1}]} {
    %mul3A = arith.constant 640 : i32
    %mul3A_0 = arith.muli %arg1, %mul3A : i32
    "tpu.region"() ({
      %run_scoped3A_42 = tpu.sem_alloc : memref<!tpu.dma_semaphore, #tpu.memory_space<semaphore_mem>>
      %dma_start3A_43 = arith.constant 0 : i32
      %dma_start3A_44 = tpu.memref_slice %arg9[%mul3A_0, %dma_start3A_43] : memref<10240x128xf32, #tpu.memory_space<vmem_shared>> -> memref<640x128xf32, #tpu.memory_space<vmem_shared>>
      tpu.enqueue_dma source(%arg4 : memref<640x128xf32, #tpu.memory_space<hbm>>) target(%dma_start3A_44 : memref<640x128xf32, #tpu.memory_space<vmem_shared>>) target_semaphore(%run_scoped3A_42 : memref<!tpu.dma_semaphore, #tpu.memory_space<semaphore_mem>>)
      %dma_wait3A = arith.constant 0 : i32
      %dma_wait3A_45 = tpu.memref_slice %arg9[%mul3A_0, %dma_wait3A] : memref<10240x128xf32, #tpu.memory_space<vmem_shared>> -> memref<640x128xf32, #tpu.memory_space<vmem_shared>>
      tpu.wait_dma2 semaphore(%run_scoped3A_42 : memref<!tpu.dma_semaphore, #tpu.memory_space<semaphore_mem>>) src(%arg4 : memref<640x128xf32, #tpu.memory_space<hbm>>) dst(%dma_wait3A_45 : memref<640x128xf32, #tpu.memory_space<vmem_shared>>)
      tpu.yield
    }) : () -> ()
    %mul3A_1 = arith.constant 1280 : i32
    %mul3A_2 = arith.muli %arg0, %mul3A_1 : i32
    %mul3A_3 = arith.constant 80 : i32
    %mul3A_4 = arith.muli %arg1, %mul3A_3 : i32
    %add3A = arith.addi %mul3A_2, %mul3A_4 : i32
    %barrier3A = arith.constant 0 : index
    tpu.barrier barrier_id(%barrier3A)
    %run_scoped3A = arith.constant 0 : i32
    %run_scoped3A_5 = arith.constant 0 : i32
    "tpu.region"() ({
      %run_scoped3A_42 = tpu.sem_alloc : memref<!tpu.dma_semaphore, #tpu.memory_space<semaphore_mem>>
      %dma_start3A_43 = arith.constant 0 : i32
      %dma_start3A_44 = arith.constant 0 : i32
      %dma_start3A_45 = tpu.memref_slice %arg6[%run_scoped3A_5, %dma_start3A_43, %dma_start3A_44] : memref<2x16x128xi32, #tpu.memory_space<vmem>> -> memref<1x16x128xi32, #tpu.memory_space<vmem>>
      %dma_start3A_46 = tpu.memref_squeeze %dma_start3A_45 : memref<1x16x128xi32, #tpu.memory_space<vmem>> -> memref<16x128xi32, #tpu.memory_space<vmem>>
      %dma_start3A_47 = arith.constant 0 : i32
      %dma_start3A_48 = tpu.memref_slice %arg3[%run_scoped3A, %add3A, %dma_start3A_47] : memref<2x2560x128xi32, #tpu.memory_space<hbm>> -> memref<1x16x128xi32, #tpu.memory_space<hbm>>
      %dma_start3A_49 = tpu.memref_squeeze %dma_start3A_48 : memref<1x16x128xi32, #tpu.memory_space<hbm>> -> memref<16x128xi32, #tpu.memory_space<hbm>>
      %dma_start3A_50 = arith.constant 0 : i32
      %dma_start3A_51 = arith.constant 0 : i32
      %dma_start3A_52 = tpu.memref_slice %arg6[%run_scoped3A_5, %dma_start3A_50, %dma_start3A_51] : memref<2x16x128xi32, #tpu.memory_space<vmem>> -> memref<1x16x128xi32, #tpu.memory_space<vmem>>
      %dma_start3A_53 = tpu.memref_squeeze %dma_start3A_52 : memref<1x16x128xi32, #tpu.memory_space<vmem>> -> memref<16x128xi32, #tpu.memory_space<vmem>>
      %dma_start3A_54 = arith.constant 0 : i32
      %dma_start3A_55 = tpu.memref_slice %arg3[%run_scoped3A, %add3A, %dma_start3A_54] : memref<2x2560x128xi32, #tpu.memory_space<hbm>> -> memref<1x16x128xi32, #tpu.memory_space<hbm>>
      %dma_start3A_56 = tpu.memref_squeeze %dma_start3A_55 : memref<1x16x128xi32, #tpu.memory_space<hbm>> -> memref<16x128xi32, #tpu.memory_space<hbm>>
      tpu.enqueue_dma source(%dma_start3A_56 : memref<16x128xi32, #tpu.memory_space<hbm>>) target(%dma_start3A_53 : memref<16x128xi32, #tpu.memory_space<vmem>>) target_semaphore(%run_scoped3A_42 : memref<!tpu.dma_semaphore, #tpu.memory_space<semaphore_mem>>)
      %dma_wait3A = arith.constant 0 : i32
      %dma_wait3A_57 = arith.constant 0 : i32
      %dma_wait3A_58 = tpu.memref_slice %arg6[%run_scoped3A_5, %dma_wait3A, %dma_wait3A_57] : memref<2x16x128xi32, #tpu.memory_space<vmem>> -> memref<1x16x128xi32, #tpu.memory_space<vmem>>
      %dma_wait3A_59 = tpu.memref_squeeze %dma_wait3A_58 : memref<1x16x128xi32, #tpu.memory_space<vmem>> -> memref<16x128xi32, #tpu.memory_space<vmem>>
      %dma_wait3A_60 = arith.constant 0 : i32
      %dma_wait3A_61 = tpu.memref_slice %arg3[%run_scoped3A, %add3A, %dma_wait3A_60] : memref<2x2560x128xi32, #tpu.memory_space<hbm>> -> memref<1x16x128xi32, #tpu.memory_space<hbm>>
      %dma_wait3A_62 = tpu.memref_squeeze %dma_wait3A_61 : memref<1x16x128xi32, #tpu.memory_space<hbm>> -> memref<16x128xi32, #tpu.memory_space<hbm>>
      %dma_wait3A_63 = arith.constant 0 : i32
      %dma_wait3A_64 = arith.constant 0 : i32
      %dma_wait3A_65 = tpu.memref_slice %arg6[%run_scoped3A_5, %dma_wait3A_63, %dma_wait3A_64] : memref<2x16x128xi32, #tpu.memory_space<vmem>> -> memref<1x16x128xi32, #tpu.memory_space<vmem>>
      %dma_wait3A_66 = tpu.memref_squeeze %dma_wait3A_65 : memref<1x16x128xi32, #tpu.memory_space<vmem>> -> memref<16x128xi32, #tpu.memory_space<vmem>>
      %dma_wait3A_67 = arith.constant 0 : i32
      %dma_wait3A_68 = tpu.memref_slice %arg3[%run_scoped3A, %add3A, %dma_wait3A_67] : memref<2x2560x128xi32, #tpu.memory_space<hbm>> -> memref<1x16x128xi32, #tpu.memory_space<hbm>>
      %dma_wait3A_69 = tpu.memref_squeeze %dma_wait3A_68 : memref<1x16x128xi32, #tpu.memory_space<hbm>> -> memref<16x128xi32, #tpu.memory_space<hbm>>
      tpu.wait_dma2 semaphore(%run_scoped3A_42 : memref<!tpu.dma_semaphore, #tpu.memory_space<semaphore_mem>>) src(%dma_wait3A_69 : memref<16x128xi32, #tpu.memory_space<hbm>>) dst(%dma_wait3A_66 : memref<16x128xi32, #tpu.memory_space<vmem>>)
      tpu.yield
    }) : () -> ()
    %run_scoped3A_6 = arith.constant 1 : i32
    %run_scoped3A_7 = arith.constant 0 : i32
    "tpu.region"() ({
      %run_scoped3A_42 = tpu.sem_alloc : memref<!tpu.dma_semaphore, #tpu.memory_space<semaphore_mem>>
      %dma_start3A_43 = arith.constant 0 : i32
      %dma_start3A_44 = arith.constant 0 : i32
      %dma_start3A_45 = tpu.memref_slice %arg7[%run_scoped3A_7, %dma_start3A_43, %dma_start3A_44] : memref<2x16x128xi32, #tpu.memory_space<vmem>> -> memref<1x16x128xi32, #tpu.memory_space<vmem>>
      %dma_start3A_46 = tpu.memref_squeeze %dma_start3A_45 : memref<1x16x128xi32, #tpu.memory_space<vmem>> -> memref<16x128xi32, #tpu.memory_space<vmem>>
      %dma_start3A_47 = arith.constant 0 : i32
      %dma_start3A_48 = tpu.memref_slice %arg3[%run_scoped3A_6, %add3A, %dma_start3A_47] : memref<2x2560x128xi32, #tpu.memory_space<hbm>> -> memref<1x16x128xi32, #tpu.memory_space<hbm>>
      %dma_start3A_49 = tpu.memref_squeeze %dma_start3A_48 : memref<1x16x128xi32, #tpu.memory_space<hbm>> -> memref<16x128xi32, #tpu.memory_space<hbm>>
      %dma_start3A_50 = arith.constant 0 : i32
      %dma_start3A_51 = arith.constant 0 : i32
      %dma_start3A_52 = tpu.memref_slice %arg7[%run_scoped3A_7, %dma_start3A_50, %dma_start3A_51] : memref<2x16x128xi32, #tpu.memory_space<vmem>> -> memref<1x16x128xi32, #tpu.memory_space<vmem>>
      %dma_start3A_53 = tpu.memref_squeeze %dma_start3A_52 : memref<1x16x128xi32, #tpu.memory_space<vmem>> -> memref<16x128xi32, #tpu.memory_space<vmem>>
      %dma_start3A_54 = arith.constant 0 : i32
      %dma_start3A_55 = tpu.memref_slice %arg3[%run_scoped3A_6, %add3A, %dma_start3A_54] : memref<2x2560x128xi32, #tpu.memory_space<hbm>> -> memref<1x16x128xi32, #tpu.memory_space<hbm>>
      %dma_start3A_56 = tpu.memref_squeeze %dma_start3A_55 : memref<1x16x128xi32, #tpu.memory_space<hbm>> -> memref<16x128xi32, #tpu.memory_space<hbm>>
      tpu.enqueue_dma source(%dma_start3A_56 : memref<16x128xi32, #tpu.memory_space<hbm>>) target(%dma_start3A_53 : memref<16x128xi32, #tpu.memory_space<vmem>>) target_semaphore(%run_scoped3A_42 : memref<!tpu.dma_semaphore, #tpu.memory_space<semaphore_mem>>)
      %dma_wait3A = arith.constant 0 : i32
      %dma_wait3A_57 = arith.constant 0 : i32
      %dma_wait3A_58 = tpu.memref_slice %arg7[%run_scoped3A_7, %dma_wait3A, %dma_wait3A_57] : memref<2x16x128xi32, #tpu.memory_space<vmem>> -> memref<1x16x128xi32, #tpu.memory_space<vmem>>
      %dma_wait3A_59 = tpu.memref_squeeze %dma_wait3A_58 : memref<1x16x128xi32, #tpu.memory_space<vmem>> -> memref<16x128xi32, #tpu.memory_space<vmem>>
      %dma_wait3A_60 = arith.constant 0 : i32
      %dma_wait3A_61 = tpu.memref_slice %arg3[%run_scoped3A_6, %add3A, %dma_wait3A_60] : memref<2x2560x128xi32, #tpu.memory_space<hbm>> -> memref<1x16x128xi32, #tpu.memory_space<hbm>>
      %dma_wait3A_62 = tpu.memref_squeeze %dma_wait3A_61 : memref<1x16x128xi32, #tpu.memory_space<hbm>> -> memref<16x128xi32, #tpu.memory_space<hbm>>
      %dma_wait3A_63 = arith.constant 0 : i32
      %dma_wait3A_64 = arith.constant 0 : i32
      %dma_wait3A_65 = tpu.memref_slice %arg7[%run_scoped3A_7, %dma_wait3A_63, %dma_wait3A_64] : memref<2x16x128xi32, #tpu.memory_space<vmem>> -> memref<1x16x128xi32, #tpu.memory_space<vmem>>
      %dma_wait3A_66 = tpu.memref_squeeze %dma_wait3A_65 : memref<1x16x128xi32, #tpu.memory_space<vmem>> -> memref<16x128xi32, #tpu.memory_space<vmem>>
      %dma_wait3A_67 = arith.constant 0 : i32
      %dma_wait3A_68 = tpu.memref_slice %arg3[%run_scoped3A_6, %add3A, %dma_wait3A_67] : memref<2x2560x128xi32, #tpu.memory_space<hbm>> -> memref<1x16x128xi32, #tpu.memory_space<hbm>>
      %dma_wait3A_69 = tpu.memref_squeeze %dma_wait3A_68 : memref<1x16x128xi32, #tpu.memory_space<hbm>> -> memref<16x128xi32, #tpu.memory_space<hbm>>
      tpu.wait_dma2 semaphore(%run_scoped3A_42 : memref<!tpu.dma_semaphore, #tpu.memory_space<semaphore_mem>>) src(%dma_wait3A_69 : memref<16x128xi32, #tpu.memory_space<hbm>>) dst(%dma_wait3A_66 : memref<16x128xi32, #tpu.memory_space<vmem>>)
      tpu.yield
    }) : () -> ()
    %dma_start3A = arith.constant 0 : i32
    %dma_start3A_8 = arith.constant 0 : i32
    %dma_start3A_9 = arith.constant 0 : i32
    %dma_start3A_10 = arith.constant 0 : i32
    %dma_start3A_11 = arith.constant 0 : i32
    %dma_start3A_12 = tpu.memref_slice %arg8[%dma_start3A_9, %dma_start3A_10, %dma_start3A_11] : memref<2x128x128xf32, #tpu.memory_space<vmem>> -> memref<1x128x128xf32, #tpu.memory_space<vmem>>
    %dma_start3A_13 = tpu.memref_squeeze %dma_start3A_12 : memref<1x128x128xf32, #tpu.memory_space<vmem>> -> memref<128x128xf32, #tpu.memory_space<vmem>>
    %dma_start3A_14 = arith.constant 0 : i32
    %dma_start3A_15 = tpu.memref_slice %arg6[%dma_start3A, %dma_start3A_8, %dma_start3A_14] : memref<2x16x128xi32, #tpu.memory_space<vmem>> -> memref<1x1x128xi32, #tpu.memory_space<vmem>>
    %dma_start3A_16 = tpu.memref_squeeze %dma_start3A_15 : memref<1x1x128xi32, #tpu.memory_space<vmem>> -> memref<128xi32, #tpu.memory_space<vmem>>
    %dma_start3A_17 = arith.constant 0 : i32
    %dma_start3A_18 = arith.constant 0 : i32
    %dma_start3A_19 = tpu.memref_slice %arg2[%dma_start3A_17, %dma_start3A_18] : memref<10000x128xf32, #tpu.memory_space<hbm>> -> memref<10000x128xf32, #tpu.memory_space<hbm>>
    tpu.enqueue_indirect_dma source(%dma_start3A_19 : memref<10000x128xf32, #tpu.memory_space<hbm>>) target(%dma_start3A_13 : memref<128x128xf32, #tpu.memory_space<vmem>>) offsets(%dma_start3A_16 : memref<128xi32, #tpu.memory_space<vmem>>) semaphore(%arg10 : memref<!tpu.dma_semaphore, #tpu.memory_space<semaphore_mem>>)
    %dma_start3A_20 = arith.constant 0 : i32
    %dma_start3A_21 = arith.constant 1 : i32
    %dma_start3A_22 = arith.constant 1 : i32
    %dma_start3A_23 = arith.constant 0 : i32
    %dma_start3A_24 = arith.constant 0 : i32
    %dma_start3A_25 = tpu.memref_slice %arg8[%dma_start3A_22, %dma_start3A_23, %dma_start3A_24] : memref<2x128x128xf32, #tpu.memory_space<vmem>> -> memref<1x128x128xf32, #tpu.memory_space<vmem>>
    %dma_start3A_26 = tpu.memref_squeeze %dma_start3A_25 : memref<1x128x128xf32, #tpu.memory_space<vmem>> -> memref<128x128xf32, #tpu.memory_space<vmem>>
    %dma_start3A_27 = arith.constant 0 : i32
    %dma_start3A_28 = tpu.memref_slice %arg6[%dma_start3A_20, %dma_start3A_21, %dma_start3A_27] : memref<2x16x128xi32, #tpu.memory_space<vmem>> -> memref<1x1x128xi32, #tpu.memory_space<vmem>>
    %dma_start3A_29 = tpu.memref_squeeze %dma_start3A_28 : memref<1x1x128xi32, #tpu.memory_space<vmem>> -> memref<128xi32, #tpu.memory_space<vmem>>
    %dma_start3A_30 = arith.constant 0 : i32
    %dma_start3A_31 = arith.constant 0 : i32
    %dma_start3A_32 = tpu.memref_slice %arg2[%dma_start3A_30, %dma_start3A_31] : memref<10000x128xf32, #tpu.memory_space<hbm>> -> memref<10000x128xf32, #tpu.memory_space<hbm>>
    tpu.enqueue_indirect_dma source(%dma_start3A_32 : memref<10000x128xf32, #tpu.memory_space<hbm>>) target(%dma_start3A_26 : memref<128x128xf32, #tpu.memory_space<vmem>>) offsets(%dma_start3A_29 : memref<128xi32, #tpu.memory_space<vmem>>) semaphore(%arg10 : memref<!tpu.dma_semaphore, #tpu.memory_space<semaphore_mem>>)
    %scan3A = arith.constant 0 : i32
    %scan3A_33 = arith.constant 5 : i32
    %scan3A_34 = arith.addi %scan3A, %scan3A_33 : i32
    %scan3A_35 = arith.constant 1 : i32
    scf.for %scan3A_42 = %scan3A to %scan3A_34 step %scan3A_35  : i32 {
      %mul3A_43 = arith.constant 1 : i32
      %mul3A_44 = arith.muli %scan3A_42, %mul3A_43 : i32
      %add3A_45 = arith.constant 0 : i32
      %add3A_46 = arith.addi %add3A_45, %mul3A_44 : i32
      %jit3A = arith.constant 2 : i32
      %eq3A = arith.constant 0 : i32
      %eq3A_47 = arith.cmpi eq, %jit3A, %eq3A : i32
      %jit3A_48 = arith.constant 1 : i32
      %select_n3A = arith.select %eq3A_47, %jit3A_48, %jit3A : i32
      %rem3A = arith.remsi %add3A_46, %select_n3A : i32
      %ne3A = arith.constant 0 : i32
      %ne3A_49 = arith.cmpi ne, %rem3A, %ne3A : i32
      %lt3A = arith.constant 0 : i32
      %lt3A_50 = arith.cmpi slt, %rem3A, %lt3A : i32
      %lt3A_51 = arith.constant 0 : i32
      %lt3A_52 = arith.cmpi slt, %select_n3A, %lt3A_51 : i32
      %ne3A_53 = arith.xori %lt3A_50, %lt3A_52 : i1
      %and3A = arith.andi %ne3A_53, %ne3A_49 : i1
      %add3A_54 = arith.addi %rem3A, %select_n3A : i32
      %select_n3A_55 = arith.select %and3A, %add3A_54, %rem3A : i32
      %add3A_56 = arith.constant 1 : i32
      %add3A_57 = arith.addi %add3A_46, %add3A_56 : i32
      %lt3A_58 = arith.constant 5 : i32
      %lt3A_59 = arith.cmpi slt, %add3A_57, %lt3A_58 : i32
      %convert_element_type3A = arith.extui %lt3A_59 : i1 to i32
      %cond3A = arith.constant 0 : i32
      %cond3A_60 = arith.cmpi ne, %convert_element_type3A, %cond3A : i32
      scf.if %cond3A_60 {
        %add3A_114 = arith.constant 1 : i32
        %add3A_115 = arith.addi %add3A_46, %add3A_114 : i32
        %mul3A_116 = arith.constant 16 : i32
        %mul3A_117 = arith.muli %add3A_115, %mul3A_116 : i32
        %add3A_118 = arith.addi %add3A, %mul3A_117 : i32
        %sub3A = arith.constant 1 : i32
        %sub3A_119 = arith.subi %sub3A, %select_n3A_55 : i32
        %dma_start3A_120 = arith.constant 0 : i32
        %dma_start3A_121 = arith.constant 0 : i32
        %dma_start3A_122 = arith.constant 0 : i32
        %dma_start3A_123 = tpu.memref_slice %arg6[%sub3A_119, %dma_start3A_121, %dma_start3A_122] : memref<2x16x128xi32, #tpu.memory_space<vmem>> -> memref<1x16x128xi32, #tpu.memory_space<vmem>>
        %dma_start3A_124 = tpu.memref_squeeze %dma_start3A_123 : memref<1x16x128xi32, #tpu.memory_space<vmem>> -> memref<16x128xi32, #tpu.memory_space<vmem>>
        %dma_start3A_125 = arith.constant 0 : i32
        %dma_start3A_126 = tpu.memref_slice %arg3[%dma_start3A_120, %add3A_118, %dma_start3A_125] : memref<2x2560x128xi32, #tpu.memory_space<hbm>> -> memref<1x16x128xi32, #tpu.memory_space<hbm>>
        %dma_start3A_127 = tpu.memref_squeeze %dma_start3A_126 : memref<1x16x128xi32, #tpu.memory_space<hbm>> -> memref<16x128xi32, #tpu.memory_space<hbm>>
        %dma_start3A_128 = arith.constant 0 : i32
        %dma_start3A_129 = arith.constant 0 : i32
        %dma_start3A_130 = tpu.memref_slice %arg6[%sub3A_119, %dma_start3A_128, %dma_start3A_129] : memref<2x16x128xi32, #tpu.memory_space<vmem>> -> memref<1x16x128xi32, #tpu.memory_space<vmem>>
        %dma_start3A_131 = tpu.memref_squeeze %dma_start3A_130 : memref<1x16x128xi32, #tpu.memory_space<vmem>> -> memref<16x128xi32, #tpu.memory_space<vmem>>
        %dma_start3A_132 = arith.constant 0 : i32
        %dma_start3A_133 = tpu.memref_slice %arg3[%dma_start3A_120, %add3A_118, %dma_start3A_132] : memref<2x2560x128xi32, #tpu.memory_space<hbm>> -> memref<1x16x128xi32, #tpu.memory_space<hbm>>
        %dma_start3A_134 = tpu.memref_squeeze %dma_start3A_133 : memref<1x16x128xi32, #tpu.memory_space<hbm>> -> memref<16x128xi32, #tpu.memory_space<hbm>>
        tpu.enqueue_dma source(%dma_start3A_134 : memref<16x128xi32, #tpu.memory_space<hbm>>) target(%dma_start3A_131 : memref<16x128xi32, #tpu.memory_space<vmem>>) target_semaphore(%arg11 : memref<!tpu.dma_semaphore, #tpu.memory_space<semaphore_mem>>)
        %add3A_135 = arith.constant 1 : i32
        %add3A_136 = arith.addi %add3A_46, %add3A_135 : i32
        %mul3A_137 = arith.constant 16 : i32
        %mul3A_138 = arith.muli %add3A_136, %mul3A_137 : i32
        %add3A_139 = arith.addi %add3A, %mul3A_138 : i32
        %sub3A_140 = arith.constant 1 : i32
        %sub3A_141 = arith.subi %sub3A_140, %select_n3A_55 : i32
        %dma_start3A_142 = arith.constant 1 : i32
        %dma_start3A_143 = arith.constant 0 : i32
        %dma_start3A_144 = arith.constant 0 : i32
        %dma_start3A_145 = tpu.memref_slice %arg7[%sub3A_141, %dma_start3A_143, %dma_start3A_144] : memref<2x16x128xi32, #tpu.memory_space<vmem>> -> memref<1x16x128xi32, #tpu.memory_space<vmem>>
        %dma_start3A_146 = tpu.memref_squeeze %dma_start3A_145 : memref<1x16x128xi32, #tpu.memory_space<vmem>> -> memref<16x128xi32, #tpu.memory_space<vmem>>
        %dma_start3A_147 = arith.constant 0 : i32
        %dma_start3A_148 = tpu.memref_slice %arg3[%dma_start3A_142, %add3A_139, %dma_start3A_147] : memref<2x2560x128xi32, #tpu.memory_space<hbm>> -> memref<1x16x128xi32, #tpu.memory_space<hbm>>
        %dma_start3A_149 = tpu.memref_squeeze %dma_start3A_148 : memref<1x16x128xi32, #tpu.memory_space<hbm>> -> memref<16x128xi32, #tpu.memory_space<hbm>>
        %dma_start3A_150 = arith.constant 0 : i32
        %dma_start3A_151 = arith.constant 0 : i32
        %dma_start3A_152 = tpu.memref_slice %arg7[%sub3A_141, %dma_start3A_150, %dma_start3A_151] : memref<2x16x128xi32, #tpu.memory_space<vmem>> -> memref<1x16x128xi32, #tpu.memory_space<vmem>>
        %dma_start3A_153 = tpu.memref_squeeze %dma_start3A_152 : memref<1x16x128xi32, #tpu.memory_space<vmem>> -> memref<16x128xi32, #tpu.memory_space<vmem>>
        %dma_start3A_154 = arith.constant 0 : i32
        %dma_start3A_155 = tpu.memref_slice %arg3[%dma_start3A_142, %add3A_139, %dma_start3A_154] : memref<2x2560x128xi32, #tpu.memory_space<hbm>> -> memref<1x16x128xi32, #tpu.memory_space<hbm>>
        %dma_start3A_156 = tpu.memref_squeeze %dma_start3A_155 : memref<1x16x128xi32, #tpu.memory_space<hbm>> -> memref<16x128xi32, #tpu.memory_space<hbm>>
        tpu.enqueue_dma source(%dma_start3A_156 : memref<16x128xi32, #tpu.memory_space<hbm>>) target(%dma_start3A_153 : memref<16x128xi32, #tpu.memory_space<vmem>>) target_semaphore(%arg11 : memref<!tpu.dma_semaphore, #tpu.memory_space<semaphore_mem>>)
      } else {
      }
      %scan3A_61 = arith.constant 0 : i32
      %scan3A_62 = arith.constant 7 : i32
      %scan3A_63 = arith.addi %scan3A_61, %scan3A_62 : i32
      %scan3A_64 = arith.constant 1 : i32
      scf.for %scan3A_114 = %scan3A_61 to %scan3A_63 step %scan3A_64  : i32 {
        %mul3A_115 = arith.constant 1 : i32
        %mul3A_116 = arith.muli %scan3A_114, %mul3A_115 : i32
        %add3A_117 = arith.constant 0 : i32
        %add3A_118 = arith.addi %add3A_117, %mul3A_116 : i32
        %mul3A_119 = arith.constant 2 : i32
        %mul3A_120 = arith.muli %add3A_118, %mul3A_119 : i32
        %add3A_121 = arith.constant 0 : i32
        %add3A_122 = arith.addi %mul3A_120, %add3A_121 : i32
        %dma_wait3A_123 = arith.constant 0 : i32
        %dma_wait3A_124 = arith.constant 0 : i32
        %dma_wait3A_125 = arith.constant 0 : i32
        %dma_wait3A_126 = tpu.memref_slice %arg8[%dma_wait3A_123, %dma_wait3A_124, %dma_wait3A_125] : memref<2x128x128xf32, #tpu.memory_space<vmem>> -> memref<1x128x128xf32, #tpu.memory_space<vmem>>
        %dma_wait3A_127 = tpu.memref_squeeze %dma_wait3A_126 : memref<1x128x128xf32, #tpu.memory_space<vmem>> -> memref<128x128xf32, #tpu.memory_space<vmem>>
        %dma_wait3A_128 = arith.constant 0 : i32
        %dma_wait3A_129 = tpu.memref_slice %arg6[%select_n3A_55, %add3A_122, %dma_wait3A_128] : memref<2x16x128xi32, #tpu.memory_space<vmem>> -> memref<1x1x128xi32, #tpu.memory_space<vmem>>
        %dma_wait3A_130 = tpu.memref_squeeze %dma_wait3A_129 : memref<1x1x128xi32, #tpu.memory_space<vmem>> -> memref<128xi32, #tpu.memory_space<vmem>>
        %dma_wait3A_131 = arith.constant 0 : i32
        %dma_wait3A_132 = arith.constant 0 : i32
        %dma_wait3A_133 = tpu.memref_slice %arg2[%dma_wait3A_131, %dma_wait3A_132] : memref<10000x128xf32, #tpu.memory_space<hbm>> -> memref<10000x128xf32, #tpu.memory_space<hbm>>
        tpu.wait_indirect_dma semaphore(%arg10 : memref<!tpu.dma_semaphore, #tpu.memory_space<semaphore_mem>>) src(%dma_wait3A_133 : memref<10000x128xf32, #tpu.memory_space<hbm>>) dst(%dma_wait3A_127 : memref<128x128xf32, #tpu.memory_space<vmem>>)
        %run_scoped3A_134 = arith.constant 0 : i32
        "tpu.region"() ({
          %run_scoped3A_177 = tpu.sem_alloc : memref<!tpu.dma_semaphore, #tpu.memory_space<semaphore_mem>>
          %dma_start3A_178 = arith.constant 0 : i32
          %dma_start3A_179 = arith.constant 0 : i32
          %dma_start3A_180 = tpu.memref_slice %arg8[%run_scoped3A_134, %dma_start3A_178, %dma_start3A_179] : memref<2x128x128xf32, #tpu.memory_space<vmem>> -> memref<1x128x128xf32, #tpu.memory_space<vmem>>
          %dma_start3A_181 = tpu.memref_squeeze %dma_start3A_180 : memref<1x128x128xf32, #tpu.memory_space<vmem>> -> memref<128x128xf32, #tpu.memory_space<vmem>>
          %dma_start3A_182 = arith.constant 0 : i32
          %dma_start3A_183 = tpu.memref_slice %arg7[%select_n3A_55, %add3A_122, %dma_start3A_182] : memref<2x16x128xi32, #tpu.memory_space<vmem>> -> memref<1x1x128xi32, #tpu.memory_space<vmem>>
          %dma_start3A_184 = tpu.memref_squeeze %dma_start3A_183 : memref<1x1x128xi32, #tpu.memory_space<vmem>> -> memref<128xi32, #tpu.memory_space<vmem>>
          %dma_start3A_185 = arith.constant 0 : i32
          %dma_start3A_186 = arith.constant 0 : i32
          %dma_start3A_187 = tpu.memref_slice %arg9[%dma_start3A_185, %dma_start3A_186] : memref<10240x128xf32, #tpu.memory_space<vmem_shared>> -> memref<10240x128xf32, #tpu.memory_space<vmem_shared>>
          tpu.enqueue_indirect_dma source(%dma_start3A_181 : memref<128x128xf32, #tpu.memory_space<vmem>>) target(%dma_start3A_187 : memref<10240x128xf32, #tpu.memory_space<vmem_shared>>) offsets(%dma_start3A_184 : memref<128xi32, #tpu.memory_space<vmem>>) semaphore(%run_scoped3A_177 : memref<!tpu.dma_semaphore, #tpu.memory_space<semaphore_mem>>) {add = true}
          %dma_wait3A_188 = arith.constant 0 : i32
          %dma_wait3A_189 = arith.constant 0 : i32
          %dma_wait3A_190 = tpu.memref_slice %arg8[%run_scoped3A_134, %dma_wait3A_188, %dma_wait3A_189] : memref<2x128x128xf32, #tpu.memory_space<vmem>> -> memref<1x128x128xf32, #tpu.memory_space<vmem>>
          %dma_wait3A_191 = tpu.memref_squeeze %dma_wait3A_190 : memref<1x128x128xf32, #tpu.memory_space<vmem>> -> memref<128x128xf32, #tpu.memory_space<vmem>>
          %dma_wait3A_192 = arith.constant 0 : i32
          %dma_wait3A_193 = tpu.memref_slice %arg7[%select_n3A_55, %add3A_122, %dma_wait3A_192] : memref<2x16x128xi32, #tpu.memory_space<vmem>> -> memref<1x1x128xi32, #tpu.memory_space<vmem>>
          %dma_wait3A_194 = tpu.memref_squeeze %dma_wait3A_193 : memref<1x1x128xi32, #tpu.memory_space<vmem>> -> memref<128xi32, #tpu.memory_space<vmem>>
          %dma_wait3A_195 = arith.constant 0 : i32
          %dma_wait3A_196 = arith.constant 0 : i32
          %dma_wait3A_197 = tpu.memref_slice %arg9[%dma_wait3A_195, %dma_wait3A_196] : memref<10240x128xf32, #tpu.memory_space<vmem_shared>> -> memref<10240x128xf32, #tpu.memory_space<vmem_shared>>
          tpu.wait_indirect_dma semaphore(%run_scoped3A_177 : memref<!tpu.dma_semaphore, #tpu.memory_space<semaphore_mem>>) src(%dma_wait3A_191 : memref<128x128xf32, #tpu.memory_space<vmem>>) dst(%dma_wait3A_197 : memref<10240x128xf32, #tpu.memory_space<vmem_shared>>)
          tpu.yield
        }) : () -> ()
        %add3A_135 = arith.constant 2 : i32
        %add3A_136 = arith.addi %add3A_122, %add3A_135 : i32
        %dma_start3A_137 = arith.constant 0 : i32
        %dma_start3A_138 = arith.constant 0 : i32
        %dma_start3A_139 = arith.constant 0 : i32
        %dma_start3A_140 = tpu.memref_slice %arg8[%dma_start3A_137, %dma_start3A_138, %dma_start3A_139] : memref<2x128x128xf32, #tpu.memory_space<vmem>> -> memref<1x128x128xf32, #tpu.memory_space<vmem>>
        %dma_start3A_141 = tpu.memref_squeeze %dma_start3A_140 : memref<1x128x128xf32, #tpu.memory_space<vmem>> -> memref<128x128xf32, #tpu.memory_space<vmem>>
        %dma_start3A_142 = arith.constant 0 : i32
        %dma_start3A_143 = tpu.memref_slice %arg6[%select_n3A_55, %add3A_136, %dma_start3A_142] : memref<2x16x128xi32, #tpu.memory_space<vmem>> -> memref<1x1x128xi32, #tpu.memory_space<vmem>>
        %dma_start3A_144 = tpu.memref_squeeze %dma_start3A_143 : memref<1x1x128xi32, #tpu.memory_space<vmem>> -> memref<128xi32, #tpu.memory_space<vmem>>
        %dma_start3A_145 = arith.constant 0 : i32
        %dma_start3A_146 = arith.constant 0 : i32
        %dma_start3A_147 = tpu.memref_slice %arg2[%dma_start3A_145, %dma_start3A_146] : memref<10000x128xf32, #tpu.memory_space<hbm>> -> memref<10000x128xf32, #tpu.memory_space<hbm>>
        tpu.enqueue_indirect_dma source(%dma_start3A_147 : memref<10000x128xf32, #tpu.memory_space<hbm>>) target(%dma_start3A_141 : memref<128x128xf32, #tpu.memory_space<vmem>>) offsets(%dma_start3A_144 : memref<128xi32, #tpu.memory_space<vmem>>) semaphore(%arg10 : memref<!tpu.dma_semaphore, #tpu.memory_space<semaphore_mem>>)
        %mul3A_148 = arith.constant 2 : i32
        %mul3A_149 = arith.muli %add3A_118, %mul3A_148 : i32
        %add3A_150 = arith.constant 1 : i32
        %add3A_151 = arith.addi %mul3A_149, %add3A_150 : i32
        %dma_wait3A_152 = arith.constant 1 : i32
        %dma_wait3A_153 = arith.constant 0 : i32
        %dma_wait3A_154 = arith.constant 0 : i32
        %dma_wait3A_155 = tpu.memref_slice %arg8[%dma_wait3A_152, %dma_wait3A_153, %dma_wait3A_154] : memref<2x128x128xf32, #tpu.memory_space<vmem>> -> memref<1x128x128xf32, #tpu.memory_space<vmem>>
        %dma_wait3A_156 = tpu.memref_squeeze %dma_wait3A_155 : memref<1x128x128xf32, #tpu.memory_space<vmem>> -> memref<128x128xf32, #tpu.memory_space<vmem>>
        %dma_wait3A_157 = arith.constant 0 : i32
        %dma_wait3A_158 = tpu.memref_slice %arg6[%select_n3A_55, %add3A_151, %dma_wait3A_157] : memref<2x16x128xi32, #tpu.memory_space<vmem>> -> memref<1x1x128xi32, #tpu.memory_space<vmem>>
        %dma_wait3A_159 = tpu.memref_squeeze %dma_wait3A_158 : memref<1x1x128xi32, #tpu.memory_space<vmem>> -> memref<128xi32, #tpu.memory_space<vmem>>
        %dma_wait3A_160 = arith.constant 0 : i32
        %dma_wait3A_161 = arith.constant 0 : i32
        %dma_wait3A_162 = tpu.memref_slice %arg2[%dma_wait3A_160, %dma_wait3A_161] : memref<10000x128xf32, #tpu.memory_space<hbm>> -> memref<10000x128xf32, #tpu.memory_space<hbm>>
        tpu.wait_indirect_dma semaphore(%arg10 : memref<!tpu.dma_semaphore, #tpu.memory_space<semaphore_mem>>) src(%dma_wait3A_162 : memref<10000x128xf32, #tpu.memory_space<hbm>>) dst(%dma_wait3A_156 : memref<128x128xf32, #tpu.memory_space<vmem>>)
        %run_scoped3A_163 = arith.constant 1 : i32
        "tpu.region"() ({
          %run_scoped3A_177 = tpu.sem_alloc : memref<!tpu.dma_semaphore, #tpu.memory_space<semaphore_mem>>
          %dma_start3A_178 = arith.constant 0 : i32
          %dma_start3A_179 = arith.constant 0 : i32
          %dma_start3A_180 = tpu.memref_slice %arg8[%run_scoped3A_163, %dma_start3A_178, %dma_start3A_179] : memref<2x128x128xf32, #tpu.memory_space<vmem>> -> memref<1x128x128xf32, #tpu.memory_space<vmem>>
          %dma_start3A_181 = tpu.memref_squeeze %dma_start3A_180 : memref<1x128x128xf32, #tpu.memory_space<vmem>> -> memref<128x128xf32, #tpu.memory_space<vmem>>
          %dma_start3A_182 = arith.constant 0 : i32
          %dma_start3A_183 = tpu.memref_slice %arg7[%select_n3A_55, %add3A_151, %dma_start3A_182] : memref<2x16x128xi32, #tpu.memory_space<vmem>> -> memref<1x1x128xi32, #tpu.memory_space<vmem>>
          %dma_start3A_184 = tpu.memref_squeeze %dma_start3A_183 : memref<1x1x128xi32, #tpu.memory_space<vmem>> -> memref<128xi32, #tpu.memory_space<vmem>>
          %dma_start3A_185 = arith.constant 0 : i32
          %dma_start3A_186 = arith.constant 0 : i32
          %dma_start3A_187 = tpu.memref_slice %arg9[%dma_start3A_185, %dma_start3A_186] : memref<10240x128xf32, #tpu.memory_space<vmem_shared>> -> memref<10240x128xf32, #tpu.memory_space<vmem_shared>>
          tpu.enqueue_indirect_dma source(%dma_start3A_181 : memref<128x128xf32, #tpu.memory_space<vmem>>) target(%dma_start3A_187 : memref<10240x128xf32, #tpu.memory_space<vmem_shared>>) offsets(%dma_start3A_184 : memref<128xi32, #tpu.memory_space<vmem>>) semaphore(%run_scoped3A_177 : memref<!tpu.dma_semaphore, #tpu.memory_space<semaphore_mem>>) {add = true}
          %dma_wait3A_188 = arith.constant 0 : i32
          %dma_wait3A_189 = arith.constant 0 : i32
          %dma_wait3A_190 = tpu.memref_slice %arg8[%run_scoped3A_163, %dma_wait3A_188, %dma_wait3A_189] : memref<2x128x128xf32, #tpu.memory_space<vmem>> -> memref<1x128x128xf32, #tpu.memory_space<vmem>>
          %dma_wait3A_191 = tpu.memref_squeeze %dma_wait3A_190 : memref<1x128x128xf32, #tpu.memory_space<vmem>> -> memref<128x128xf32, #tpu.memory_space<vmem>>
          %dma_wait3A_192 = arith.constant 0 : i32
          %dma_wait3A_193 = tpu.memref_slice %arg7[%select_n3A_55, %add3A_151, %dma_wait3A_192] : memref<2x16x128xi32, #tpu.memory_space<vmem>> -> memref<1x1x128xi32, #tpu.memory_space<vmem>>
          %dma_wait3A_194 = tpu.memref_squeeze %dma_wait3A_193 : memref<1x1x128xi32, #tpu.memory_space<vmem>> -> memref<128xi32, #tpu.memory_space<vmem>>
          %dma_wait3A_195 = arith.constant 0 : i32
          %dma_wait3A_196 = arith.constant 0 : i32
          %dma_wait3A_197 = tpu.memref_slice %arg9[%dma_wait3A_195, %dma_wait3A_196] : memref<10240x128xf32, #tpu.memory_space<vmem_shared>> -> memref<10240x128xf32, #tpu.memory_space<vmem_shared>>
          tpu.wait_indirect_dma semaphore(%run_scoped3A_177 : memref<!tpu.dma_semaphore, #tpu.memory_space<semaphore_mem>>) src(%dma_wait3A_191 : memref<128x128xf32, #tpu.memory_space<vmem>>) dst(%dma_wait3A_197 : memref<10240x128xf32, #tpu.memory_space<vmem_shared>>)
          tpu.yield
        }) : () -> ()
        %add3A_164 = arith.constant 2 : i32
        %add3A_165 = arith.addi %add3A_151, %add3A_164 : i32
        %dma_start3A_166 = arith.constant 1 : i32
        %dma_start3A_167 = arith.constant 0 : i32
        %dma_start3A_168 = arith.constant 0 : i32
        %dma_start3A_169 = tpu.memref_slice %arg8[%dma_start3A_166, %dma_start3A_167, %dma_start3A_168] : memref<2x128x128xf32, #tpu.memory_space<vmem>> -> memref<1x128x128xf32, #tpu.memory_space<vmem>>
        %dma_start3A_170 = tpu.memref_squeeze %dma_start3A_169 : memref<1x128x128xf32, #tpu.memory_space<vmem>> -> memref<128x128xf32, #tpu.memory_space<vmem>>
        %dma_start3A_171 = arith.constant 0 : i32
        %dma_start3A_172 = tpu.memref_slice %arg6[%select_n3A_55, %add3A_165, %dma_start3A_171] : memref<2x16x128xi32, #tpu.memory_space<vmem>> -> memref<1x1x128xi32, #tpu.memory_space<vmem>>
        %dma_start3A_173 = tpu.memref_squeeze %dma_start3A_172 : memref<1x1x128xi32, #tpu.memory_space<vmem>> -> memref<128xi32, #tpu.memory_space<vmem>>
        %dma_start3A_174 = arith.constant 0 : i32
        %dma_start3A_175 = arith.constant 0 : i32
        %dma_start3A_176 = tpu.memref_slice %arg2[%dma_start3A_174, %dma_start3A_175] : memref<10000x128xf32, #tpu.memory_space<hbm>> -> memref<10000x128xf32, #tpu.memory_space<hbm>>
        tpu.enqueue_indirect_dma source(%dma_start3A_176 : memref<10000x128xf32, #tpu.memory_space<hbm>>) target(%dma_start3A_170 : memref<128x128xf32, #tpu.memory_space<vmem>>) offsets(%dma_start3A_173 : memref<128xi32, #tpu.memory_space<vmem>>) semaphore(%arg10 : memref<!tpu.dma_semaphore, #tpu.memory_space<semaphore_mem>>)
      }
      %scan3A_65 = arith.constant 7 : i32
      %add3A_66 = arith.constant 1 : i32
      %add3A_67 = arith.addi %add3A_46, %add3A_66 : i32
      %lt3A_68 = arith.constant 5 : i32
      %lt3A_69 = arith.cmpi slt, %add3A_67, %lt3A_68 : i32
      %convert_element_type3A_70 = arith.extui %lt3A_69 : i1 to i32
      %cond3A_71 = arith.constant 0 : i32
      %cond3A_72 = arith.cmpi ne, %convert_element_type3A_70, %cond3A_71 : i32
      scf.if %cond3A_72 {
        %add3A_114 = arith.constant 1 : i32
        %add3A_115 = arith.addi %add3A_46, %add3A_114 : i32
        %mul3A_116 = arith.constant 16 : i32
        %mul3A_117 = arith.muli %add3A_115, %mul3A_116 : i32
        %add3A_118 = arith.addi %add3A, %mul3A_117 : i32
        %sub3A = arith.constant 1 : i32
        %sub3A_119 = arith.subi %sub3A, %select_n3A_55 : i32
        %dma_wait3A_120 = arith.constant 0 : i32
        %dma_wait3A_121 = arith.constant 0 : i32
        %dma_wait3A_122 = arith.constant 0 : i32
        %dma_wait3A_123 = tpu.memref_slice %arg6[%sub3A_119, %dma_wait3A_121, %dma_wait3A_122] : memref<2x16x128xi32, #tpu.memory_space<vmem>> -> memref<1x16x128xi32, #tpu.memory_space<vmem>>
        %dma_wait3A_124 = tpu.memref_squeeze %dma_wait3A_123 : memref<1x16x128xi32, #tpu.memory_space<vmem>> -> memref<16x128xi32, #tpu.memory_space<vmem>>
        %dma_wait3A_125 = arith.constant 0 : i32
        %dma_wait3A_126 = tpu.memref_slice %arg3[%dma_wait3A_120, %add3A_118, %dma_wait3A_125] : memref<2x2560x128xi32, #tpu.memory_space<hbm>> -> memref<1x16x128xi32, #tpu.memory_space<hbm>>
        %dma_wait3A_127 = tpu.memref_squeeze %dma_wait3A_126 : memref<1x16x128xi32, #tpu.memory_space<hbm>> -> memref<16x128xi32, #tpu.memory_space<hbm>>
        %dma_wait3A_128 = arith.constant 0 : i32
        %dma_wait3A_129 = arith.constant 0 : i32
        %dma_wait3A_130 = tpu.memref_slice %arg6[%sub3A_119, %dma_wait3A_128, %dma_wait3A_129] : memref<2x16x128xi32, #tpu.memory_space<vmem>> -> memref<1x16x128xi32, #tpu.memory_space<vmem>>
        %dma_wait3A_131 = tpu.memref_squeeze %dma_wait3A_130 : memref<1x16x128xi32, #tpu.memory_space<vmem>> -> memref<16x128xi32, #tpu.memory_space<vmem>>
        %dma_wait3A_132 = arith.constant 0 : i32
        %dma_wait3A_133 = tpu.memref_slice %arg3[%dma_wait3A_120, %add3A_118, %dma_wait3A_132] : memref<2x2560x128xi32, #tpu.memory_space<hbm>> -> memref<1x16x128xi32, #tpu.memory_space<hbm>>
        %dma_wait3A_134 = tpu.memref_squeeze %dma_wait3A_133 : memref<1x16x128xi32, #tpu.memory_space<hbm>> -> memref<16x128xi32, #tpu.memory_space<hbm>>
        tpu.wait_dma2 semaphore(%arg11 : memref<!tpu.dma_semaphore, #tpu.memory_space<semaphore_mem>>) src(%dma_wait3A_134 : memref<16x128xi32, #tpu.memory_space<hbm>>) dst(%dma_wait3A_131 : memref<16x128xi32, #tpu.memory_space<vmem>>)
        %add3A_135 = arith.constant 1 : i32
        %add3A_136 = arith.addi %add3A_46, %add3A_135 : i32
        %mul3A_137 = arith.constant 16 : i32
        %mul3A_138 = arith.muli %add3A_136, %mul3A_137 : i32
        %add3A_139 = arith.addi %add3A, %mul3A_138 : i32
        %sub3A_140 = arith.constant 1 : i32
        %sub3A_141 = arith.subi %sub3A_140, %select_n3A_55 : i32
        %dma_wait3A_142 = arith.constant 1 : i32
        %dma_wait3A_143 = arith.constant 0 : i32
        %dma_wait3A_144 = arith.constant 0 : i32
        %dma_wait3A_145 = tpu.memref_slice %arg7[%sub3A_141, %dma_wait3A_143, %dma_wait3A_144] : memref<2x16x128xi32, #tpu.memory_space<vmem>> -> memref<1x16x128xi32, #tpu.memory_space<vmem>>
        %dma_wait3A_146 = tpu.memref_squeeze %dma_wait3A_145 : memref<1x16x128xi32, #tpu.memory_space<vmem>> -> memref<16x128xi32, #tpu.memory_space<vmem>>
        %dma_wait3A_147 = arith.constant 0 : i32
        %dma_wait3A_148 = tpu.memref_slice %arg3[%dma_wait3A_142, %add3A_139, %dma_wait3A_147] : memref<2x2560x128xi32, #tpu.memory_space<hbm>> -> memref<1x16x128xi32, #tpu.memory_space<hbm>>
        %dma_wait3A_149 = tpu.memref_squeeze %dma_wait3A_148 : memref<1x16x128xi32, #tpu.memory_space<hbm>> -> memref<16x128xi32, #tpu.memory_space<hbm>>
        %dma_wait3A_150 = arith.constant 0 : i32
        %dma_wait3A_151 = arith.constant 0 : i32
        %dma_wait3A_152 = tpu.memref_slice %arg7[%sub3A_141, %dma_wait3A_150, %dma_wait3A_151] : memref<2x16x128xi32, #tpu.memory_space<vmem>> -> memref<1x16x128xi32, #tpu.memory_space<vmem>>
        %dma_wait3A_153 = tpu.memref_squeeze %dma_wait3A_152 : memref<1x16x128xi32, #tpu.memory_space<vmem>> -> memref<16x128xi32, #tpu.memory_space<vmem>>
        %dma_wait3A_154 = arith.constant 0 : i32
        %dma_wait3A_155 = tpu.memref_slice %arg3[%dma_wait3A_142, %add3A_139, %dma_wait3A_154] : memref<2x2560x128xi32, #tpu.memory_space<hbm>> -> memref<1x16x128xi32, #tpu.memory_space<hbm>>
        %dma_wait3A_156 = tpu.memref_squeeze %dma_wait3A_155 : memref<1x16x128xi32, #tpu.memory_space<hbm>> -> memref<16x128xi32, #tpu.memory_space<hbm>>
        tpu.wait_dma2 semaphore(%arg11 : memref<!tpu.dma_semaphore, #tpu.memory_space<semaphore_mem>>) src(%dma_wait3A_156 : memref<16x128xi32, #tpu.memory_space<hbm>>) dst(%dma_wait3A_153 : memref<16x128xi32, #tpu.memory_space<vmem>>)
      } else {
      }
      %dma_wait3A = arith.constant 14 : i32
      %dma_wait3A_73 = arith.constant 0 : i32
      %dma_wait3A_74 = arith.constant 0 : i32
      %dma_wait3A_75 = arith.constant 0 : i32
      %dma_wait3A_76 = tpu.memref_slice %arg8[%dma_wait3A_73, %dma_wait3A_74, %dma_wait3A_75] : memref<2x128x128xf32, #tpu.memory_space<vmem>> -> memref<1x128x128xf32, #tpu.memory_space<vmem>>
      %dma_wait3A_77 = tpu.memref_squeeze %dma_wait3A_76 : memref<1x128x128xf32, #tpu.memory_space<vmem>> -> memref<128x128xf32, #tpu.memory_space<vmem>>
      %dma_wait3A_78 = arith.constant 0 : i32
      %dma_wait3A_79 = tpu.memref_slice %arg6[%select_n3A_55, %dma_wait3A, %dma_wait3A_78] : memref<2x16x128xi32, #tpu.memory_space<vmem>> -> memref<1x1x128xi32, #tpu.memory_space<vmem>>
      %dma_wait3A_80 = tpu.memref_squeeze %dma_wait3A_79 : memref<1x1x128xi32, #tpu.memory_space<vmem>> -> memref<128xi32, #tpu.memory_space<vmem>>
      %dma_wait3A_81 = arith.constant 0 : i32
      %dma_wait3A_82 = arith.constant 0 : i32
      %dma_wait3A_83 = tpu.memref_slice %arg2[%dma_wait3A_81, %dma_wait3A_82] : memref<10000x128xf32, #tpu.memory_space<hbm>> -> memref<10000x128xf32, #tpu.memory_space<hbm>>
      tpu.wait_indirect_dma semaphore(%arg10 : memref<!tpu.dma_semaphore, #tpu.memory_space<semaphore_mem>>) src(%dma_wait3A_83 : memref<10000x128xf32, #tpu.memory_space<hbm>>) dst(%dma_wait3A_77 : memref<128x128xf32, #tpu.memory_space<vmem>>)
      %run_scoped3A_84 = arith.constant 0 : i32
      %run_scoped3A_85 = arith.constant 14 : i32
      "tpu.region"() ({
        %run_scoped3A_114 = tpu.sem_alloc : memref<!tpu.dma_semaphore, #tpu.memory_space<semaphore_mem>>
        %dma_start3A_115 = arith.constant 0 : i32
        %dma_start3A_116 = arith.constant 0 : i32
        %dma_start3A_117 = tpu.memref_slice %arg8[%run_scoped3A_84, %dma_start3A_115, %dma_start3A_116] : memref<2x128x128xf32, #tpu.memory_space<vmem>> -> memref<1x128x128xf32, #tpu.memory_space<vmem>>
        %dma_start3A_118 = tpu.memref_squeeze %dma_start3A_117 : memref<1x128x128xf32, #tpu.memory_space<vmem>> -> memref<128x128xf32, #tpu.memory_space<vmem>>
        %dma_start3A_119 = arith.constant 0 : i32
        %dma_start3A_120 = tpu.memref_slice %arg7[%select_n3A_55, %run_scoped3A_85, %dma_start3A_119] : memref<2x16x128xi32, #tpu.memory_space<vmem>> -> memref<1x1x128xi32, #tpu.memory_space<vmem>>
        %dma_start3A_121 = tpu.memref_squeeze %dma_start3A_120 : memref<1x1x128xi32, #tpu.memory_space<vmem>> -> memref<128xi32, #tpu.memory_space<vmem>>
        %dma_start3A_122 = arith.constant 0 : i32
        %dma_start3A_123 = arith.constant 0 : i32
        %dma_start3A_124 = tpu.memref_slice %arg9[%dma_start3A_122, %dma_start3A_123] : memref<10240x128xf32, #tpu.memory_space<vmem_shared>> -> memref<10240x128xf32, #tpu.memory_space<vmem_shared>>
        tpu.enqueue_indirect_dma source(%dma_start3A_118 : memref<128x128xf32, #tpu.memory_space<vmem>>) target(%dma_start3A_124 : memref<10240x128xf32, #tpu.memory_space<vmem_shared>>) offsets(%dma_start3A_121 : memref<128xi32, #tpu.memory_space<vmem>>) semaphore(%run_scoped3A_114 : memref<!tpu.dma_semaphore, #tpu.memory_space<semaphore_mem>>) {add = true}
        %dma_wait3A_125 = arith.constant 0 : i32
        %dma_wait3A_126 = arith.constant 0 : i32
        %dma_wait3A_127 = tpu.memref_slice %arg8[%run_scoped3A_84, %dma_wait3A_125, %dma_wait3A_126] : memref<2x128x128xf32, #tpu.memory_space<vmem>> -> memref<1x128x128xf32, #tpu.memory_space<vmem>>
        %dma_wait3A_128 = tpu.memref_squeeze %dma_wait3A_127 : memref<1x128x128xf32, #tpu.memory_space<vmem>> -> memref<128x128xf32, #tpu.memory_space<vmem>>
        %dma_wait3A_129 = arith.constant 0 : i32
        %dma_wait3A_130 = tpu.memref_slice %arg7[%select_n3A_55, %run_scoped3A_85, %dma_wait3A_129] : memref<2x16x128xi32, #tpu.memory_space<vmem>> -> memref<1x1x128xi32, #tpu.memory_space<vmem>>
        %dma_wait3A_131 = tpu.memref_squeeze %dma_wait3A_130 : memref<1x1x128xi32, #tpu.memory_space<vmem>> -> memref<128xi32, #tpu.memory_space<vmem>>
        %dma_wait3A_132 = arith.constant 0 : i32
        %dma_wait3A_133 = arith.constant 0 : i32
        %dma_wait3A_134 = tpu.memref_slice %arg9[%dma_wait3A_132, %dma_wait3A_133] : memref<10240x128xf32, #tpu.memory_space<vmem_shared>> -> memref<10240x128xf32, #tpu.memory_space<vmem_shared>>
        tpu.wait_indirect_dma semaphore(%run_scoped3A_114 : memref<!tpu.dma_semaphore, #tpu.memory_space<semaphore_mem>>) src(%dma_wait3A_128 : memref<128x128xf32, #tpu.memory_space<vmem>>) dst(%dma_wait3A_134 : memref<10240x128xf32, #tpu.memory_space<vmem_shared>>)
        tpu.yield
      }) : () -> ()
      %add3A_86 = arith.constant 1 : i32
      %add3A_87 = arith.addi %add3A_46, %add3A_86 : i32
      %lt3A_88 = arith.constant 5 : i32
      %lt3A_89 = arith.cmpi slt, %add3A_87, %lt3A_88 : i32
      %convert_element_type3A_90 = arith.extui %lt3A_89 : i1 to i32
      %cond3A_91 = arith.constant 0 : i32
      %cond3A_92 = arith.cmpi ne, %convert_element_type3A_90, %cond3A_91 : i32
      scf.if %cond3A_92 {
        %sub3A = arith.constant 1 : i32
        %sub3A_114 = arith.subi %sub3A, %select_n3A_55 : i32
        %dma_start3A_115 = arith.constant 0 : i32
        %dma_start3A_116 = arith.constant 0 : i32
        %dma_start3A_117 = arith.constant 0 : i32
        %dma_start3A_118 = arith.constant 0 : i32
        %dma_start3A_119 = tpu.memref_slice %arg8[%dma_start3A_116, %dma_start3A_117, %dma_start3A_118] : memref<2x128x128xf32, #tpu.memory_space<vmem>> -> memref<1x128x128xf32, #tpu.memory_space<vmem>>
        %dma_start3A_120 = tpu.memref_squeeze %dma_start3A_119 : memref<1x128x128xf32, #tpu.memory_space<vmem>> -> memref<128x128xf32, #tpu.memory_space<vmem>>
        %dma_start3A_121 = arith.constant 0 : i32
        %dma_start3A_122 = tpu.memref_slice %arg6[%sub3A_114, %dma_start3A_115, %dma_start3A_121] : memref<2x16x128xi32, #tpu.memory_space<vmem>> -> memref<1x1x128xi32, #tpu.memory_space<vmem>>
        %dma_start3A_123 = tpu.memref_squeeze %dma_start3A_122 : memref<1x1x128xi32, #tpu.memory_space<vmem>> -> memref<128xi32, #tpu.memory_space<vmem>>
        %dma_start3A_124 = arith.constant 0 : i32
        %dma_start3A_125 = arith.constant 0 : i32
        %dma_start3A_126 = tpu.memref_slice %arg2[%dma_start3A_124, %dma_start3A_125] : memref<10000x128xf32, #tpu.memory_space<hbm>> -> memref<10000x128xf32, #tpu.memory_space<hbm>>
        tpu.enqueue_indirect_dma source(%dma_start3A_126 : memref<10000x128xf32, #tpu.memory_space<hbm>>) target(%dma_start3A_120 : memref<128x128xf32, #tpu.memory_space<vmem>>) offsets(%dma_start3A_123 : memref<128xi32, #tpu.memory_space<vmem>>) semaphore(%arg10 : memref<!tpu.dma_semaphore, #tpu.memory_space<semaphore_mem>>)
      } else {
      }
      %dma_wait3A_93 = arith.constant 15 : i32
      %dma_wait3A_94 = arith.constant 1 : i32
      %dma_wait3A_95 = arith.constant 0 : i32
      %dma_wait3A_96 = arith.constant 0 : i32
      %dma_wait3A_97 = tpu.memref_slice %arg8[%dma_wait3A_94, %dma_wait3A_95, %dma_wait3A_96] : memref<2x128x128xf32, #tpu.memory_space<vmem>> -> memref<1x128x128xf32, #tpu.memory_space<vmem>>
      %dma_wait3A_98 = tpu.memref_squeeze %dma_wait3A_97 : memref<1x128x128xf32, #tpu.memory_space<vmem>> -> memref<128x128xf32, #tpu.memory_space<vmem>>
      %dma_wait3A_99 = arith.constant 0 : i32
      %dma_wait3A_100 = tpu.memref_slice %arg6[%select_n3A_55, %dma_wait3A_93, %dma_wait3A_99] : memref<2x16x128xi32, #tpu.memory_space<vmem>> -> memref<1x1x128xi32, #tpu.memory_space<vmem>>
      %dma_wait3A_101 = tpu.memref_squeeze %dma_wait3A_100 : memref<1x1x128xi32, #tpu.memory_space<vmem>> -> memref<128xi32, #tpu.memory_space<vmem>>
      %dma_wait3A_102 = arith.constant 0 : i32
      %dma_wait3A_103 = arith.constant 0 : i32
      %dma_wait3A_104 = tpu.memref_slice %arg2[%dma_wait3A_102, %dma_wait3A_103] : memref<10000x128xf32, #tpu.memory_space<hbm>> -> memref<10000x128xf32, #tpu.memory_space<hbm>>
      tpu.wait_indirect_dma semaphore(%arg10 : memref<!tpu.dma_semaphore, #tpu.memory_space<semaphore_mem>>) src(%dma_wait3A_104 : memref<10000x128xf32, #tpu.memory_space<hbm>>) dst(%dma_wait3A_98 : memref<128x128xf32, #tpu.memory_space<vmem>>)
      %run_scoped3A_105 = arith.constant 1 : i32
      %run_scoped3A_106 = arith.constant 15 : i32
      "tpu.region"() ({
        %run_scoped3A_114 = tpu.sem_alloc : memref<!tpu.dma_semaphore, #tpu.memory_space<semaphore_mem>>
        %dma_start3A_115 = arith.constant 0 : i32
        %dma_start3A_116 = arith.constant 0 : i32
        %dma_start3A_117 = tpu.memref_slice %arg8[%run_scoped3A_105, %dma_start3A_115, %dma_start3A_116] : memref<2x128x128xf32, #tpu.memory_space<vmem>> -> memref<1x128x128xf32, #tpu.memory_space<vmem>>
        %dma_start3A_118 = tpu.memref_squeeze %dma_start3A_117 : memref<1x128x128xf32, #tpu.memory_space<vmem>> -> memref<128x128xf32, #tpu.memory_space<vmem>>
        %dma_start3A_119 = arith.constant 0 : i32
        %dma_start3A_120 = tpu.memref_slice %arg7[%select_n3A_55, %run_scoped3A_106, %dma_start3A_119] : memref<2x16x128xi32, #tpu.memory_space<vmem>> -> memref<1x1x128xi32, #tpu.memory_space<vmem>>
        %dma_start3A_121 = tpu.memref_squeeze %dma_start3A_120 : memref<1x1x128xi32, #tpu.memory_space<vmem>> -> memref<128xi32, #tpu.memory_space<vmem>>
        %dma_start3A_122 = arith.constant 0 : i32
        %dma_start3A_123 = arith.constant 0 : i32
        %dma_start3A_124 = tpu.memref_slice %arg9[%dma_start3A_122, %dma_start3A_123] : memref<10240x128xf32, #tpu.memory_space<vmem_shared>> -> memref<10240x128xf32, #tpu.memory_space<vmem_shared>>
        tpu.enqueue_indirect_dma source(%dma_start3A_118 : memref<128x128xf32, #tpu.memory_space<vmem>>) target(%dma_start3A_124 : memref<10240x128xf32, #tpu.memory_space<vmem_shared>>) offsets(%dma_start3A_121 : memref<128xi32, #tpu.memory_space<vmem>>) semaphore(%run_scoped3A_114 : memref<!tpu.dma_semaphore, #tpu.memory_space<semaphore_mem>>) {add = true}
        %dma_wait3A_125 = arith.constant 0 : i32
        %dma_wait3A_126 = arith.constant 0 : i32
        %dma_wait3A_127 = tpu.memref_slice %arg8[%run_scoped3A_105, %dma_wait3A_125, %dma_wait3A_126] : memref<2x128x128xf32, #tpu.memory_space<vmem>> -> memref<1x128x128xf32, #tpu.memory_space<vmem>>
        %dma_wait3A_128 = tpu.memref_squeeze %dma_wait3A_127 : memref<1x128x128xf32, #tpu.memory_space<vmem>> -> memref<128x128xf32, #tpu.memory_space<vmem>>
        %dma_wait3A_129 = arith.constant 0 : i32
        %dma_wait3A_130 = tpu.memref_slice %arg7[%select_n3A_55, %run_scoped3A_106, %dma_wait3A_129] : memref<2x16x128xi32, #tpu.memory_space<vmem>> -> memref<1x1x128xi32, #tpu.memory_space<vmem>>
        %dma_wait3A_131 = tpu.memref_squeeze %dma_wait3A_130 : memref<1x1x128xi32, #tpu.memory_space<vmem>> -> memref<128xi32, #tpu.memory_space<vmem>>
        %dma_wait3A_132 = arith.constant 0 : i32
        %dma_wait3A_133 = arith.constant 0 : i32
        %dma_wait3A_134 = tpu.memref_slice %arg9[%dma_wait3A_132, %dma_wait3A_133] : memref<10240x128xf32, #tpu.memory_space<vmem_shared>> -> memref<10240x128xf32, #tpu.memory_space<vmem_shared>>
        tpu.wait_indirect_dma semaphore(%run_scoped3A_114 : memref<!tpu.dma_semaphore, #tpu.memory_space<semaphore_mem>>) src(%dma_wait3A_128 : memref<128x128xf32, #tpu.memory_space<vmem>>) dst(%dma_wait3A_134 : memref<10240x128xf32, #tpu.memory_space<vmem_shared>>)
        tpu.yield
      }) : () -> ()
      %add3A_107 = arith.constant 1 : i32
      %add3A_108 = arith.addi %add3A_46, %add3A_107 : i32
      %lt3A_109 = arith.constant 5 : i32
      %lt3A_110 = arith.cmpi slt, %add3A_108, %lt3A_109 : i32
      %convert_element_type3A_111 = arith.extui %lt3A_110 : i1 to i32
      %cond3A_112 = arith.constant 0 : i32
      %cond3A_113 = arith.cmpi ne, %convert_element_type3A_111, %cond3A_112 : i32
      scf.if %cond3A_113 {
        %sub3A = arith.constant 1 : i32
        %sub3A_114 = arith.subi %sub3A, %select_n3A_55 : i32
        %dma_start3A_115 = arith.constant 1 : i32
        %dma_start3A_116 = arith.constant 1 : i32
        %dma_start3A_117 = arith.constant 0 : i32
        %dma_start3A_118 = arith.constant 0 : i32
        %dma_start3A_119 = tpu.memref_slice %arg8[%dma_start3A_116, %dma_start3A_117, %dma_start3A_118] : memref<2x128x128xf32, #tpu.memory_space<vmem>> -> memref<1x128x128xf32, #tpu.memory_space<vmem>>
        %dma_start3A_120 = tpu.memref_squeeze %dma_start3A_119 : memref<1x128x128xf32, #tpu.memory_space<vmem>> -> memref<128x128xf32, #tpu.memory_space<vmem>>
        %dma_start3A_121 = arith.constant 0 : i32
        %dma_start3A_122 = tpu.memref_slice %arg6[%sub3A_114, %dma_start3A_115, %dma_start3A_121] : memref<2x16x128xi32, #tpu.memory_space<vmem>> -> memref<1x1x128xi32, #tpu.memory_space<vmem>>
        %dma_start3A_123 = tpu.memref_squeeze %dma_start3A_122 : memref<1x1x128xi32, #tpu.memory_space<vmem>> -> memref<128xi32, #tpu.memory_space<vmem>>
        %dma_start3A_124 = arith.constant 0 : i32
        %dma_start3A_125 = arith.constant 0 : i32
        %dma_start3A_126 = tpu.memref_slice %arg2[%dma_start3A_124, %dma_start3A_125] : memref<10000x128xf32, #tpu.memory_space<hbm>> -> memref<10000x128xf32, #tpu.memory_space<hbm>>
        tpu.enqueue_indirect_dma source(%dma_start3A_126 : memref<10000x128xf32, #tpu.memory_space<hbm>>) target(%dma_start3A_120 : memref<128x128xf32, #tpu.memory_space<vmem>>) offsets(%dma_start3A_123 : memref<128xi32, #tpu.memory_space<vmem>>) semaphore(%arg10 : memref<!tpu.dma_semaphore, #tpu.memory_space<semaphore_mem>>)
      } else {
      }
    }
    %scan3A_36 = arith.constant 5 : i32
    %barrier3A_37 = arith.constant 0 : index
    tpu.barrier barrier_id(%barrier3A_37)
    %mul3A_38 = arith.constant 640 : i32
    %mul3A_39 = arith.muli %arg1, %mul3A_38 : i32
    %mul3A_40 = arith.constant 640 : i32
    %mul3A_41 = arith.muli %arg1, %mul3A_40 : i32
    "tpu.region"() ({
      %run_scoped3A_42 = tpu.sem_alloc : memref<!tpu.dma_semaphore, #tpu.memory_space<semaphore_mem>>
      %dma_start3A_43 = arith.constant 0 : i32
      %dma_start3A_44 = tpu.memref_slice %arg5[%arg0, %mul3A_41, %dma_start3A_43] : memref<2x10240x128xf32, #tpu.memory_space<hbm>> -> memref<1x640x128xf32, #tpu.memory_space<hbm>>
      %dma_start3A_45 = tpu.memref_squeeze %dma_start3A_44 : memref<1x640x128xf32, #tpu.memory_space<hbm>> -> memref<640x128xf32, #tpu.memory_space<hbm>>
      %dma_start3A_46 = arith.constant 0 : i32
      %dma_start3A_47 = tpu.memref_slice %arg9[%mul3A_39, %dma_start3A_46] : memref<10240x128xf32, #tpu.memory_space<vmem_shared>> -> memref<640x128xf32, #tpu.memory_space<vmem_shared>>
      tpu.enqueue_dma source(%dma_start3A_47 : memref<640x128xf32, #tpu.memory_space<vmem_shared>>) target(%dma_start3A_45 : memref<640x128xf32, #tpu.memory_space<hbm>>) target_semaphore(%run_scoped3A_42 : memref<!tpu.dma_semaphore, #tpu.memory_space<semaphore_mem>>)
      %dma_wait3A = arith.constant 0 : i32
      %dma_wait3A_48 = tpu.memref_slice %arg5[%arg0, %mul3A_41, %dma_wait3A] : memref<2x10240x128xf32, #tpu.memory_space<hbm>> -> memref<1x640x128xf32, #tpu.memory_space<hbm>>
      %dma_wait3A_49 = tpu.memref_squeeze %dma_wait3A_48 : memref<1x640x128xf32, #tpu.memory_space<hbm>> -> memref<640x128xf32, #tpu.memory_space<hbm>>
      %dma_wait3A_50 = arith.constant 0 : i32
      %dma_wait3A_51 = tpu.memref_slice %arg9[%mul3A_39, %dma_wait3A_50] : memref<10240x128xf32, #tpu.memory_space<vmem_shared>> -> memref<640x128xf32, #tpu.memory_space<vmem_shared>>
      tpu.wait_dma2 semaphore(%run_scoped3A_42 : memref<!tpu.dma_semaphore, #tpu.memory_space<semaphore_mem>>) src(%dma_wait3A_51 : memref<640x128xf32, #tpu.memory_space<vmem_shared>>) dst(%dma_wait3A_49 : memref<640x128xf32, #tpu.memory_space<hbm>>)
      tpu.yield
    }) : () -> ()
    return
  }
}

module attributes {stable_mosaic.version = 14 : i64} {
  func.func @_tc_scale_body(%arg0: i32, %arg1: memref<2000x128xf32, #tpu.memory_space<vmem>>, %arg2: memref<2000x128xf32, #tpu.memory_space<vmem>>, %arg3: memref<2000x1xf32, #tpu.memory_space<vmem>>, %arg4: memref<2x2000x128xf32, #tpu.memory_space<vmem>>) attributes {dimension_semantics = [#tpu.dimension_semantics<arbitrary>], iteration_bounds = array<i64: 5>, scalar_prefetch = 0 : i64, scratch_operands = 0 : i64, tpu.core_type = #tpu.core_type<tc>, window_params = [{transform_indices = @transform_0, window_bounds = array<i64: 2000, 128>}, {transform_indices = @transform_1, window_bounds = array<i64: 2000, 128>}, {transform_indices = @transform_2, window_bounds = array<i64: 2000, 1>}, {transform_indices = @transform_3, window_bounds = array<i64: 2, 2000, 128>}]} {
    %get3A = arith.constant 0 : index
    %get3A_0 = arith.constant 0 : index
    %get3A_1 = vector.load %arg3[%get3A, %get3A_0] : memref<2000x1xf32, #tpu.memory_space<vmem>>, vector<2000x1xf32>
    %rsqrt3A = math.rsqrt %get3A_1 : vector<2000x1xf32>
    %get3A_2 = arith.constant 0 : index
    %get3A_3 = arith.constant 0 : index
    %get3A_4 = vector.load %arg1[%get3A_2, %get3A_3] : memref<2000x128xf32, #tpu.memory_space<vmem>>, vector<2000x128xf32>
    %mul3A = vector.broadcast %rsqrt3A : vector<2000x1xf32> to vector<2000x128xf32>
    %mul3A_5 = arith.mulf %get3A_4, %mul3A : vector<2000x128xf32>
    %swap3A = arith.constant 0 : index
    %swap3A_6 = arith.constant 0 : index
    %swap3A_7 = arith.constant 0 : index
    %swap3A_8 = vector.load %arg4[%swap3A, %swap3A_6, %swap3A_7] : memref<2x2000x128xf32, #tpu.memory_space<vmem>>, vector<1x2000x128xf32>
    %swap3A_9 = vector.shape_cast %swap3A_8 : vector<1x2000x128xf32> to vector<2000x128xf32>
    %swap3A_10 = vector.shape_cast %mul3A_5 : vector<2000x128xf32> to vector<1x2000x128xf32>
    tpu.vector_store %arg4[%swap3A, %swap3A_6, %swap3A_7], %swap3A_10 {strides = array<i32>} : memref<2x2000x128xf32, #tpu.memory_space<vmem>>, vector<1x2000x128xf32>,
    %get3A_11 = arith.constant 0 : index
    %get3A_12 = arith.constant 0 : index
    %get3A_13 = vector.load %arg2[%get3A_11, %get3A_12] : memref<2000x128xf32, #tpu.memory_space<vmem>>, vector<2000x128xf32>
    %mul3A_14 = vector.broadcast %rsqrt3A : vector<2000x1xf32> to vector<2000x128xf32>
    %mul3A_15 = arith.mulf %get3A_13, %mul3A_14 : vector<2000x128xf32>
    %swap3A_16 = arith.constant 1 : index
    %swap3A_17 = arith.constant 0 : index
    %swap3A_18 = arith.constant 0 : index
    %swap3A_19 = vector.load %arg4[%swap3A_16, %swap3A_17, %swap3A_18] : memref<2x2000x128xf32, #tpu.memory_space<vmem>>, vector<1x2000x128xf32>
    %swap3A_20 = vector.shape_cast %swap3A_19 : vector<1x2000x128xf32> to vector<2000x128xf32>
    %swap3A_21 = vector.shape_cast %mul3A_15 : vector<2000x128xf32> to vector<1x2000x128xf32>
    tpu.vector_store %arg4[%swap3A_16, %swap3A_17, %swap3A_18], %swap3A_21 {strides = array<i32>} : memref<2x2000x128xf32, #tpu.memory_space<vmem>>, vector<1x2000x128xf32>,
    return
  }
  func.func @transform_0(%arg0: i32) -> (i32, i32) {
    %c0_i32 = arith.constant 0 : i32
    %c0_i32_0 = arith.constant 0 : i32
    return %arg0, %c0_i32 : i32, i32
  }
  func.func @transform_1(%arg0: i32) -> (i32, i32) {
    %c0_i32 = arith.constant 0 : i32
    %c0_i32_0 = arith.constant 0 : i32
    return %arg0, %c0_i32 : i32, i32
  }
  func.func @transform_2(%arg0: i32) -> (i32, i32) {
    %c0_i32 = arith.constant 0 : i32
    %c0_i32_0 = arith.constant 0 : i32
    return %arg0, %c0_i32 : i32, i32
  }
  func.func @transform_3(%arg0: i32) -> (i32, i32, i32) {
    %c0_i32 = arith.constant 0 : i32
    %c0_i32_0 = arith.constant 0 : i32
    %c0_i32_1 = arith.constant 0 : i32
    return %c0_i32, %arg0, %c0_i32_0 : i32, i32, i32
  }
}

module attributes {stable_mosaic.version = 14 : i64} {
  func.func @_tc_gates_body(%arg0: i32, %arg1: memref<1x2000x128xf32, #tpu.memory_space<vmem>>, %arg2: memref<1x2000x128xf32, #tpu.memory_space<vmem>>, %arg3: memref<1x2000x128xf32, #tpu.memory_space<vmem>>, %arg4: memref<1x2000x128xf32, #tpu.memory_space<vmem>>, %arg5: memref<2000x128xf32, #tpu.memory_space<vmem>>, %arg6: memref<2000x1xf32, #tpu.memory_space<vmem>>, %arg7: memref<256x256xf32, #tpu.memory_space<vmem>>, %arg8: memref<256xf32, #tpu.memory_space<vmem>>, %arg9: memref<256x128xf32, #tpu.memory_space<vmem>>, %arg10: memref<128xf32, #tpu.memory_space<vmem>>, %arg11: memref<2000x128xf32, #tpu.memory_space<vmem>>, %arg12: memref<2000x128xf32, #tpu.memory_space<vmem>>, %arg13: memref<2000x128xf32, #tpu.memory_space<vmem>>) attributes {dimension_semantics = [#tpu.dimension_semantics<arbitrary>], iteration_bounds = array<i64: 5>, scalar_prefetch = 0 : i64, scratch_operands = 0 : i64, tpu.core_type = #tpu.core_type<tc>, window_params = [{transform_indices = @transform_0, window_bounds = array<i64: 1, 2000, 128>}, {transform_indices = @transform_1, window_bounds = array<i64: 1, 2000, 128>}, {transform_indices = @transform_2, window_bounds = array<i64: 1, 2000, 128>}, {transform_indices = @transform_3, window_bounds = array<i64: 1, 2000, 128>}, {transform_indices = @transform_4, window_bounds = array<i64: 2000, 128>}, {transform_indices = @transform_5, window_bounds = array<i64: 2000, 1>}, {pipeline_mode = #tpu.pipeline_mode<synchronous>, transform_indices = @transform_6, window_bounds = array<i64: 256, 256>}, {pipeline_mode = #tpu.pipeline_mode<synchronous>, transform_indices = @transform_7, window_bounds = array<i64: 256>}, {pipeline_mode = #tpu.pipeline_mode<synchronous>, transform_indices = @transform_8, window_bounds = array<i64: 256, 128>}, {pipeline_mode = #tpu.pipeline_mode<synchronous>, transform_indices = @transform_9, window_bounds = array<i64: 128>}, {transform_indices = @transform_10, window_bounds = array<i64: 2000, 128>}, {transform_indices = @transform_11, window_bounds = array<i64: 2000, 128>}, {transform_indices = @transform_12, window_bounds = array<i64: 2000, 128>}]} {
    %get3A = arith.constant 0 : index
    %get3A_0 = arith.constant 0 : index
    %get3A_1 = vector.load %arg6[%get3A, %get3A_0] : memref<2000x1xf32, #tpu.memory_space<vmem>>, vector<2000x1xf32>
    %rsqrt3A = math.rsqrt %get3A_1 : vector<2000x1xf32>
    %get3A_2 = arith.constant 0 : index
    %get3A_3 = arith.constant 0 : index
    %get3A_4 = arith.constant 0 : index
    %get3A_5 = vector.load %arg1[%get3A_2, %get3A_3, %get3A_4] : memref<1x2000x128xf32, #tpu.memory_space<vmem>>, vector<1x2000x128xf32>
    %get3A_6 = vector.shape_cast %get3A_5 : vector<1x2000x128xf32> to vector<2000x128xf32>
    %get3A_7 = arith.constant 0 : index
    %get3A_8 = arith.constant 0 : index
    %get3A_9 = arith.constant 0 : index
    %get3A_10 = vector.load %arg3[%get3A_7, %get3A_8, %get3A_9] : memref<1x2000x128xf32, #tpu.memory_space<vmem>>, vector<1x2000x128xf32>
    %get3A_11 = vector.shape_cast %get3A_10 : vector<1x2000x128xf32> to vector<2000x128xf32>
    %add3A = arith.addf %get3A_6, %get3A_11 : vector<2000x128xf32>
    %mul3A = vector.broadcast %rsqrt3A : vector<2000x1xf32> to vector<2000x128xf32>
    %mul3A_12 = arith.mulf %add3A, %mul3A : vector<2000x128xf32>
    %get3A_13 = arith.constant 0 : index
    %get3A_14 = arith.constant 0 : index
    %get3A_15 = arith.constant 0 : index
    %get3A_16 = vector.load %arg2[%get3A_13, %get3A_14, %get3A_15] : memref<1x2000x128xf32, #tpu.memory_space<vmem>>, vector<1x2000x128xf32>
    %get3A_17 = vector.shape_cast %get3A_16 : vector<1x2000x128xf32> to vector<2000x128xf32>
    %get3A_18 = arith.constant 0 : index
    %get3A_19 = arith.constant 0 : index
    %get3A_20 = arith.constant 0 : index
    %get3A_21 = vector.load %arg4[%get3A_18, %get3A_19, %get3A_20] : memref<1x2000x128xf32, #tpu.memory_space<vmem>>, vector<1x2000x128xf32>
    %get3A_22 = vector.shape_cast %get3A_21 : vector<1x2000x128xf32> to vector<2000x128xf32>
    %add3A_23 = arith.addf %get3A_17, %get3A_22 : vector<2000x128xf32>
    %mul3A_24 = vector.broadcast %rsqrt3A : vector<2000x1xf32> to vector<2000x128xf32>
    %mul3A_25 = arith.mulf %add3A_23, %mul3A_24 : vector<2000x128xf32>
    %get3A_26 = arith.constant 0 : index
    %get3A_27 = arith.constant 0 : index
    %get3A_28 = vector.load %arg7[%get3A_26, %get3A_27] : memref<256x256xf32, #tpu.memory_space<vmem>>, vector<256x256xf32>
    %slice3A = vector.extract_strided_slice %get3A_28 {offsets = [0, 0], sizes = [128, 256], strides = [1, 1]} : vector<256x256xf32> to vector<128x256xf32>
    %dot_general3A = arith.constant dense<0.000000e+00> : vector<2000x256xf32>
    %dot_general3A_29 = tpu.matmul %mul3A_12, %slice3A, %dot_general3A {dimension_numbers = #tpu.dot_dimension_numbers<[1], [0], [0], [1], [0, 0, 1, 1], [], []>, transpose_lhs_hint = false} : vector<2000x128xf32>, vector<128x256xf32>, vector<2000x256xf32> -> vector<2000x256xf32>
    %slice3A_30 = vector.extract_strided_slice %get3A_28 {offsets = [128, 0], sizes = [128, 256], strides = [1, 1]} : vector<256x256xf32> to vector<128x256xf32>
    %dot_general3A_31 = arith.constant dense<0.000000e+00> : vector<2000x256xf32>
    %dot_general3A_32 = tpu.matmul %mul3A_25, %slice3A_30, %dot_general3A_31 {dimension_numbers = #tpu.dot_dimension_numbers<[1], [0], [0], [1], [0, 0, 1, 1], [], []>, transpose_lhs_hint = false} : vector<2000x128xf32>, vector<128x256xf32>, vector<2000x256xf32> -> vector<2000x256xf32>
    %add3A_33 = arith.addf %dot_general3A_29, %dot_general3A_32 : vector<2000x256xf32>
    %get3A_34 = arith.constant 0 : index
    %get3A_35 = vector.load %arg8[%get3A_34] : memref<256xf32, #tpu.memory_space<vmem>>, vector<256xf32>
    %broadcast_in_dim3A = vector.shape_cast %get3A_35 : vector<256xf32> to vector<1x256xf32>
    %add3A_36 = vector.broadcast %broadcast_in_dim3A : vector<1x256xf32> to vector<2000x256xf32>
    %add3A_37 = arith.addf %add3A_33, %add3A_36 : vector<2000x256xf32>
    %logistic3A = arith.negf %add3A_37 : vector<2000x256xf32>
    %logistic3A_38 = math.exp %logistic3A : vector<2000x256xf32>
    %logistic3A_39 = arith.constant 1.000000e+00 : f32
    %logistic3A_40 = vector.broadcast %logistic3A_39 : f32 to vector<2000x256xf32>
    %logistic3A_41 = arith.addf %logistic3A_40, %logistic3A_38 : vector<2000x256xf32>
    %logistic3A_42 = arith.divf %logistic3A_40, %logistic3A_41 : vector<2000x256xf32>
    %slice3A_43 = vector.extract_strided_slice %logistic3A_42 {offsets = [0, 0], sizes = [2000, 128], strides = [1, 1]} : vector<2000x256xf32> to vector<2000x128xf32>
    %slice3A_44 = vector.extract_strided_slice %logistic3A_42 {offsets = [0, 128], sizes = [2000, 128], strides = [1, 1]} : vector<2000x256xf32> to vector<2000x128xf32>
    %get3A_45 = arith.constant 0 : index
    %get3A_46 = arith.constant 0 : index
    %get3A_47 = vector.load %arg9[%get3A_45, %get3A_46] : memref<256x128xf32, #tpu.memory_space<vmem>>, vector<256x128xf32>
    %slice3A_48 = vector.extract_strided_slice %get3A_47 {offsets = [0, 0], sizes = [128, 128], strides = [1, 1]} : vector<256x128xf32> to vector<128x128xf32>
    %dot_general3A_49 = arith.constant dense<0.000000e+00> : vector<2000x128xf32>
    %dot_general3A_50 = tpu.matmul %mul3A_12, %slice3A_48, %dot_general3A_49 {dimension_numbers = #tpu.dot_dimension_numbers<[1], [0], [0], [1], [0, 0, 1, 1], [], []>, transpose_lhs_hint = false} : vector<2000x128xf32>, vector<128x128xf32>, vector<2000x128xf32> -> vector<2000x128xf32>
    %get3A_51 = arith.constant 0 : index
    %get3A_52 = vector.load %arg10[%get3A_51] : memref<128xf32, #tpu.memory_space<vmem>>, vector<128xf32>
    %broadcast_in_dim3A_53 = vector.shape_cast %get3A_52 : vector<128xf32> to vector<1x128xf32>
    %add3A_54 = vector.broadcast %broadcast_in_dim3A_53 : vector<1x128xf32> to vector<2000x128xf32>
    %add3A_55 = arith.addf %dot_general3A_50, %add3A_54 : vector<2000x128xf32>
    %swap3A = arith.constant 0 : index
    %swap3A_56 = arith.constant 0 : index
    %swap3A_57 = vector.load %arg11[%swap3A, %swap3A_56] : memref<2000x128xf32, #tpu.memory_space<vmem>>, vector<2000x128xf32>
    tpu.vector_store %arg11[%swap3A, %swap3A_56], %add3A_55 {strides = array<i32>} : memref<2000x128xf32, #tpu.memory_space<vmem>>, vector<2000x128xf32>,
    %swap3A_58 = arith.constant 0 : index
    %swap3A_59 = arith.constant 0 : index
    %swap3A_60 = vector.load %arg12[%swap3A_58, %swap3A_59] : memref<2000x128xf32, #tpu.memory_space<vmem>>, vector<2000x128xf32>
    tpu.vector_store %arg12[%swap3A_58, %swap3A_59], %slice3A_44 {strides = array<i32>} : memref<2000x128xf32, #tpu.memory_space<vmem>>, vector<2000x128xf32>,
    %get3A_61 = arith.constant 0 : index
    %get3A_62 = arith.constant 0 : index
    %get3A_63 = vector.load %arg5[%get3A_61, %get3A_62] : memref<2000x128xf32, #tpu.memory_space<vmem>>, vector<2000x128xf32>
    %mul3A_64 = arith.mulf %get3A_63, %slice3A_43 : vector<2000x128xf32>
    %mul3A_65 = vector.broadcast %rsqrt3A : vector<2000x1xf32> to vector<2000x128xf32>
    %mul3A_66 = arith.mulf %mul3A_64, %mul3A_65 : vector<2000x128xf32>
    %swap3A_67 = arith.constant 0 : index
    %swap3A_68 = arith.constant 0 : index
    %swap3A_69 = vector.load %arg13[%swap3A_67, %swap3A_68] : memref<2000x128xf32, #tpu.memory_space<vmem>>, vector<2000x128xf32>
    tpu.vector_store %arg13[%swap3A_67, %swap3A_68], %mul3A_66 {strides = array<i32>} : memref<2000x128xf32, #tpu.memory_space<vmem>>, vector<2000x128xf32>,
    return
  }
  func.func @transform_0(%arg0: i32) -> (i32, i32, i32) {
    %c0_i32 = arith.constant 0 : i32
    %c0_i32_0 = arith.constant 0 : i32
    %c0_i32_1 = arith.constant 0 : i32
    return %c0_i32, %arg0, %c0_i32_0 : i32, i32, i32
  }
  func.func @transform_1(%arg0: i32) -> (i32, i32, i32) {
    %c1_i32 = arith.constant 1 : i32
    %c0_i32 = arith.constant 0 : i32
    %c0_i32_0 = arith.constant 0 : i32
    return %c1_i32, %arg0, %c0_i32 : i32, i32, i32
  }
  func.func @transform_2(%arg0: i32) -> (i32, i32, i32) {
    %c0_i32 = arith.constant 0 : i32
    %c0_i32_0 = arith.constant 0 : i32
    %c0_i32_1 = arith.constant 0 : i32
    return %c0_i32, %arg0, %c0_i32_0 : i32, i32, i32
  }
  func.func @transform_3(%arg0: i32) -> (i32, i32, i32) {
    %c1_i32 = arith.constant 1 : i32
    %c0_i32 = arith.constant 0 : i32
    %c0_i32_0 = arith.constant 0 : i32
    return %c1_i32, %arg0, %c0_i32 : i32, i32, i32
  }
  func.func @transform_4(%arg0: i32) -> (i32, i32) {
    %c0_i32 = arith.constant 0 : i32
    %c0_i32_0 = arith.constant 0 : i32
    return %arg0, %c0_i32 : i32, i32
  }
  func.func @transform_5(%arg0: i32) -> (i32, i32) {
    %c0_i32 = arith.constant 0 : i32
    %c0_i32_0 = arith.constant 0 : i32
    return %arg0, %c0_i32 : i32, i32
  }
  func.func @transform_6(%arg0: i32) -> (i32, i32) {
    %c0_i32 = arith.constant 0 : i32
    %c0_i32_0 = arith.constant 0 : i32
    %c0_i32_1 = arith.constant 0 : i32
    return %c0_i32, %c0_i32_0 : i32, i32
  }
  func.func @transform_7(%arg0: i32) -> i32 {
    %c0_i32 = arith.constant 0 : i32
    %c0_i32_0 = arith.constant 0 : i32
    return %c0_i32 : i32
  }
  func.func @transform_8(%arg0: i32) -> (i32, i32) {
    %c0_i32 = arith.constant 0 : i32
    %c0_i32_0 = arith.constant 0 : i32
    %c0_i32_1 = arith.constant 0 : i32
    return %c0_i32, %c0_i32_0 : i32, i32
  }
  func.func @transform_9(%arg0: i32) -> i32 {
    %c0_i32 = arith.constant 0 : i32
    %c0_i32_0 = arith.constant 0 : i32
    return %c0_i32 : i32
  }
  func.func @transform_10(%arg0: i32) -> (i32, i32) {
    %c0_i32 = arith.constant 0 : i32
    %c0_i32_0 = arith.constant 0 : i32
    return %arg0, %c0_i32 : i32, i32
  }
  func.func @transform_11(%arg0: i32) -> (i32, i32) {
    %c0_i32 = arith.constant 0 : i32
    %c0_i32_0 = arith.constant 0 : i32
    return %arg0, %c0_i32 : i32, i32
  }
  func.func @transform_12(%arg0: i32) -> (i32, i32) {
    %c0_i32 = arith.constant 0 : i32
    %c0_i32_0 = arith.constant 0 : i32
    return %arg0, %c0_i32 : i32, i32
  }
}

module attributes {stable_mosaic.version = 14 : i64} {
  func.func @_tc_out_body(%arg0: i32, %arg1: memref<1x2000x128xf32, #tpu.memory_space<vmem>>, %arg2: memref<1x2000x128xf32, #tpu.memory_space<vmem>>, %arg3: memref<2000x128xf32, #tpu.memory_space<vmem>>, %arg4: memref<2000x128xf32, #tpu.memory_space<vmem>>, %arg5: memref<2000x128xf32, #tpu.memory_space<vmem>>, %arg6: memref<2000x128xf32, #tpu.memory_space<vmem>>, %arg7: memref<2000x1xf32, #tpu.memory_space<vmem>>, %arg8: memref<256x128xf32, #tpu.memory_space<vmem>>, %arg9: memref<2000x128xf32, #tpu.memory_space<vmem>>) attributes {dimension_semantics = [#tpu.dimension_semantics<arbitrary>], iteration_bounds = array<i64: 5>, scalar_prefetch = 0 : i64, scratch_operands = 0 : i64, tpu.core_type = #tpu.core_type<tc>, window_params = [{transform_indices = @transform_0, window_bounds = array<i64: 1, 2000, 128>}, {transform_indices = @transform_1, window_bounds = array<i64: 1, 2000, 128>}, {transform_indices = @transform_2, window_bounds = array<i64: 2000, 128>}, {transform_indices = @transform_3, window_bounds = array<i64: 2000, 128>}, {transform_indices = @transform_4, window_bounds = array<i64: 2000, 128>}, {transform_indices = @transform_5, window_bounds = array<i64: 2000, 128>}, {transform_indices = @transform_6, window_bounds = array<i64: 2000, 1>}, {pipeline_mode = #tpu.pipeline_mode<synchronous>, transform_indices = @transform_7, window_bounds = array<i64: 256, 128>}, {transform_indices = @transform_8, window_bounds = array<i64: 2000, 128>}]} {
    %get3A = arith.constant 0 : index
    %get3A_0 = arith.constant 0 : index
    %get3A_1 = vector.load %arg7[%get3A, %get3A_0] : memref<2000x1xf32, #tpu.memory_space<vmem>>, vector<2000x1xf32>
    %rsqrt3A = math.rsqrt %get3A_1 : vector<2000x1xf32>
    %get3A_2 = arith.constant 0 : index
    %get3A_3 = arith.constant 0 : index
    %get3A_4 = arith.constant 0 : index
    %get3A_5 = vector.load %arg1[%get3A_2, %get3A_3, %get3A_4] : memref<1x2000x128xf32, #tpu.memory_space<vmem>>, vector<1x2000x128xf32>
    %get3A_6 = vector.shape_cast %get3A_5 : vector<1x2000x128xf32> to vector<2000x128xf32>
    %get3A_7 = arith.constant 0 : index
    %get3A_8 = arith.constant 0 : index
    %get3A_9 = arith.constant 0 : index
    %get3A_10 = vector.load %arg2[%get3A_7, %get3A_8, %get3A_9] : memref<1x2000x128xf32, #tpu.memory_space<vmem>>, vector<1x2000x128xf32>
    %get3A_11 = vector.shape_cast %get3A_10 : vector<1x2000x128xf32> to vector<2000x128xf32>
    %add3A = arith.addf %get3A_6, %get3A_11 : vector<2000x128xf32>
    %get3A_12 = arith.constant 0 : index
    %get3A_13 = arith.constant 0 : index
    %get3A_14 = vector.load %arg3[%get3A_12, %get3A_13] : memref<2000x128xf32, #tpu.memory_space<vmem>>, vector<2000x128xf32>
    %add3A_15 = arith.addf %add3A, %get3A_14 : vector<2000x128xf32>
    %mul3A = vector.broadcast %rsqrt3A : vector<2000x1xf32> to vector<2000x128xf32>
    %mul3A_16 = arith.mulf %add3A_15, %mul3A : vector<2000x128xf32>
    %get3A_17 = arith.constant 0 : index
    %get3A_18 = arith.constant 0 : index
    %get3A_19 = vector.load %arg4[%get3A_17, %get3A_18] : memref<2000x128xf32, #tpu.memory_space<vmem>>, vector<2000x128xf32>
    %get3A_20 = arith.constant 0 : index
    %get3A_21 = arith.constant 0 : index
    %get3A_22 = vector.load %arg8[%get3A_20, %get3A_21] : memref<256x128xf32, #tpu.memory_space<vmem>>, vector<256x128xf32>
    %slice3A = vector.extract_strided_slice %get3A_22 {offsets = [128, 0], sizes = [128, 128], strides = [1, 1]} : vector<256x128xf32> to vector<128x128xf32>
    %dot_general3A = arith.constant dense<0.000000e+00> : vector<2000x128xf32>
    %dot_general3A_23 = tpu.matmul %mul3A_16, %slice3A, %dot_general3A {dimension_numbers = #tpu.dot_dimension_numbers<[1], [0], [0], [1], [0, 0, 1, 1], [], []>, transpose_lhs_hint = false} : vector<2000x128xf32>, vector<128x128xf32>, vector<2000x128xf32> -> vector<2000x128xf32>
    %add3A_24 = arith.addf %get3A_19, %dot_general3A_23 : vector<2000x128xf32>
    %tanh3A = math.tanh %add3A_24 : vector<2000x128xf32>
    %get3A_25 = arith.constant 0 : index
    %get3A_26 = arith.constant 0 : index
    %get3A_27 = vector.load %arg5[%get3A_25, %get3A_26] : memref<2000x128xf32, #tpu.memory_space<vmem>>, vector<2000x128xf32>
    %get3A_28 = arith.constant 0 : index
    %get3A_29 = arith.constant 0 : index
    %get3A_30 = vector.load %arg6[%get3A_28, %get3A_29] : memref<2000x128xf32, #tpu.memory_space<vmem>>, vector<2000x128xf32>
    %mul3A_31 = arith.mulf %get3A_27, %get3A_30 : vector<2000x128xf32>
    %sub3A = arith.constant 1.000000e+00 : f32
    %sub3A_32 = vector.broadcast %sub3A : f32 to vector<2000x128xf32>
    %sub3A_33 = arith.subf %sub3A_32, %get3A_27 : vector<2000x128xf32>
    %mul3A_34 = arith.mulf %sub3A_33, %tanh3A : vector<2000x128xf32>
    %add3A_35 = arith.addf %mul3A_31, %mul3A_34 : vector<2000x128xf32>
    %swap3A = arith.constant 0 : index
    %swap3A_36 = arith.constant 0 : index
    %swap3A_37 = vector.load %arg9[%swap3A, %swap3A_36] : memref<2000x128xf32, #tpu.memory_space<vmem>>, vector<2000x128xf32>
    tpu.vector_store %arg9[%swap3A, %swap3A_36], %add3A_35 {strides = array<i32>} : memref<2000x128xf32, #tpu.memory_space<vmem>>, vector<2000x128xf32>,
    return
  }
  func.func @transform_0(%arg0: i32) -> (i32, i32, i32) {
    %c0_i32 = arith.constant 0 : i32
    %c0_i32_0 = arith.constant 0 : i32
    %c0_i32_1 = arith.constant 0 : i32
    return %c0_i32, %arg0, %c0_i32_0 : i32, i32, i32
  }
  func.func @transform_1(%arg0: i32) -> (i32, i32, i32) {
    %c1_i32 = arith.constant 1 : i32
    %c0_i32 = arith.constant 0 : i32
    %c0_i32_0 = arith.constant 0 : i32
    return %c1_i32, %arg0, %c0_i32 : i32, i32, i32
  }
  func.func @transform_2(%arg0: i32) -> (i32, i32) {
    %c0_i32 = arith.constant 0 : i32
    %c0_i32_0 = arith.constant 0 : i32
    return %arg0, %c0_i32 : i32, i32
  }
  func.func @transform_3(%arg0: i32) -> (i32, i32) {
    %c0_i32 = arith.constant 0 : i32
    %c0_i32_0 = arith.constant 0 : i32
    return %arg0, %c0_i32 : i32, i32
  }
  func.func @transform_4(%arg0: i32) -> (i32, i32) {
    %c0_i32 = arith.constant 0 : i32
    %c0_i32_0 = arith.constant 0 : i32
    return %arg0, %c0_i32 : i32, i32
  }
  func.func @transform_5(%arg0: i32) -> (i32, i32) {
    %c0_i32 = arith.constant 0 : i32
    %c0_i32_0 = arith.constant 0 : i32
    return %arg0, %c0_i32 : i32, i32
  }
  func.func @transform_6(%arg0: i32) -> (i32, i32) {
    %c0_i32 = arith.constant 0 : i32
    %c0_i32_0 = arith.constant 0 : i32
    return %arg0, %c0_i32 : i32, i32
  }
  func.func @transform_7(%arg0: i32) -> (i32, i32) {
    %c0_i32 = arith.constant 0 : i32
    %c0_i32_0 = arith.constant 0 : i32
    %c0_i32_1 = arith.constant 0 : i32
    return %c0_i32, %c0_i32_0 : i32, i32
  }
  func.func @transform_8(%arg0: i32) -> (i32, i32) {
    %c0_i32 = arith.constant 0 : i32
    %c0_i32_0 = arith.constant 0 : i32
    return %arg0, %c0_i32 : i32, i32
  }
}

</mosaic_0001>

<sc_bundles>
// kernel: kernel.11.cloned.1.call-start
scs
__scs_entry_jumppad:
0x0: {  	(pc) =	sbr.rel $0x88, $3  }
0x1: {  	(tag) =	ssettag $0x0;
	lr =	simm.s32 $0x1  }
0x2: {  	[smem:$0x3F9A] =	sst lr;
	_ =	strace $0xD0000000  }
0x3: {  	_ = 	snop  }
0x4: {  	_ = 	snop  }
0x5: {  	_ = 	snop  }
0x6: {  	_ = 	snop  }
0x7: {  	_ = 	snop  }
__scs_overlays_trampoline_lowered:
0x8: {  	[smem:$0x3FA9] =	sst s0  }
0x9: {  	[smem:$0x3FAA] =	sst s1  }
0xa: {  	[smem:$0x3FAB] =	sst s2  }
0xb: {  	[smem:$0x3FAC] =	sst s3  }
0xc: {  	[smem:$0x3FAD] =	sst s4  }
0xd: {  	[smem:$0x3FAE] =	sst s5  }
0xe: {  	[smem:$0x3FAF] =	sst s6  }
0xf: {  	[smem:$0x3FB0] =	sst s7  }
0x10: {  	[smem:$0x3FB1] =	sst s8  }
0x11: {  	[smem:$0x3FB2] =	sst s9;
	s0 =	simm.s32 @!p0 $0x0  }
0x12: {  	s1 =	sld [smem:$0x3F98];
	s0 =	simm.s32 @p0 $0x1  }
0x13: {  	[smem:$0x3FB3] =	sst s0;
	s0 =	simm.s32 @!p1 $0x0  }
0x14: {  	s2 =	sld [smem:$0x3F97];
	s0 =	simm.s32 @p1 $0x1  }
0x15: {  	[smem:$0x3FB4] =	sst s0;
	s0 =	simm.s32 @!p2 $0x0  }
0x16: {  	s3 =	sld [smem:$0x3FDB];
	s0 =	simm.s32 @p2 $0x1  }
0x17: {  	s4 =	simm.s32 $0x1BF5;
	[smem:$0x3FB6] =	sst s0  }
0x18: {  	s0 =	sld [smem:$0x3F99];
	_ =	swait.ge [sflag:s4], $0x0  }
0x19: {  	s7 =	sld [smem:$0x3F9A]  }
0x1a: {  	s8 =	sadd.s32 $0xFFFFE003, lr  }
0x1b: {  	s9 =	sadd.s32 $0xFFFFFEF7, lr;
	s5 =	simm.s32 $0xFFFFFFFF;
	p2 =	slt.u32 s8, $0xFFFFF086  }
0x1c: {  	p1 =	slt.u32 s9, $0xF7A;
	s5 =	simm.s32 @!p2 $0x0  }
0x1d: {  	s5 =	simm.s32 @p1 $0x1;
	p0 =	seq.s32 s7, s2  }
0x1e: {  	s7 =	smul.u32 @!p0 $0xF7A, s2;
	p2 =	seq.s32 @!p0 s5, $0x0  }
0x1f: {  	s9 =	smul.u32 $0xF7A, s1;
	s8 =	simm.s32 @!p0 $0x1BF5;
	p2 =	por !p2, p0  }
0x20: {  	[sflag:s8] =	ssyncset.s32 @!p0 $0xFFFFF086;
	s6 =	sadd.s32 @!p0 s3, s7;
	s7 =	simm.s32 @!p0 $0x108  }
0x21: {  	s3 =	sadd.s32 s3, s9;
	s6 =	sadd.s32 @!p0 $0x88, s6;
	s7 =	simm.s32 @p2 $0x1082  }
0x22: {  	[simem:s7], [sflag:s8] =	dma.local @!p0 [hbm:s6], $0xF7A  }
0x23: {  	s9 =	sor.u32 $0xD0000000, s2;
	s6 =	simm.s32 $0x108;
	_ =	swait.ge @!p0 [sflag:s8], $0x0  }
0x24: {  	s3 =	sadd.s32 $0x88, s3;
	s6 =	simm.s32 @!p1 $0x1082;
	[sflag:s4] =	ssyncset.s32 $0xFFFFF086  }
0x25: {  	[simem:s6], [sflag:s4] =	dma.local [hbm:s3], $0xF7A  }
0x26: {  	[smem:$0x3F9A] =	sst s1;
	(tag) =	ssettag s2;
	_ =	strace s9  }
0x27: {  	s1 =	sld [smem:$0x3FAA]  }
0x28: {  	s2 =	sld [smem:$0x3FAB]  }
0x29: {  	s4 =	sld [smem:$0x3FAD]  }
0x2a: {  	p0 =	seq.s32 s5, $0x0;
	s5 =	sld [smem:$0x3FAE]  }
0x2b: {  	s6 =	sld [smem:$0x3FAF]  }
0x2c: {  	s7 =	sld [smem:$0x3FB0]  }
0x2d: {  	s3 =	simm.s32 $0x108;
	s8 =	sld [smem:$0x3FB1]  }
0x2e: {  	s3 =	simm.s32 @!p0 $0x1082;
	s9 =	sld [smem:$0x3FB2]  }
0x2f: {  	lr =	sadd.s32 s0, s3;
	s0 =	sld [smem:$0x3FA9]  }
0x30: {  	s3 =	sld [smem:$0x3FAC]  }
0x31: {  	[smem:$0x3FB5] =	sst s10  }
0x32: {  	s10 =	sld [smem:$0x3FB3];
	_ =	sdelay $0x3  }
0x33: {  	p0 =	seq.s32 s10, $0x1;
	s10 =	sld [smem:$0x3FB5];
	_ =	sdelay $0x3  }
0x34: {  	[smem:$0x3FB5] =	sst s10  }
0x35: {  	s10 =	sld [smem:$0x3FB4];
	_ =	sdelay $0x3  }
0x36: {  	p1 =	seq.s32 s10, $0x1;
	s10 =	sld [smem:$0x3FB5];
	_ =	sdelay $0x3  }
0x37: {  	[smem:$0x3FB5] =	sst s10  }
0x38: {  	s10 =	sld [smem:$0x3FB6]  }
0x39: {  	_ = 	snop;
	(pc) =	sbr.ind lr, $3  }
0x3a: {  	_ = 	snop  }
0x3b: {  	_ = 	snop  }
0x3c: {  	p2 =	seq.s32 s10, $0x1;
	s10 =	sld [smem:$0x3FB5]  }
0x3d: {  	_ =	shalt  }
0x3e: {  	_ =	shalt  }
0x3f: {  	_ =	shalt  }
0x40: {  	_ =	shalt  }
0x41: {  	_ =	shalt  }
0x42: {  	_ =	shalt  }
0x43: {  	_ =	shalt  }
0x44: {  	_ =	shalt  }
0x45: {  	_ =	shalt  }
0x46: {  	_ =	shalt  }
0x47: {  	_ =	shalt  }
0x48: {  	_ =	shalt  }
0x49: {  	_ =	shalt  }
0x4a: {  	_ =	shalt  }
0x4b: {  	_ =	shalt  }
0x4c: {  	_ =	shalt  }
0x4d: {  	_ =	shalt  }
0x4e: {  	_ =	shalt  }
0x4f: {  	_ =	shalt  }
0x50: {  	_ =	shalt  }
0x51: {  	_ =	shalt  }
0x52: {  	_ =	shalt  }
0x53: {  	_ =	shalt  }
0x54: {  	_ =	shalt  }
0x55: {  	_ =	shalt  }
0x56: {  	_ =	shalt  }
0x57: {  	_ =	shalt  }
0x58: {  	_ =	shalt  }
0x59: {  	_ =	shalt  }
0x5a: {  	_ =	shalt  }
0x5b: {  	_ =	shalt  }
0x5c: {  	_ =	shalt  }
0x5d: {  	_ =	shalt  }
0x5e: {  	_ =	shalt  }
0x5f: {  	_ =	shalt  }
0x60: {  	_ =	shalt  }
0x61: {  	_ =	shalt  }
0x62: {  	_ =	shalt  }
0x63: {  	_ =	shalt  }
0x64: {  	_ =	shalt  }
0x65: {  	_ =	shalt  }
0x66: {  	_ =	shalt  }
0x67: {  	_ =	shalt  }
0x68: {  	_ =	shalt  }
0x69: {  	_ =	shalt  }
0x6a: {  	_ =	shalt  }
0x6b: {  	_ =	shalt  }
0x6c: {  	_ =	shalt  }
0x6d: {  	_ =	shalt  }
0x6e: {  	_ =	shalt  }
0x6f: {  	_ =	shalt  }
0x70: {  	_ =	shalt  }
0x71: {  	_ =	shalt  }
0x72: {  	_ =	shalt  }
0x73: {  	_ =	shalt  }
0x74: {  	_ =	shalt  }
0x75: {  	_ =	shalt  }
0x76: {  	_ =	shalt  }
0x77: {  	_ =	shalt  }
0x78: {  	_ =	shalt  }
0x79: {  	_ =	shalt  }
0x7a: {  	_ =	shalt  }
0x7b: {  	_ =	shalt  }
0x7c: {  	_ =	shalt  }
0x7d: {  	_ =	shalt  }
0x7e: {  	_ =	shalt  }
0x7f: {  	_ =	shalt  }
0x80: {  	_ =	shalt  }
0x81: {  	_ =	shalt  }
0x82: {  	_ =	shalt  }
0x83: {  	_ =	shalt  }
0x84: {  	_ =	shalt  }
0x85: {  	_ =	shalt  }
0x86: {  	_ =	shalt  }
0x87: {  	_ =	shalt  }
.Lfunc_end0:
.L_simem_size_0:
called_computation.1_lowered:
.L_overlay_start_0:
0x88: {  	s2 =	sld [smem:$0x3FD9]  }
0x89: {  	s3 =	sld [smem:$0x3FFE];
	_ =	sdelay $0x1  }
0x8a: {  	s1 =	srdreg.scid  }
0x8b: {  	s0 =	sand.u32 $0x1, s1  }
0x8c: {  	s16 =	sshll.u32 s0, $0xA;
	s2 =	sadd.s32 s3, s2  }
0x8d: {  	s2 =	sadd.s32 s2, s16  }
0x8e: {  	[smem:$0x3FC1] =	sst s2  }
0x8f: {  	_ = 	snop  }
0x90: {  	(tm) =	ssettm $0x1  }
0x91: {  	s17 =	sld [smem:$0x3FFB];
	_ =	sdelay $0x3  }
0x92: {  	_ =	strace s17  }
0x93: {  	s2 =	sld [smem:$0x3FFC];
	_ =	sdelay $0x3  }
0x94: {  	_ =	strace s2  }
0x95: {  	s2 =	sld [smem:$0x3FFD];
	_ =	sdelay $0x3  }
0x96: {  	_ =	strace s2  }
0x97: {  	_ =	strace $0x8FFFFFFF  }
0x98: {  	s18 =	sld [smem:$0x3FDB];
	_ =	sdelay $0x1  }
0x99: {  	s19 =	simm.s32 $_scs_section_size  }
0x9a: {  	s4 =	simm.s32 $_size__tile_overlayer_lowered;
	s5 =	simm.s32 $_tile_overlayer_lowered  }
0x9b: {  	s22 =	simm.s32 $0x1BFF;
	s21 =	sshll.u32 s5, $0x1;
	s2 =	sadd.s32 s19, s18  }
0x9c: {  	s6 =	simm.s32 $0x0;
	s20 =	sshll.u32 s4, $0x1;
	s4 =	sadd.s32 s21, s2  }
0x9d: {  	[timem:s6], [sflag:s22] =	dma.local [hbm:s4], s20  }
0x9e: {  	_ =	swait.ge [sflag:s22], s20  }
0x9f: {  	s3 =	ssub.s32 $0x0, s20;
	[sflag:s22] =	ssyncset.done $0x0  }
0xa0: {  	[sflag:s22] =	ssyncadd.s32 s3;
	_ =	sdelay $0x1  }
0xa1: {  	s23 =	simm.s32 $0x1B8B  }
0xa2: {  	_ =	swait.ge [sflag:s23], $0x1  }
0xa3: {  	[sflag:s23] =	ssyncset.done $0x0  }
0xa4: {  	s25 =	simm.s32 $0x1B8E;
	s24 =	sld [smem:$0x3FFE];
	[sflag:s23] =	ssyncadd.s32 $0xFFFFFFFF  }
0xa5: {  	s26 =	simm.s32 $execute0_lowered;
	[smem:$0x3FD2] =	sst s25  }
0xa6: {  	s4 =	sshll.u32 s26, $0x1;
	_ =	strace $0x80000049;
	[dreg:$0x1] =	wrdreg $0xFFFFFFFF  }
0xa7: {  	s28 =	simm.s32 $_size_execute0_lowered;
	s2 =	sadd.s32 s2, s4;
	[dreg:$0x0] =	wrdreg $0x0  }
0xa8: {  	s4 =	sshll.u32 s28, $0x1;
	[dreg:$0x2] =	wrdreg s2  }
0xa9: {  	[dreg:$0x3] =	wrdreg s4  }
0xaa: {  	[dreg:$0x4] =	wrdreg $0xC0  }
0xab: {  	_ =	task [dreg:s6], $0x5FFFF  }
0xac: {  	[dreg:$0x1] =	wrdreg $0xFFFFFFFF  }
0xad: {  	[dreg:$0x0] =	wrdreg $0x60  }
0xae: {  	[dreg:$0x2] =	wrdreg s24  }
0xaf: {  	[dreg:$0x3] =	wrdreg $0xA0000  }
0xb0: {  	[dreg:$0x4] =	wrdreg $0x9  }
0xb1: {  	_ =	task.clear_ibuf [dreg:s6], $0x5FFFF;
	_ =	strace $0x90000049  }
0xb2: {  	s29 =	simm.s32 $0x9;
	_ =	strace $0x8000004B  }
0xb3: {  	_ =	swait.ge [sflag:s29], $0x1  }
0xb4: {  	[sflag:s29] =	ssyncadd.s32 $0xFFFFFFFF  }
0xb5: {  	_ =	strace $0x9000004B  }
0xb6: {  	_ =	sfence  }
0xb7: {  	s30 =	sld [smem:$0x0];
	_ =	sdelay $0x2  }
0xb8: {  	s31 =	sshll.u32 s1, $0xD;
	s1 =	sshrl.u32 s1, $0x2  }
0xb9: {  	s3 =	sand.u32 $0x4000, s31;
	s1 =	sadd.s32 s1, s30  }
0xba: {  	s0 =	sor.u32 s3, s0;
	s1 =	sshll.u32 s1, $0x11  }
0xbb: {  	s0 =	sor.u32 s1, s0  }
0xbc: {  	s0 =	sadd.s32 $0x8F2B, s0  }
0xbd: {  	[sflag:s0] =	ssyncadd.remote.s32 $0x1  }
0xbe: {  	_ =	sfence.sel $0xFFFF  }
0xbf: {  	[dreg:$0x0] =	wrdreg $0xFFFFFFFF;
	(pc) =	sbr.abs _section_cstart, $3  }
0xc0: {  	[dreg:$0x1] =	wrdreg $0xFFFFFFFF  }
0xc1: {  	_ =	task.clear_ibuf [dreg:s6], $0x2FFFF;
	_ =	strace $0x9FFFFFFF  }
0xc2: {  	(tm) =	ssettm $0x7FFFFFFF  }
0xc3: {  	_ =	shalt  }
tec
execute0_lowered:
.L_overlay_start_1:
0x0: {  	(tag) =	ssettag $0x1  }
0x1: {  	s5 =	rddreg [dreg:$0x0]  }
0x2: {  	s0 =	srdreg.scid;
	s1 =	rddreg [dreg:$0x1]  }
0x3: {  	s3 =	simm.s32 $0x0;
	s2 =	stileid.u32;
	s16 =	simm.s32 $0x2000  }
0x4: {  	s17 =	simm.s32 $0x6000;
	s18 =	simm.s32 $0x1;
	s8 =	smul.u32 $0x14000, s2  }
0x5: {  	s19 =	simm.s32 $0x2;
	s20 =	simm.s32 $0x0;
	s26 =	smul.u32 $0x50000, s2  }
0x6: {  	s6 =	sand.u32 $0x1, s0;
	s0 =	rddreg [dreg:$0x2];
	s10 =	smul.u32 $0x5000, s2  }
0x7: {  	[smem:$0x7FF] =	sst s3;
	s11 =	sadd.s32 $0x2A00, s5;
	s4 =	smul.u32 $0x27100, s6  }
0x8: {  	s31 =	sshll.u32 s2, $0x6;
	s7 =	smul.u32 $0x140000, s6;
	s6 =	ssub.s32 $0x2, s6  }
0x9: {  	s15 =	smul.u32 $0xA00, s2;
	_ =	strace $0x8000004A;
	s28 =	sshrl.u32 s6, $0x1  }
0xa: {  	s29 =	sshrl.u32 s26, $0x2;
	s30 =	sshrl.u32 s10, $0x3;
	s9 =	sadd.s32 s4, s5  }
0xb: {  	s4 =	sadd.s32 $0x8BE00, s5;
	s7 =	sadd.s32 s8, s7;
	s13 =	ssub.s32 s6, s28  }
.Ltmp0:
0xc: {  	s14 =	sadd.s32 s29, s1;
	s6 =	sor.u32 $0x1C03, s31;
	(pc) =	sbr.rel .LBB2_1-.Ltmp0, $4  }
0xd: {  	s7 =	sshrl.u32 s7, $0x3;
	s8 =	sadd.s32 $0x3DC00, s9;
	s10 =	smax.u32 s13, $0x1  }
0xe: {  	s13 =	simm.s32 $0x3;
	s12 =	sadd.s32 s7, s5;
	s5 =	sadd.s32 s11, s30  }
0xf: {  	s11 =	sadd.s32 s15, s11;
	s15 =	simm.s32 $0x80;
	s7 =	sadd.s32 $0xA000, s5  }
0x10: {  	s9 =	sadd.s32 $0x8E600, s12;
	s12 =	sshrl.u32 s14, $0x3;
	s14 =	simm.s32 $0x1000  }
.LBB2_4:
0x11: {  	_ =	swait.ge [sflag:s18], $0x4000  }
0x12: {  	[sflag:s18] =	ssyncset.done $0x0  }
0x13: {  	s22 =	sadd.s32 $0x1700, s21;
	[sflag:s18] =	ssyncadd.s32 $0xFFFFC000  }
0x14: {  	[spmem:s1] =	stream.indirect.scatter.add.f32 [tilespmem:s16], [sflag:$0x3], $0x80, s22, s15, $0xb8;
	[tilespmem:$0x1E000] =	vst v63  }
0x15: {  	_ =	swait.ge [sflag:s13], $0x4000  }
0x16: {  	[sflag:s13] =	ssyncset.done $0x0  }
0x17: {  	[sflag:s13] =	ssyncadd.s32 $0xFFFFC000  }
0x18: {  	_ =	swait.ge [sflag:s18], $0x4000  }
0x19: {  	[sflag:s18] =	ssyncset.done $0x0  }
0x1a: {  	s31 =	sadd.s32 $0x1780, s21;
	[sflag:s18] =	ssyncadd.s32 $0xFFFFC000  }
0x1b: {  	[spmem:s1] =	stream.indirect.scatter.add.f32 [tilespmem:s17], [sflag:$0x3], $0x80, s31, s15, $0xb8;
	[tilespmem:$0x1E000] =	vst v63  }
0x1c: {  	_ =	swait.ge [sflag:s13], $0x4000  }
0x1d: {  	[sflag:s13] =	ssyncset.done $0x0  }
0x1e: {  	[sflag:s13] =	ssyncadd.s32 $0xFFFFC000  }
.LBB2_5:
0x1f: {  	s20 =	sadd.s32 $0x1, s20  }
0x20: {  	p0 =	sne.s32 s20, s10  }
.Ltmp1:
0x21: {  	[bflag:$0x0] =	sbarrier.arrive $0xFFFF;
	(pc) =	sbr.rel @!p0 .LBB2_6-.Ltmp1, $4  }
0x22: {  	[hbm:s9], [sflag:s6] =	dma.local [spmem:s12], $0x2800  }
0x23: {  	_ =	swait.ge [sflag:s13], $0x2800  }
0x24: {  	[sflag:s13] =	ssyncset.done $0x0  }
0x25: {  	[sflag:s13] =	ssyncadd.s32 $0xFFFFD800  }
.LBB2_1:
0x26: {  	[spmem:s12], [sflag:s6] =	dma.local [hbm:s4], $0x2800  }
0x27: {  	_ =	swait.ge [sflag:s13], $0x2800  }
0x28: {  	[sflag:s13] =	ssyncset.done $0x0  }
0x29: {  	[sflag:s13] =	ssyncadd.s32 $0xFFFFD800  }
0x2a: {  	[bflag:$0x0] =	sbarrier.arrive $0xFFFF  }
0x2b: {  	[tilespmem:s3], [sflag:$0x3] =	stream.linear.gather [hbm4b:s5+s3], $0x800, $0x38;
	[tilespmem:$0x1E000] =	vst v63  }
0x2c: {  	_ =	swait.ge [sflag:s13], $0x800  }
0x2d: {  	[sflag:s13] =	ssyncset.done $0x0  }
0x2e: {  	[sflag:s13] =	ssyncadd.s32 $0xFFFFF800  }
0x2f: {  	[tilespmem:s14], [sflag:$0x3] =	stream.linear.gather [hbm4b:s7+s3], $0x800, $0x38;
	[tilespmem:$0x1E000] =	vst v63  }
0x30: {  	_ =	swait.ge [sflag:s13], $0x800  }
0x31: {  	[sflag:s13] =	ssyncset.done $0x0  }
0x32: {  	[sflag:s13] =	ssyncadd.s32 $0xFFFFF800  }
0x33: {  	[tilespmem:s16], [sflag:$0x1] =	stream.indirect.gather [hbm4b:s8+s15], $0x80, s3, s15, $0xb8;
	[tilespmem:$0x1E000] =	vst v63  }
0x34: {  	s22 =	simm.s32 $0x0;
	s23 =	simm.s32 $0x0  }
0x35: {  	[tilespmem:s17], [sflag:$0x1] =	stream.indirect.gather [hbm4b:s8+s15], $0x80, s15, s15, $0xb8;
	[tilespmem:$0x1E000] =	vst v63  }
.LBB2_2:
0x36: {  	p0 =	seq.s32 s22, $0x900  }
0x37: {  	s21 =	sand.u32 @!p0 $0x800, s23;
	s24 =	sadd.s32 @!p0 s22, s11  }
0x38: {  	s28 =	simm.s32 @!p0 $0x0;
	s25 =	sxor.u32 @!p0 $0x800, s21;
	s26 =	sadd.s32 @!p0 $0x100, s24  }
0x39: {  	[tilespmem:s25], [sflag:$0x2] =	stream.linear.gather @!p0 [hbm4b:s26+s28], $0x800, $0x38;
	[tilespmem:$0x1E000] =	vst v63  }
0x3a: {  	s24 =	sadd.s32 @!p0 $0xA100, s24;
	s25 =	sor.u32 @!p0 $0x1000, s25  }
0x3b: {  	[tilespmem:s25], [sflag:$0x2] =	stream.linear.gather @!p0 [hbm4b:s24+s28], $0x800, $0x38;
	[tilespmem:$0x1E000] =	vst v63  }
0x3c: {  	_ =	swait.ge [sflag:s18], $0x4000  }
0x3d: {  	s21 =	simm.s32 @p0 $0x800;
	[sflag:s18] =	ssyncset.done $0x0  }
0x3e: {  	s28 =	sor.u32 $0x1000, s21;
	[sflag:s18] =	ssyncadd.s32 $0xFFFFC000  }
0x3f: {  	[spmem:s1] =	stream.indirect.scatter.add.f32 [tilespmem:s16], [sflag:$0x3], $0x80, s28, s15, $0xb8;
	[tilespmem:$0x1E000] =	vst v63  }
0x40: {  	_ =	swait.ge [sflag:s13], $0x4000  }
0x41: {  	[sflag:s13] =	ssyncset.done $0x0  }
0x42: {  	s29 =	sadd.s32 $0x100, s21;
	[sflag:s13] =	ssyncadd.s32 $0xFFFFC000  }
0x43: {  	[tilespmem:s16], [sflag:$0x1] =	stream.indirect.gather [hbm4b:s8+s15], $0x80, s29, s15, $0xb8;
	[tilespmem:$0x1E000] =	vst v63  }
0x44: {  	_ =	swait.ge [sflag:s18], $0x4000  }
0x45: {  	[sflag:s18] =	ssyncset.done $0x0  }
0x46: {  	s30 =	sadd.s32 $0x1080, s21;
	[sflag:s18] =	ssyncadd.s32 $0xFFFFC000  }
0x47: {  	[spmem:s1] =	stream.indirect.scatter.add.f32 [tilespmem:s17], [sflag:$0x3], $0x80, s30, s15, $0xb8;
	[tilespmem:$0x1E000] =	vst v63  }
0x48: {  	_ =	swait.ge [sflag:s13], $0x4000  }
0x49: {  	[sflag:s13] =	ssyncset.done $0x0  }
0x4a: {  	s31 =	sadd.s32 $0x180, s21;
	[sflag:s13] =	ssyncadd.s32 $0xFFFFC000  }
0x4b: {  	[tilespmem:s17], [sflag:$0x1] =	stream.indirect.gather [hbm4b:s8+s15], $0x80, s31, s15, $0xb8;
	[tilespmem:$0x1E000] =	vst v63  }
0x4c: {  	_ =	swait.ge [sflag:s18], $0x4000  }
0x4d: {  	[sflag:s18] =	ssyncset.done $0x0  }
0x4e: {  	s25 =	sadd.s32 $0x1100, s21;
	[sflag:s18] =	ssyncadd.s32 $0xFFFFC000  }
0x4f: {  	[spmem:s1] =	stream.indirect.scatter.add.f32 [tilespmem:s16], [sflag:$0x3], $0x80, s25, s15, $0xb8;
	[tilespmem:$0x1E000] =	vst v63  }
0x50: {  	_ =	swait.ge [sflag:s13], $0x4000  }
0x51: {  	[sflag:s13] =	ssyncset.done $0x0  }
0x52: {  	s26 =	sadd.s32 $0x200, s21;
	[sflag:s13] =	ssyncadd.s32 $0xFFFFC000  }
0x53: {  	[tilespmem:s16], [sflag:$0x1] =	stream.indirect.gather [hbm4b:s8+s15], $0x80, s26, s15, $0xb8;
	[tilespmem:$0x1E000] =	vst v63  }
0x54: {  	_ =	swait.ge [sflag:s18], $0x4000  }
0x55: {  	[sflag:s18] =	ssyncset.done $0x0  }
0x56: {  	s28 =	sadd.s32 $0x1180, s21;
	[sflag:s18] =	ssyncadd.s32 $0xFFFFC000  }
0x57: {  	[spmem:s1] =	stream.indirect.scatter.add.f32 [tilespmem:s17], [sflag:$0x3], $0x80, s28, s15, $0xb8;
	[tilespmem:$0x1E000] =	vst v63  }
0x58: {  	_ =	swait.ge [sflag:s13], $0x4000  }
0x59: {  	[sflag:s13] =	ssyncset.done $0x0  }
0x5a: {  	s29 =	sadd.s32 $0x280, s21;
	[sflag:s13] =	ssyncadd.s32 $0xFFFFC000  }
0x5b: {  	[tilespmem:s17], [sflag:$0x1] =	stream.indirect.gather [hbm4b:s8+s15], $0x80, s29, s15, $0xb8;
	[tilespmem:$0x1E000] =	vst v63  }
0x5c: {  	_ =	swait.ge [sflag:s18], $0x4000  }
0x5d: {  	[sflag:s18] =	ssyncset.done $0x0  }
0x5e: {  	s30 =	sadd.s32 $0x1200, s21;
	[sflag:s18] =	ssyncadd.s32 $0xFFFFC000  }
0x5f: {  	[spmem:s1] =	stream.indirect.scatter.add.f32 [tilespmem:s16], [sflag:$0x3], $0x80, s30, s15, $0xb8;
	[tilespmem:$0x1E000] =	vst v63  }
0x60: {  	_ =	swait.ge [sflag:s13], $0x4000  }
0x61: {  	[sflag:s13] =	ssyncset.done $0x0  }
0x62: {  	s31 =	sadd.s32 $0x300, s21;
	[sflag:s13] =	ssyncadd.s32 $0xFFFFC000  }
0x63: {  	[tilespmem:s16], [sflag:$0x1] =	stream.indirect.gather [hbm4b:s8+s15], $0x80, s31, s15, $0xb8;
	[tilespmem:$0x1E000] =	vst v63  }
0x64: {  	_ =	swait.ge [sflag:s18], $0x4000  }
0x65: {  	[sflag:s18] =	ssyncset.done $0x0  }
0x66: {  	s25 =	sadd.s32 $0x1280, s21;
	[sflag:s18] =	ssyncadd.s32 $0xFFFFC000  }
0x67: {  	[spmem:s1] =	stream.indirect.scatter.add.f32 [tilespmem:s17], [sflag:$0x3], $0x80, s25, s15, $0xb8;
	[tilespmem:$0x1E000] =	vst v63  }
0x68: {  	_ =	swait.ge [sflag:s13], $0x4000  }
0x69: {  	[sflag:s13] =	ssyncset.done $0x0  }
0x6a: {  	s26 =	sadd.s32 $0x380, s21;
	[sflag:s13] =	ssyncadd.s32 $0xFFFFC000  }
0x6b: {  	[tilespmem:s17], [sflag:$0x1] =	stream.indirect.gather [hbm4b:s8+s15], $0x80, s26, s15, $0xb8;
	[tilespmem:$0x1E000] =	vst v63  }
0x6c: {  	_ =	swait.ge [sflag:s18], $0x4000  }
0x6d: {  	[sflag:s18] =	ssyncset.done $0x0  }
0x6e: {  	s28 =	sadd.s32 $0x1300, s21;
	[sflag:s18] =	ssyncadd.s32 $0xFFFFC000  }
0x6f: {  	[spmem:s1] =	stream.indirect.scatter.add.f32 [tilespmem:s16], [sflag:$0x3], $0x80, s28, s15, $0xb8;
	[tilespmem:$0x1E000] =	vst v63  }
0x70: {  	_ =	swait.ge [sflag:s13], $0x4000  }
0x71: {  	[sflag:s13] =	ssyncset.done $0x0  }
0x72: {  	s29 =	sadd.s32 $0x400, s21;
	[sflag:s13] =	ssyncadd.s32 $0xFFFFC000  }
0x73: {  	[tilespmem:s16], [sflag:$0x1] =	stream.indirect.gather [hbm4b:s8+s15], $0x80, s29, s15, $0xb8;
	[tilespmem:$0x1E000] =	vst v63  }
0x74: {  	_ =	swait.ge [sflag:s18], $0x4000  }
0x75: {  	[sflag:s18] =	ssyncset.done $0x0  }
0x76: {  	s30 =	sadd.s32 $0x1380, s21;
	[sflag:s18] =	ssyncadd.s32 $0xFFFFC000  }
0x77: {  	[spmem:s1] =	stream.indirect.scatter.add.f32 [tilespmem:s17], [sflag:$0x3], $0x80, s30, s15, $0xb8;
	[tilespmem:$0x1E000] =	vst v63  }
0x78: {  	_ =	swait.ge [sflag:s13], $0x4000  }
0x79: {  	[sflag:s13] =	ssyncset.done $0x0  }
0x7a: {  	s31 =	sadd.s32 $0x480, s21;
	[sflag:s13] =	ssyncadd.s32 $0xFFFFC000  }
0x7b: {  	[tilespmem:s17], [sflag:$0x1] =	stream.indirect.gather [hbm4b:s8+s15], $0x80, s31, s15, $0xb8;
	[tilespmem:$0x1E000] =	vst v63  }
0x7c: {  	_ =	swait.ge [sflag:s18], $0x4000  }
0x7d: {  	[sflag:s18] =	ssyncset.done $0x0  }
0x7e: {  	s25 =	sadd.s32 $0x1400, s21;
	[sflag:s18] =	ssyncadd.s32 $0xFFFFC000  }
0x7f: {  	[spmem:s1] =	stream.indirect.scatter.add.f32 [tilespmem:s16], [sflag:$0x3], $0x80, s25, s15, $0xb8;
	[tilespmem:$0x1E000] =	vst v63  }
0x80: {  	_ =	swait.ge [sflag:s13], $0x4000  }
0x81: {  	[sflag:s13] =	ssyncset.done $0x0  }
0x82: {  	s26 =	sadd.s32 $0x500, s21;
	[sflag:s13] =	ssyncadd.s32 $0xFFFFC000  }
0x83: {  	[tilespmem:s16], [sflag:$0x1] =	stream.indirect.gather [hbm4b:s8+s15], $0x80, s26, s15, $0xb8;
	[tilespmem:$0x1E000] =	vst v63  }
0x84: {  	_ =	swait.ge [sflag:s18], $0x4000  }
0x85: {  	[sflag:s18] =	ssyncset.done $0x0  }
0x86: {  	s28 =	sadd.s32 $0x1480, s21;
	[sflag:s18] =	ssyncadd.s32 $0xFFFFC000  }
0x87: {  	[spmem:s1] =	stream.indirect.scatter.add.f32 [tilespmem:s17], [sflag:$0x3], $0x80, s28, s15, $0xb8;
	[tilespmem:$0x1E000] =	vst v63  }
0x88: {  	_ =	swait.ge [sflag:s13], $0x4000  }
0x89: {  	[sflag:s13] =	ssyncset.done $0x0  }
0x8a: {  	s29 =	sadd.s32 $0x580, s21;
	[sflag:s13] =	ssyncadd.s32 $0xFFFFC000  }
0x8b: {  	[tilespmem:s17], [sflag:$0x1] =	stream.indirect.gather [hbm4b:s8+s15], $0x80, s29, s15, $0xb8;
	[tilespmem:$0x1E000] =	vst v63  }
0x8c: {  	_ =	swait.ge [sflag:s18], $0x4000  }
0x8d: {  	[sflag:s18] =	ssyncset.done $0x0  }
0x8e: {  	s30 =	sadd.s32 $0x1500, s21;
	[sflag:s18] =	ssyncadd.s32 $0xFFFFC000  }
0x8f: {  	[spmem:s1] =	stream.indirect.scatter.add.f32 [tilespmem:s16], [sflag:$0x3], $0x80, s30, s15, $0xb8;
	[tilespmem:$0x1E000] =	vst v63  }
0x90: {  	_ =	swait.ge [sflag:s13], $0x4000  }
0x91: {  	[sflag:s13] =	ssyncset.done $0x0  }
0x92: {  	s31 =	sadd.s32 $0x600, s21;
	[sflag:s13] =	ssyncadd.s32 $0xFFFFC000  }
0x93: {  	[tilespmem:s16], [sflag:$0x1] =	stream.indirect.gather [hbm4b:s8+s15], $0x80, s31, s15, $0xb8;
	[tilespmem:$0x1E000] =	vst v63  }
0x94: {  	_ =	swait.ge [sflag:s18], $0x4000  }
0x95: {  	[sflag:s18] =	ssyncset.done $0x0  }
0x96: {  	s25 =	sadd.s32 $0x1580, s21;
	[sflag:s18] =	ssyncadd.s32 $0xFFFFC000  }
0x97: {  	[spmem:s1] =	stream.indirect.scatter.add.f32 [tilespmem:s17], [sflag:$0x3], $0x80, s25, s15, $0xb8;
	[tilespmem:$0x1E000] =	vst v63  }
0x98: {  	_ =	swait.ge [sflag:s13], $0x4000  }
0x99: {  	[sflag:s13] =	ssyncset.done $0x0  }
0x9a: {  	s26 =	sadd.s32 $0x680, s21;
	[sflag:s13] =	ssyncadd.s32 $0xFFFFC000  }
0x9b: {  	[tilespmem:s17], [sflag:$0x1] =	stream.indirect.gather [hbm4b:s8+s15], $0x80, s26, s15, $0xb8;
	[tilespmem:$0x1E000] =	vst v63  }
0x9c: {  	_ =	swait.ge [sflag:s18], $0x4000  }
0x9d: {  	[sflag:s18] =	ssyncset.done $0x0  }
0x9e: {  	s28 =	sadd.s32 $0x1600, s21;
	[sflag:s18] =	ssyncadd.s32 $0xFFFFC000  }
0x9f: {  	[spmem:s1] =	stream.indirect.scatter.add.f32 [tilespmem:s16], [sflag:$0x3], $0x80, s28, s15, $0xb8;
	[tilespmem:$0x1E000] =	vst v63  }
0xa0: {  	_ =	swait.ge [sflag:s13], $0x4000  }
0xa1: {  	[sflag:s13] =	ssyncset.done $0x0  }
0xa2: {  	s29 =	sadd.s32 $0x700, s21;
	[sflag:s13] =	ssyncadd.s32 $0xFFFFC000  }
0xa3: {  	[tilespmem:s16], [sflag:$0x1] =	stream.indirect.gather [hbm4b:s8+s15], $0x80, s29, s15, $0xb8;
	[tilespmem:$0x1E000] =	vst v63  }
0xa4: {  	_ =	swait.ge [sflag:s18], $0x4000  }
0xa5: {  	[sflag:s18] =	ssyncset.done $0x0  }
0xa6: {  	s30 =	sadd.s32 $0x1680, s21;
	[sflag:s18] =	ssyncadd.s32 $0xFFFFC000  }
0xa7: {  	[spmem:s1] =	stream.indirect.scatter.add.f32 [tilespmem:s17], [sflag:$0x3], $0x80, s30, s15, $0xb8;
	[tilespmem:$0x1E000] =	vst v63  }
.Ltmp2:
0xa8: {  	_ = 	snop;
	(pc) =	sbr.rel @p0 .LBB2_4-.Ltmp2, $4  }
0xa9: {  	_ =	swait.ge [sflag:s13], $0x4000  }
0xaa: {  	[sflag:s13] =	ssyncset.done $0x0  }
0xab: {  	s31 =	sadd.s32 $0x780, s21;
	[sflag:s13] =	ssyncadd.s32 $0xFFFFC000  }
0xac: {  	[tilespmem:s17], [sflag:$0x1] =	stream.indirect.gather [hbm4b:s8+s15], $0x80, s31, s15, $0xb8;
	[tilespmem:$0x1E000] =	vst v63  }
0xad: {  	_ =	swait.ge [sflag:s19], $0x800  }
0xae: {  	[sflag:s19] =	ssyncset.done $0x0  }
0xaf: {  	[sflag:s19] =	ssyncadd.s32 $0xFFFFF800  }
0xb0: {  	_ =	swait.ge [sflag:s19], $0x800  }
0xb1: {  	[sflag:s19] =	ssyncset.done $0x0  }
0xb2: {  	[sflag:s19] =	ssyncadd.s32 $0xFFFFF800  }
0xb3: {  	_ =	swait.ge [sflag:s18], $0x4000  }
0xb4: {  	[sflag:s18] =	ssyncset.done $0x0  }
0xb5: {  	s24 =	sadd.s32 $0x1700, s21;
	[sflag:s18] =	ssyncadd.s32 $0xFFFFC000  }
0xb6: {  	[spmem:s1] =	stream.indirect.scatter.add.f32 [tilespmem:s16], [sflag:$0x3], $0x80, s24, s15, $0xb8;
	[tilespmem:$0x1E000] =	vst v63  }
0xb7: {  	_ =	swait.ge [sflag:s13], $0x4000  }
0xb8: {  	[sflag:s13] =	ssyncset.done $0x0  }
0xb9: {  	s29 =	sxor.u32 $0x800, s21;
	[sflag:s13] =	ssyncadd.s32 $0xFFFFC000  }
0xba: {  	[tilespmem:s16], [sflag:$0x1] =	stream.indirect.gather [hbm4b:s8+s15], $0x80, s29, s15, $0xb8;
	[tilespmem:$0x1E000] =	vst v63  }
0xbb: {  	_ =	swait.ge [sflag:s18], $0x4000  }
0xbc: {  	s22 =	sadd.s32 $0x100, s22;
	[sflag:s18] =	ssyncset.done $0x0  }
0xbd: {  	s30 =	sadd.s32 $0x1780, s21;
	p0 =	seq.s32 s22, $0xA00;
	[sflag:s18] =	ssyncadd.s32 $0xFFFFC000  }
0xbe: {  	[spmem:s1] =	stream.indirect.scatter.add.f32 [tilespmem:s17], [sflag:$0x3], $0x80, s30, s15, $0xb8;
	[tilespmem:$0x1E000] =	vst v63  }
.Ltmp3:
0xbf: {  	_ = 	snop;
	(pc) =	sbr.rel @!p0 .LBB2_2-.Ltmp3, $4  }
.Ltmp4:
0xc0: {  	_ =	swait.ge [sflag:s13], $0x4000;
	(pc) =	sbr.rel @p0 .LBB2_5-.Ltmp4, $4  }
0xc1: {  	[sflag:s13] =	ssyncset.done $0x0  }
0xc2: {  	s31 =	ssub.s32 $0x880, s21;
	s23 =	sadd.s32 $0x800, s23;
	[sflag:s13] =	ssyncadd.s32 $0xFFFFC000  }
0xc3: {  	[tilespmem:s17], [sflag:$0x1] =	stream.indirect.gather [hbm4b:s8+s15], $0x80, s31, s15, $0xb8;
	[tilespmem:$0x1E000] =	vst v63  }
0xc4: {  	_ = 	snop  }
.LBB2_6:
0xc5: {  	_ =	sfence.sel $0x180000  }
0xc6: {  	[bflag:$0x0] =	sbarrier.arrive $0xFFFF  }
0xc7: {  	p0 =	sne.s32 s2, $0x0;
	_ =	strace $0x9000004A  }
0xc8: {  	s0 =	sadd.s32 @!p0 $0x100000, s0;
	[bflag:$0x2] =	sbarrier.arrive $0xFFFF  }
0xc9: {  	[sflag:s0] =	ssyncadd.tile.s32 @!p0 $0x1;
	_ =	shalt  }
.Lfunc_end2:
_tile_overlayer_lowered:
.L_overlay_start_2:
0xca: {  	(tag) =	ssettag $0x2  }
0xcb: {  	s0 =	rddreg [dreg:$0x0];
	s2 =	stileid.u32  }
0xcc: {  	s1 =	rddreg [dreg:$0x1];
	p0 =	sne.s32 s2, $0x0  }
0xcd: {  	s3 =	rddreg [dreg:$0x2];
	[bflag:$0x3] =	sbarrier.arrive $0xFFFF;
	s2 =	simm.s32 @!p0 $0x1C03  }
0xce: {  	[timem:s3], [sflag:s2] =	dma.local @!p0 [hbm:s0], s1  }
0xcf: {  	s0 =	simm.s32 @!p0 $0x3  }
0xd0: {  	_ =	swait.ge @!p0 [sflag:s0], s1  }
0xd1: {  	s1 =	ssub.s32 @!p0 $0x0, s1;
	[sflag:s0] =	ssyncset.done @!p0 $0x0  }
0xd2: {  	[sflag:s0] =	ssyncadd.s32 @!p0 s1  }
0xd3: {  	[bflag:$0x3] =	sbarrier.arrive $0xFFFF  }
0xd4: {  	_ =	shalt  }

// kernel: kernel.14.cloned.1.call-start
scs
__scs_entry_jumppad:
0x0: {  	(pc) =	sbr.rel $0x88, $3  }
0x1: {  	(tag) =	ssettag $0x0;
	lr =	simm.s32 $0x1  }
0x2: {  	[smem:$0x3F9A] =	sst lr;
	_ =	strace $0xD0000000  }
0x3: {  	_ = 	snop  }
0x4: {  	_ = 	snop  }
0x5: {  	_ = 	snop  }
0x6: {  	_ = 	snop  }
0x7: {  	_ = 	snop  }
__scs_overlays_trampoline_lowered:
0x8: {  	[smem:$0x3FA9] =	sst s0  }
0x9: {  	[smem:$0x3FAA] =	sst s1  }
0xa: {  	[smem:$0x3FAB] =	sst s2  }
0xb: {  	[smem:$0x3FAC] =	sst s3  }
0xc: {  	[smem:$0x3FAD] =	sst s4  }
0xd: {  	[smem:$0x3FAE] =	sst s5  }
0xe: {  	[smem:$0x3FAF] =	sst s6  }
0xf: {  	[smem:$0x3FB0] =	sst s7  }
0x10: {  	[smem:$0x3FB1] =	sst s8  }
0x11: {  	[smem:$0x3FB2] =	sst s9;
	s0 =	simm.s32 @!p0 $0x0  }
0x12: {  	s1 =	sld [smem:$0x3F98];
	s0 =	simm.s32 @p0 $0x1  }
0x13: {  	[smem:$0x3FB3] =	sst s0;
	s0 =	simm.s32 @!p1 $0x0  }
0x14: {  	s2 =	sld [smem:$0x3F97];
	s0 =	simm.s32 @p1 $0x1  }
0x15: {  	[smem:$0x3FB4] =	sst s0;
	s0 =	simm.s32 @!p2 $0x0  }
0x16: {  	s3 =	sld [smem:$0x3FDB];
	s0 =	simm.s32 @p2 $0x1  }
0x17: {  	s4 =	simm.s32 $0x1BF5;
	[smem:$0x3FB6] =	sst s0  }
0x18: {  	s0 =	sld [smem:$0x3F99];
	_ =	swait.ge [sflag:s4], $0x0  }
0x19: {  	s7 =	sld [smem:$0x3F9A]  }
0x1a: {  	s8 =	sadd.s32 $0xFFFFE003, lr  }
0x1b: {  	s9 =	sadd.s32 $0xFFFFFEF7, lr;
	s5 =	simm.s32 $0xFFFFFFFF;
	p2 =	slt.u32 s8, $0xFFFFF086  }
0x1c: {  	p1 =	slt.u32 s9, $0xF7A;
	s5 =	simm.s32 @!p2 $0x0  }
0x1d: {  	s5 =	simm.s32 @p1 $0x1;
	p0 =	seq.s32 s7, s2  }
0x1e: {  	s7 =	smul.u32 @!p0 $0xF7A, s2;
	p2 =	seq.s32 @!p0 s5, $0x0  }
0x1f: {  	s9 =	smul.u32 $0xF7A, s1;
	s8 =	simm.s32 @!p0 $0x1BF5;
	p2 =	por !p2, p0  }
0x20: {  	[sflag:s8] =	ssyncset.s32 @!p0 $0xFFFFF086;
	s6 =	sadd.s32 @!p0 s3, s7;
	s7 =	simm.s32 @!p0 $0x108  }
0x21: {  	s3 =	sadd.s32 s3, s9;
	s6 =	sadd.s32 @!p0 $0x88, s6;
	s7 =	simm.s32 @p2 $0x1082  }
0x22: {  	[simem:s7], [sflag:s8] =	dma.local @!p0 [hbm:s6], $0xF7A  }
0x23: {  	s9 =	sor.u32 $0xD0000000, s2;
	s6 =	simm.s32 $0x108;
	_ =	swait.ge @!p0 [sflag:s8], $0x0  }
0x24: {  	s3 =	sadd.s32 $0x88, s3;
	s6 =	simm.s32 @!p1 $0x1082;
	[sflag:s4] =	ssyncset.s32 $0xFFFFF086  }
0x25: {  	[simem:s6], [sflag:s4] =	dma.local [hbm:s3], $0xF7A  }
0x26: {  	[smem:$0x3F9A] =	sst s1;
	(tag) =	ssettag s2;
	_ =	strace s9  }
0x27: {  	s1 =	sld [smem:$0x3FAA]  }
0x28: {  	s2 =	sld [smem:$0x3FAB]  }
0x29: {  	s4 =	sld [smem:$0x3FAD]  }
0x2a: {  	p0 =	seq.s32 s5, $0x0;
	s5 =	sld [smem:$0x3FAE]  }
0x2b: {  	s6 =	sld [smem:$0x3FAF]  }
0x2c: {  	s7 =	sld [smem:$0x3FB0]  }
0x2d: {  	s3 =	simm.s32 $0x108;
	s8 =	sld [smem:$0x3FB1]  }
0x2e: {  	s3 =	simm.s32 @!p0 $0x1082;
	s9 =	sld [smem:$0x3FB2]  }
0x2f: {  	lr =	sadd.s32 s0, s3;
	s0 =	sld [smem:$0x3FA9]  }
0x30: {  	s3 =	sld [smem:$0x3FAC]  }
0x31: {  	[smem:$0x3FB5] =	sst s10  }
0x32: {  	s10 =	sld [smem:$0x3FB3];
	_ =	sdelay $0x3  }
0x33: {  	p0 =	seq.s32 s10, $0x1;
	s10 =	sld [smem:$0x3FB5];
	_ =	sdelay $0x3  }
0x34: {  	[smem:$0x3FB5] =	sst s10  }
0x35: {  	s10 =	sld [smem:$0x3FB4];
	_ =	sdelay $0x3  }
0x36: {  	p1 =	seq.s32 s10, $0x1;
	s10 =	sld [smem:$0x3FB5];
	_ =	sdelay $0x3  }
0x37: {  	[smem:$0x3FB5] =	sst s10  }
0x38: {  	s10 =	sld [smem:$0x3FB6]  }
0x39: {  	_ = 	snop;
	(pc) =	sbr.ind lr, $3  }
0x3a: {  	_ = 	snop  }
0x3b: {  	_ = 	snop  }
0x3c: {  	p2 =	seq.s32 s10, $0x1;
	s10 =	sld [smem:$0x3FB5]  }
0x3d: {  	_ =	shalt  }
0x3e: {  	_ =	shalt  }
0x3f: {  	_ =	shalt  }
0x40: {  	_ =	shalt  }
0x41: {  	_ =	shalt  }
0x42: {  	_ =	shalt  }
0x43: {  	_ =	shalt  }
0x44: {  	_ =	shalt  }
0x45: {  	_ =	shalt  }
0x46: {  	_ =	shalt  }
0x47: {  	_ =	shalt  }
0x48: {  	_ =	shalt  }
0x49: {  	_ =	shalt  }
0x4a: {  	_ =	shalt  }
0x4b: {  	_ =	shalt  }
0x4c: {  	_ =	shalt  }
0x4d: {  	_ =	shalt  }
0x4e: {  	_ =	shalt  }
0x4f: {  	_ =	shalt  }
0x50: {  	_ =	shalt  }
0x51: {  	_ =	shalt  }
0x52: {  	_ =	shalt  }
0x53: {  	_ =	shalt  }
0x54: {  	_ =	shalt  }
0x55: {  	_ =	shalt  }
0x56: {  	_ =	shalt  }
0x57: {  	_ =	shalt  }
0x58: {  	_ =	shalt  }
0x59: {  	_ =	shalt  }
0x5a: {  	_ =	shalt  }
0x5b: {  	_ =	shalt  }
0x5c: {  	_ =	shalt  }
0x5d: {  	_ =	shalt  }
0x5e: {  	_ =	shalt  }
0x5f: {  	_ =	shalt  }
0x60: {  	_ =	shalt  }
0x61: {  	_ =	shalt  }
0x62: {  	_ =	shalt  }
0x63: {  	_ =	shalt  }
0x64: {  	_ =	shalt  }
0x65: {  	_ =	shalt  }
0x66: {  	_ =	shalt  }
0x67: {  	_ =	shalt  }
0x68: {  	_ =	shalt  }
0x69: {  	_ =	shalt  }
0x6a: {  	_ =	shalt  }
0x6b: {  	_ =	shalt  }
0x6c: {  	_ =	shalt  }
0x6d: {  	_ =	shalt  }
0x6e: {  	_ =	shalt  }
0x6f: {  	_ =	shalt  }
0x70: {  	_ =	shalt  }
0x71: {  	_ =	shalt  }
0x72: {  	_ =	shalt  }
0x73: {  	_ =	shalt  }
0x74: {  	_ =	shalt  }
0x75: {  	_ =	shalt  }
0x76: {  	_ =	shalt  }
0x77: {  	_ =	shalt  }
0x78: {  	_ =	shalt  }
0x79: {  	_ =	shalt  }
0x7a: {  	_ =	shalt  }
0x7b: {  	_ =	shalt  }
0x7c: {  	_ =	shalt  }
0x7d: {  	_ =	shalt  }
0x7e: {  	_ =	shalt  }
0x7f: {  	_ =	shalt  }
0x80: {  	_ =	shalt  }
0x81: {  	_ =	shalt  }
0x82: {  	_ =	shalt  }
0x83: {  	_ =	shalt  }
0x84: {  	_ =	shalt  }
0x85: {  	_ =	shalt  }
0x86: {  	_ =	shalt  }
0x87: {  	_ =	shalt  }
.Lfunc_end0:
.L_simem_size_0:
called_computation.2_lowered:
.L_overlay_start_0:
0x88: {  	s2 =	sld [smem:$0x3FD9]  }
0x89: {  	s3 =	sld [smem:$0x3FFE];
	_ =	sdelay $0x1  }
0x8a: {  	s1 =	srdreg.scid  }
0x8b: {  	s0 =	sand.u32 $0x1, s1  }
0x8c: {  	s17 =	sshll.u32 s0, $0xA;
	s2 =	sadd.s32 s3, s2  }
0x8d: {  	s2 =	sadd.s32 s2, s17  }
0x8e: {  	[smem:$0x3FC1] =	sst s2  }
0x8f: {  	_ = 	snop  }
0x90: {  	s2 =	sld [smem:$0x3FD0];
	(tm) =	ssettm $0x1  }
0x91: {  	s18 =	sld [smem:$0x3FFB];
	_ =	sdelay $0x3  }
0x92: {  	_ =	strace s18  }
0x93: {  	s3 =	sld [smem:$0x3FFC];
	_ =	sdelay $0x3  }
0x94: {  	_ =	strace s3  }
0x95: {  	s3 =	sld [smem:$0x3FFD];
	_ =	sdelay $0x3  }
0x96: {  	_ =	strace s3  }
0x97: {  	_ =	strace $0x8FFFFFFF  }
0x98: {  	s19 =	sld [smem:$0x3FDB];
	_ =	sdelay $0x1  }
0x99: {  	s4 =	simm.s32 $_scs_section_size  }
0x9a: {  	s5 =	simm.s32 $_size__tile_overlayer_lowered;
	s6 =	simm.s32 $_tile_overlayer_lowered  }
0x9b: {  	s22 =	simm.s32 $0x1BFF;
	s21 =	sshll.u32 s6, $0x1;
	s3 =	sadd.s32 s4, s19  }
0x9c: {  	s7 =	simm.s32 $0x0;
	s20 =	sshll.u32 s5, $0x1;
	s5 =	sadd.s32 s21, s3  }
0x9d: {  	[timem:s7], [sflag:s22] =	dma.local [hbm:s5], s20  }
0x9e: {  	_ =	swait.ge [sflag:s22], s20  }
0x9f: {  	s4 =	ssub.s32 $0x0, s20;
	[sflag:s22] =	ssyncset.done $0x0  }
0xa0: {  	[sflag:s22] =	ssyncadd.s32 s4;
	_ =	sdelay $0x1  }
0xa1: {  	s23 =	simm.s32 $0x1B8B  }
0xa2: {  	_ =	swait.ge [sflag:s23], $0x1  }
0xa3: {  	[sflag:s23] =	ssyncset.done $0x0  }
0xa4: {  	s25 =	simm.s32 $0x1B8E;
	s24 =	sld [smem:$0x3FFE];
	[sflag:s23] =	ssyncadd.s32 $0xFFFFFFFF  }
0xa5: {  	s26 =	simm.s32 $execute0_lowered;
	[smem:$0x3FD2] =	sst s25  }
0xa6: {  	s5 =	sshll.u32 s26, $0x1;
	_ =	strace $0x8000004C;
	[dreg:$0x1] =	wrdreg $0xFFFFFFFF  }
0xa7: {  	s28 =	simm.s32 $_size_execute0_lowered;
	s3 =	sadd.s32 s3, s5;
	[dreg:$0x0] =	wrdreg $0x0  }
0xa8: {  	s5 =	sshll.u32 s28, $0x1;
	[dreg:$0x2] =	wrdreg s3  }
0xa9: {  	[dreg:$0x3] =	wrdreg s5  }
0xaa: {  	[dreg:$0x4] =	wrdreg $0xC0  }
0xab: {  	_ =	task [dreg:s7], $0x5FFFF  }
0xac: {  	[dreg:$0x1] =	wrdreg $0xFFFFFFFF  }
0xad: {  	[dreg:$0x0] =	wrdreg $0x60  }
0xae: {  	[dreg:$0x2] =	wrdreg s2  }
0xaf: {  	[dreg:$0x3] =	wrdreg s24  }
0xb0: {  	[dreg:$0x4] =	wrdreg $0xA0000  }
0xb1: {  	[dreg:$0x5] =	wrdreg $0x9  }
0xb2: {  	_ =	task.clear_ibuf [dreg:s7], $0x6FFFF;
	_ =	strace $0x9000004C  }
0xb3: {  	s29 =	simm.s32 $0x9;
	_ =	strace $0x8000004E  }
0xb4: {  	_ =	swait.ge [sflag:s29], $0x1  }
0xb5: {  	[sflag:s29] =	ssyncadd.s32 $0xFFFFFFFF  }
0xb6: {  	_ =	strace $0x9000004E  }
0xb7: {  	_ =	sfence  }
0xb8: {  	s30 =	sld [smem:$0x0];
	_ =	sdelay $0x2  }
0xb9: {  	s31 =	sshll.u32 s1, $0xD;
	s1 =	sshrl.u32 s1, $0x2  }
0xba: {  	s3 =	sand.u32 $0x4000, s31;
	s1 =	sadd.s32 s1, s30  }
0xbb: {  	s0 =	sor.u32 s3, s0;
	s1 =	sshll.u32 s1, $0x11  }
0xbc: {  	s0 =	sor.u32 s1, s0  }
0xbd: {  	s0 =	sadd.s32 $0x8F2B, s0  }
0xbe: {  	[sflag:s0] =	ssyncadd.remote.s32 $0x1  }
0xbf: {  	_ =	sfence.sel $0xFFFF  }
0xc0: {  	[dreg:$0x0] =	wrdreg $0xFFFFFFFF;
	(pc) =	sbr.abs _section_cstart, $3  }
0xc1: {  	[dreg:$0x1] =	wrdreg $0xFFFFFFFF  }
0xc2: {  	_ =	task.clear_ibuf [dreg:s7], $0x2FFFF;
	_ =	strace $0x9FFFFFFF  }
0xc3: {  	(tm) =	ssettm $0x7FFFFFFF  }
tec
execute0_lowered:
.L_overlay_start_1:
0x0: {  	(tag) =	ssettag $0x1  }
0x1: {  	s1 =	rddreg [dreg:$0x0]  }
0x2: {  	s7 =	rddreg [dreg:$0x1]  }
0x3: {  	s2 =	rddreg [dreg:$0x2];
	s3 =	srdreg.scid  }
0x4: {  	s0 =	rddreg [dreg:$0x3];
	s8 =	sand.u32 $0x1, s3  }
0x5: {  	s3 =	stileid.u32;
	s6 =	smul.u32 $0x140000, s8  }
0x6: {  	s4 =	simm.s32 $0x0;
	s17 =	simm.s32 $0x80;
	s9 =	smul.u32 $0x14000, s3  }
0x7: {  	s18 =	simm.s32 $0x2000;
	s19 =	simm.s32 $0x6000;
	s10 =	smul.u32 $0x50000, s3  }
0x8: {  	s20 =	simm.s32 $0x1;
	s21 =	simm.s32 $0x2;
	s11 =	smul.u32 $0x500, s8  }
0x9: {  	s22 =	simm.s32 $0x0;
	[smem:$0x7FF] =	sst s4;
	s12 =	smul.u32 $0x50, s3  }
0xa: {  	s5 =	sadd.s32 $0x2A00, s7;
	s23 =	ssub.s32 $0x2, s8;
	s8 =	smul.u32 $0x28000, s8  }
0xb: {  	_ =	strace $0x8000004D;
	s14 =	smul.u32 $0x2800, s3;
	s26 =	sshll.u32 s3, $0x6  }
0xc: {  	s24 =	sshrl.u32 s23, $0x1;
	s9 =	sadd.s32 s9, s6;
	s6 =	sadd.s32 $0x8BE00, s7  }
0xd: {  	s10 =	sshrl.u32 s10, $0x2;
	s15 =	ssub.s32 s23, s24;
	s25 =	sadd.s32 s12, s11  }
0xe: {  	s29 =	sadd.s32 s14, s8;
	s9 =	sshrl.u32 s9, $0x3;
	s16 =	sadd.s32 s10, s2  }
.Ltmp0:
0xf: {  	s28 =	sshll.u32 s25, $0x4;
	s30 =	sadd.s32 $0x50800, s29;
	(pc) =	sbr.rel .LBB2_1-.Ltmp0, $4  }
0x10: {  	s11 =	smax.u32 s15, $0x1;
	s12 =	sadd.s32 $0x800, s29;
	s15 =	simm.s32 $0x3  }
0x11: {  	s13 =	sadd.s32 s9, s7;
	s7 =	sor.u32 $0x1C03, s26;
	s8 =	sadd.s32 s5, s28  }
0x12: {  	s31 =	sshrl.u32 s30, $0x3;
	s14 =	sshrl.u32 s16, $0x3;
	s16 =	simm.s32 $0x1000  }
0x13: {  	s9 =	sadd.s32 $0xA000, s8;
	s10 =	sadd.s32 $0x8E600, s13;
	s13 =	sadd.s32 s31, s5  }
.LBB2_4:
0x14: {  	_ =	swait.ge [sflag:s20], $0x4000  }
0x15: {  	[sflag:s20] =	ssyncset.done $0x0  }
0x16: {  	s24 =	sadd.s32 $0x1700, s23;
	[sflag:s20] =	ssyncadd.s32 $0xFFFFC000  }
0x17: {  	[spmem:s2] =	stream.indirect.scatter.add.f32 [tilespmem:s18], [sflag:$0x3], $0x80, s24, s17, $0xb8;
	[tilespmem:$0x1E000] =	vst v63  }
0x18: {  	_ =	swait.ge [sflag:s15], $0x4000  }
0x19: {  	[sflag:s15] =	ssyncset.done $0x0  }
0x1a: {  	[sflag:s15] =	ssyncadd.s32 $0xFFFFC000  }
0x1b: {  	_ =	swait.ge [sflag:s20], $0x4000  }
0x1c: {  	[sflag:s20] =	ssyncset.done $0x0  }
0x1d: {  	s31 =	sadd.s32 $0x1780, s23;
	[sflag:s20] =	ssyncadd.s32 $0xFFFFC000  }
0x1e: {  	[spmem:s2] =	stream.indirect.scatter.add.f32 [tilespmem:s19], [sflag:$0x3], $0x80, s31, s17, $0xb8;
	[tilespmem:$0x1E000] =	vst v63  }
0x1f: {  	_ =	swait.ge [sflag:s15], $0x4000  }
0x20: {  	[sflag:s15] =	ssyncset.done $0x0  }
0x21: {  	[sflag:s15] =	ssyncadd.s32 $0xFFFFC000  }
.LBB2_5:
0x22: {  	s22 =	sadd.s32 $0x1, s22  }
0x23: {  	p0 =	sne.s32 s22, s11  }
.Ltmp1:
0x24: {  	[bflag:$0x0] =	sbarrier.arrive $0xFFFF;
	(pc) =	sbr.rel @!p0 .LBB2_6-.Ltmp1, $4  }
0x25: {  	[hbm:s10], [sflag:s7] =	dma.local [spmem:s14], $0x2800  }
0x26: {  	_ =	swait.ge [sflag:s15], $0x2800  }
0x27: {  	[sflag:s15] =	ssyncset.done $0x0  }
0x28: {  	[sflag:s15] =	ssyncadd.s32 $0xFFFFD800  }
.LBB2_1:
0x29: {  	[spmem:s14], [sflag:s7] =	dma.local [hbm:s6], $0x2800  }
0x2a: {  	_ =	swait.ge [sflag:s15], $0x2800  }
0x2b: {  	[sflag:s15] =	ssyncset.done $0x0  }
0x2c: {  	[sflag:s15] =	ssyncadd.s32 $0xFFFFD800  }
0x2d: {  	[bflag:$0x0] =	sbarrier.arrive $0xFFFF  }
0x2e: {  	[tilespmem:s4], [sflag:$0x3] =	stream.linear.gather [hbm4b:s8+s4], $0x800, $0x38;
	[tilespmem:$0x1E000] =	vst v63  }
0x2f: {  	_ =	swait.ge [sflag:s15], $0x800  }
0x30: {  	[sflag:s15] =	ssyncset.done $0x0  }
0x31: {  	[sflag:s15] =	ssyncadd.s32 $0xFFFFF800  }
0x32: {  	[tilespmem:s16], [sflag:$0x3] =	stream.linear.gather [hbm4b:s9+s4], $0x800, $0x38;
	[tilespmem:$0x1E000] =	vst v63  }
0x33: {  	_ =	swait.ge [sflag:s15], $0x800  }
0x34: {  	[sflag:s15] =	ssyncset.done $0x0  }
0x35: {  	[sflag:s15] =	ssyncadd.s32 $0xFFFFF800  }
0x36: {  	[tilespmem:s18], [sflag:$0x1] =	stream.indirect.gather [hbm4b:s1+s17], $0x80, s4, s17, $0xb8;
	[tilespmem:$0x1E000] =	vst v63  }
0x37: {  	s24 =	smov.u32 s13;
	s25 =	simm.s32 $0x0  }
0x38: {  	[tilespmem:s19], [sflag:$0x1] =	stream.indirect.gather [hbm4b:s1+s17], $0x80, s17, s17, $0xb8;
	[tilespmem:$0x1E000] =	vst v63  }
.LBB2_2:
0x39: {  	p0 =	seq.s32 s25, $0x2000  }
0x3a: {  	s26 =	sadd.s32 @!p0 s25, s12  }
0x3b: {  	s23 =	sand.u32 @!p0 $0x800, s25;
	s26 =	sshrl.u32 @!p0 s26, $0x3  }
0x3c: {  	s29 =	simm.s32 @!p0 $0x0;
	s28 =	sxor.u32 @!p0 $0x800, s23;
	s26 =	sadd.s32 @!p0 s5, s26  }
0x3d: {  	[tilespmem:s28], [sflag:$0x2] =	stream.linear.gather @!p0 [hbm4b:s26+s29], $0x800, $0x38;
	[tilespmem:$0x1E000] =	vst v63  }
0x3e: {  	s26 =	sor.u32 @!p0 $0x1000, s28  }
0x3f: {  	[tilespmem:s26], [sflag:$0x2] =	stream.linear.gather @!p0 [hbm4b:s24+s29], $0x800, $0x38;
	[tilespmem:$0x1E000] =	vst v63  }
0x40: {  	_ =	swait.ge [sflag:s20], $0x4000  }
0x41: {  	s23 =	simm.s32 @p0 $0x0;
	[sflag:s20] =	ssyncset.done $0x0  }
0x42: {  	s28 =	sor.u32 $0x1000, s23;
	[sflag:s20] =	ssyncadd.s32 $0xFFFFC000  }
0x43: {  	[spmem:s2] =	stream.indirect.scatter.add.f32 [tilespmem:s18], [sflag:$0x3], $0x80, s28, s17, $0xb8;
	[tilespmem:$0x1E000] =	vst v63  }
0x44: {  	_ =	swait.ge [sflag:s15], $0x4000  }
0x45: {  	[sflag:s15] =	ssyncset.done $0x0  }
0x46: {  	s29 =	sadd.s32 $0x100, s23;
	[sflag:s15] =	ssyncadd.s32 $0xFFFFC000  }
0x47: {  	[tilespmem:s18], [sflag:$0x1] =	stream.indirect.gather [hbm4b:s1+s17], $0x80, s29, s17, $0xb8;
	[tilespmem:$0x1E000] =	vst v63  }
0x48: {  	_ =	swait.ge [sflag:s20], $0x4000  }
0x49: {  	[sflag:s20] =	ssyncset.done $0x0  }
0x4a: {  	s30 =	sadd.s32 $0x1080, s23;
	[sflag:s20] =	ssyncadd.s32 $0xFFFFC000  }
0x4b: {  	[spmem:s2] =	stream.indirect.scatter.add.f32 [tilespmem:s19], [sflag:$0x3], $0x80, s30, s17, $0xb8;
	[tilespmem:$0x1E000] =	vst v63  }
0x4c: {  	_ =	swait.ge [sflag:s15], $0x4000  }
0x4d: {  	[sflag:s15] =	ssyncset.done $0x0  }
0x4e: {  	s31 =	sadd.s32 $0x180, s23;
	[sflag:s15] =	ssyncadd.s32 $0xFFFFC000  }
0x4f: {  	[tilespmem:s19], [sflag:$0x1] =	stream.indirect.gather [hbm4b:s1+s17], $0x80, s31, s17, $0xb8;
	[tilespmem:$0x1E000] =	vst v63  }
0x50: {  	_ =	swait.ge [sflag:s20], $0x4000  }
0x51: {  	[sflag:s20] =	ssyncset.done $0x0  }
0x52: {  	s28 =	sadd.s32 $0x1100, s23;
	[sflag:s20] =	ssyncadd.s32 $0xFFFFC000  }
0x53: {  	[spmem:s2] =	stream.indirect.scatter.add.f32 [tilespmem:s18], [sflag:$0x3], $0x80, s28, s17, $0xb8;
	[tilespmem:$0x1E000] =	vst v63  }
0x54: {  	_ =	swait.ge [sflag:s15], $0x4000  }
0x55: {  	[sflag:s15] =	ssyncset.done $0x0  }
0x56: {  	s29 =	sadd.s32 $0x200, s23;
	[sflag:s15] =	ssyncadd.s32 $0xFFFFC000  }
0x57: {  	[tilespmem:s18], [sflag:$0x1] =	stream.indirect.gather [hbm4b:s1+s17], $0x80, s29, s17, $0xb8;
	[tilespmem:$0x1E000] =	vst v63  }
0x58: {  	_ =	swait.ge [sflag:s20], $0x4000  }
0x59: {  	[sflag:s20] =	ssyncset.done $0x0  }
0x5a: {  	s30 =	sadd.s32 $0x1180, s23;
	[sflag:s20] =	ssyncadd.s32 $0xFFFFC000  }
0x5b: {  	[spmem:s2] =	stream.indirect.scatter.add.f32 [tilespmem:s19], [sflag:$0x3], $0x80, s30, s17, $0xb8;
	[tilespmem:$0x1E000] =	vst v63  }
0x5c: {  	_ =	swait.ge [sflag:s15], $0x4000  }
0x5d: {  	[sflag:s15] =	ssyncset.done $0x0  }
0x5e: {  	s31 =	sadd.s32 $0x280, s23;
	[sflag:s15] =	ssyncadd.s32 $0xFFFFC000  }
0x5f: {  	[tilespmem:s19], [sflag:$0x1] =	stream.indirect.gather [hbm4b:s1+s17], $0x80, s31, s17, $0xb8;
	[tilespmem:$0x1E000] =	vst v63  }
0x60: {  	_ =	swait.ge [sflag:s20], $0x4000  }
0x61: {  	[sflag:s20] =	ssyncset.done $0x0  }
0x62: {  	s28 =	sadd.s32 $0x1200, s23;
	[sflag:s20] =	ssyncadd.s32 $0xFFFFC000  }
0x63: {  	[spmem:s2] =	stream.indirect.scatter.add.f32 [tilespmem:s18], [sflag:$0x3], $0x80, s28, s17, $0xb8;
	[tilespmem:$0x1E000] =	vst v63  }
0x64: {  	_ =	swait.ge [sflag:s15], $0x4000  }
0x65: {  	[sflag:s15] =	ssyncset.done $0x0  }
0x66: {  	s29 =	sadd.s32 $0x300, s23;
	[sflag:s15] =	ssyncadd.s32 $0xFFFFC000  }
0x67: {  	[tilespmem:s18], [sflag:$0x1] =	stream.indirect.gather [hbm4b:s1+s17], $0x80, s29, s17, $0xb8;
	[tilespmem:$0x1E000] =	vst v63  }
0x68: {  	_ =	swait.ge [sflag:s20], $0x4000  }
0x69: {  	[sflag:s20] =	ssyncset.done $0x0  }
0x6a: {  	s30 =	sadd.s32 $0x1280, s23;
	[sflag:s20] =	ssyncadd.s32 $0xFFFFC000  }
0x6b: {  	[spmem:s2] =	stream.indirect.scatter.add.f32 [tilespmem:s19], [sflag:$0x3], $0x80, s30, s17, $0xb8;
	[tilespmem:$0x1E000] =	vst v63  }
0x6c: {  	_ =	swait.ge [sflag:s15], $0x4000  }
0x6d: {  	[sflag:s15] =	ssyncset.done $0x0  }
0x6e: {  	s31 =	sadd.s32 $0x380, s23;
	[sflag:s15] =	ssyncadd.s32 $0xFFFFC000  }
0x6f: {  	[tilespmem:s19], [sflag:$0x1] =	stream.indirect.gather [hbm4b:s1+s17], $0x80, s31, s17, $0xb8;
	[tilespmem:$0x1E000] =	vst v63  }
0x70: {  	_ =	swait.ge [sflag:s20], $0x4000  }
0x71: {  	[sflag:s20] =	ssyncset.done $0x0  }
0x72: {  	s28 =	sadd.s32 $0x1300, s23;
	[sflag:s20] =	ssyncadd.s32 $0xFFFFC000  }
0x73: {  	[spmem:s2] =	stream.indirect.scatter.add.f32 [tilespmem:s18], [sflag:$0x3], $0x80, s28, s17, $0xb8;
	[tilespmem:$0x1E000] =	vst v63  }
0x74: {  	_ =	swait.ge [sflag:s15], $0x4000  }
0x75: {  	[sflag:s15] =	ssyncset.done $0x0  }
0x76: {  	s29 =	sadd.s32 $0x400, s23;
	[sflag:s15] =	ssyncadd.s32 $0xFFFFC000  }
0x77: {  	[tilespmem:s18], [sflag:$0x1] =	stream.indirect.gather [hbm4b:s1+s17], $0x80, s29, s17, $0xb8;
	[tilespmem:$0x1E000] =	vst v63  }
0x78: {  	_ =	swait.ge [sflag:s20], $0x4000  }
0x79: {  	[sflag:s20] =	ssyncset.done $0x0  }
0x7a: {  	s30 =	sadd.s32 $0x1380, s23;
	[sflag:s20] =	ssyncadd.s32 $0xFFFFC000  }
0x7b: {  	[spmem:s2] =	stream.indirect.scatter.add.f32 [tilespmem:s19], [sflag:$0x3], $0x80, s30, s17, $0xb8;
	[tilespmem:$0x1E000] =	vst v63  }
0x7c: {  	_ =	swait.ge [sflag:s15], $0x4000  }
0x7d: {  	[sflag:s15] =	ssyncset.done $0x0  }
0x7e: {  	s31 =	sadd.s32 $0x480, s23;
	[sflag:s15] =	ssyncadd.s32 $0xFFFFC000  }
0x7f: {  	[tilespmem:s19], [sflag:$0x1] =	stream.indirect.gather [hbm4b:s1+s17], $0x80, s31, s17, $0xb8;
	[tilespmem:$0x1E000] =	vst v63  }
0x80: {  	_ =	swait.ge [sflag:s20], $0x4000  }
0x81: {  	[sflag:s20] =	ssyncset.done $0x0  }
0x82: {  	s28 =	sadd.s32 $0x1400, s23;
	[sflag:s20] =	ssyncadd.s32 $0xFFFFC000  }
0x83: {  	[spmem:s2] =	stream.indirect.scatter.add.f32 [tilespmem:s18], [sflag:$0x3], $0x80, s28, s17, $0xb8;
	[tilespmem:$0x1E000] =	vst v63  }
0x84: {  	_ =	swait.ge [sflag:s15], $0x4000  }
0x85: {  	[sflag:s15] =	ssyncset.done $0x0  }
0x86: {  	s29 =	sadd.s32 $0x500, s23;
	[sflag:s15] =	ssyncadd.s32 $0xFFFFC000  }
0x87: {  	[tilespmem:s18], [sflag:$0x1] =	stream.indirect.gather [hbm4b:s1+s17], $0x80, s29, s17, $0xb8;
	[tilespmem:$0x1E000] =	vst v63  }
0x88: {  	_ =	swait.ge [sflag:s20], $0x4000  }
0x89: {  	[sflag:s20] =	ssyncset.done $0x0  }
0x8a: {  	s30 =	sadd.s32 $0x1480, s23;
	[sflag:s20] =	ssyncadd.s32 $0xFFFFC000  }
0x8b: {  	[spmem:s2] =	stream.indirect.scatter.add.f32 [tilespmem:s19], [sflag:$0x3], $0x80, s30, s17, $0xb8;
	[tilespmem:$0x1E000] =	vst v63  }
0x8c: {  	_ =	swait.ge [sflag:s15], $0x4000  }
0x8d: {  	[sflag:s15] =	ssyncset.done $0x0  }
0x8e: {  	s31 =	sadd.s32 $0x580, s23;
	[sflag:s15] =	ssyncadd.s32 $0xFFFFC000  }
0x8f: {  	[tilespmem:s19], [sflag:$0x1] =	stream.indirect.gather [hbm4b:s1+s17], $0x80, s31, s17, $0xb8;
	[tilespmem:$0x1E000] =	vst v63  }
0x90: {  	_ =	swait.ge [sflag:s20], $0x4000  }
0x91: {  	[sflag:s20] =	ssyncset.done $0x0  }
0x92: {  	s28 =	sadd.s32 $0x1500, s23;
	[sflag:s20] =	ssyncadd.s32 $0xFFFFC000  }
0x93: {  	[spmem:s2] =	stream.indirect.scatter.add.f32 [tilespmem:s18], [sflag:$0x3], $0x80, s28, s17, $0xb8;
	[tilespmem:$0x1E000] =	vst v63  }
0x94: {  	_ =	swait.ge [sflag:s15], $0x4000  }
0x95: {  	[sflag:s15] =	ssyncset.done $0x0  }
0x96: {  	s29 =	sadd.s32 $0x600, s23;
	[sflag:s15] =	ssyncadd.s32 $0xFFFFC000  }
0x97: {  	[tilespmem:s18], [sflag:$0x1] =	stream.indirect.gather [hbm4b:s1+s17], $0x80, s29, s17, $0xb8;
	[tilespmem:$0x1E000] =	vst v63  }
0x98: {  	_ =	swait.ge [sflag:s20], $0x4000  }
0x99: {  	[sflag:s20] =	ssyncset.done $0x0  }
0x9a: {  	s30 =	sadd.s32 $0x1580, s23;
	[sflag:s20] =	ssyncadd.s32 $0xFFFFC000  }
0x9b: {  	[spmem:s2] =	stream.indirect.scatter.add.f32 [tilespmem:s19], [sflag:$0x3], $0x80, s30, s17, $0xb8;
	[tilespmem:$0x1E000] =	vst v63  }
0x9c: {  	_ =	swait.ge [sflag:s15], $0x4000  }
0x9d: {  	[sflag:s15] =	ssyncset.done $0x0  }
0x9e: {  	s31 =	sadd.s32 $0x680, s23;
	[sflag:s15] =	ssyncadd.s32 $0xFFFFC000  }
0x9f: {  	[tilespmem:s19], [sflag:$0x1] =	stream.indirect.gather [hbm4b:s1+s17], $0x80, s31, s17, $0xb8;
	[tilespmem:$0x1E000] =	vst v63  }
0xa0: {  	_ =	swait.ge [sflag:s20], $0x4000  }
0xa1: {  	[sflag:s20] =	ssyncset.done $0x0  }
0xa2: {  	s28 =	sadd.s32 $0x1600, s23;
	[sflag:s20] =	ssyncadd.s32 $0xFFFFC000  }
0xa3: {  	[spmem:s2] =	stream.indirect.scatter.add.f32 [tilespmem:s18], [sflag:$0x3], $0x80, s28, s17, $0xb8;
	[tilespmem:$0x1E000] =	vst v63  }
0xa4: {  	_ =	swait.ge [sflag:s15], $0x4000  }
0xa5: {  	[sflag:s15] =	ssyncset.done $0x0  }
0xa6: {  	s29 =	sadd.s32 $0x700, s23;
	[sflag:s15] =	ssyncadd.s32 $0xFFFFC000  }
0xa7: {  	[tilespmem:s18], [sflag:$0x1] =	stream.indirect.gather [hbm4b:s1+s17], $0x80, s29, s17, $0xb8;
	[tilespmem:$0x1E000] =	vst v63  }
0xa8: {  	_ =	swait.ge [sflag:s20], $0x4000  }
0xa9: {  	[sflag:s20] =	ssyncset.done $0x0  }
0xaa: {  	s30 =	sadd.s32 $0x1680, s23;
	[sflag:s20] =	ssyncadd.s32 $0xFFFFC000  }
0xab: {  	[spmem:s2] =	stream.indirect.scatter.add.f32 [tilespmem:s19], [sflag:$0x3], $0x80, s30, s17, $0xb8;
	[tilespmem:$0x1E000] =	vst v63  }
.Ltmp2:
0xac: {  	_ = 	snop;
	(pc) =	sbr.rel @p0 .LBB2_4-.Ltmp2, $4  }
0xad: {  	_ =	swait.ge [sflag:s15], $0x4000  }
0xae: {  	[sflag:s15] =	ssyncset.done $0x0  }
0xaf: {  	s31 =	sadd.s32 $0x780, s23;
	[sflag:s15] =	ssyncadd.s32 $0xFFFFC000  }
0xb0: {  	[tilespmem:s19], [sflag:$0x1] =	stream.indirect.gather [hbm4b:s1+s17], $0x80, s31, s17, $0xb8;
	[tilespmem:$0x1E000] =	vst v63  }
0xb1: {  	_ =	swait.ge [sflag:s21], $0x800  }
0xb2: {  	[sflag:s21] =	ssyncset.done $0x0  }
0xb3: {  	[sflag:s21] =	ssyncadd.s32 $0xFFFFF800  }
0xb4: {  	_ =	swait.ge [sflag:s21], $0x800  }
0xb5: {  	[sflag:s21] =	ssyncset.done $0x0  }
0xb6: {  	[sflag:s21] =	ssyncadd.s32 $0xFFFFF800  }
0xb7: {  	_ =	swait.ge [sflag:s20], $0x4000  }
0xb8: {  	[sflag:s20] =	ssyncset.done $0x0  }
0xb9: {  	s26 =	sadd.s32 $0x1700, s23;
	[sflag:s20] =	ssyncadd.s32 $0xFFFFC000  }
0xba: {  	[spmem:s2] =	stream.indirect.scatter.add.f32 [tilespmem:s18], [sflag:$0x3], $0x80, s26, s17, $0xb8;
	[tilespmem:$0x1E000] =	vst v63  }
0xbb: {  	_ =	swait.ge [sflag:s15], $0x4000  }
0xbc: {  	[sflag:s15] =	ssyncset.done $0x0  }
0xbd: {  	s29 =	sxor.u32 $0x800, s23;
	[sflag:s15] =	ssyncadd.s32 $0xFFFFC000  }
0xbe: {  	[tilespmem:s18], [sflag:$0x1] =	stream.indirect.gather [hbm4b:s1+s17], $0x80, s29, s17, $0xb8;
	[tilespmem:$0x1E000] =	vst v63  }
0xbf: {  	_ =	swait.ge [sflag:s20], $0x4000  }
0xc0: {  	s25 =	sadd.s32 $0x800, s25;
	[sflag:s20] =	ssyncset.done $0x0  }
0xc1: {  	s30 =	sadd.s32 $0x1780, s23;
	p0 =	seq.s32 s25, $0x2800;
	[sflag:s20] =	ssyncadd.s32 $0xFFFFC000  }
0xc2: {  	[spmem:s2] =	stream.indirect.scatter.add.f32 [tilespmem:s19], [sflag:$0x3], $0x80, s30, s17, $0xb8;
	[tilespmem:$0x1E000] =	vst v63  }
.Ltmp3:
0xc3: {  	_ = 	snop;
	(pc) =	sbr.rel @!p0 .LBB2_2-.Ltmp3, $4  }
.Ltmp4:
0xc4: {  	_ =	swait.ge [sflag:s15], $0x4000;
	(pc) =	sbr.rel @p0 .LBB2_5-.Ltmp4, $4  }
0xc5: {  	[sflag:s15] =	ssyncset.done $0x0  }
0xc6: {  	s31 =	ssub.s32 $0x880, s23;
	s24 =	sadd.s32 $0x100, s24;
	[sflag:s15] =	ssyncadd.s32 $0xFFFFC000  }
0xc7: {  	[tilespmem:s19], [sflag:$0x1] =	stream.indirect.gather [hbm4b:s1+s17], $0x80, s31, s17, $0xb8;
	[tilespmem:$0x1E000] =	vst v63  }
0xc8: {  	_ = 	snop  }
.LBB2_6:
0xc9: {  	_ =	sfence.sel $0x180000  }
0xca: {  	[bflag:$0x0] =	sbarrier.arrive $0xFFFF  }
0xcb: {  	p0 =	sne.s32 s3, $0x0;
	_ =	strace $0x9000004D  }
0xcc: {  	s0 =	sadd.s32 @!p0 $0x100000, s0;
	[bflag:$0x2] =	sbarrier.arrive $0xFFFF  }
0xcd: {  	[sflag:s0] =	ssyncadd.tile.s32 @!p0 $0x1;
	_ =	shalt  }
.Lfunc_end2:
_tile_overlayer_lowered:
.L_overlay_start_2:
0xce: {  	(tag) =	ssettag $0x2  }
0xcf: {  	s0 =	rddreg [dreg:$0x0];
	s2 =	stileid.u32  }
0xd0: {  	s1 =	rddreg [dreg:$0x1];
	p0 =	sne.s32 s2, $0x0  }
0xd1: {  	s3 =	rddreg [dreg:$0x2];
	[bflag:$0x3] =	sbarrier.arrive $0xFFFF;
	s2 =	simm.s32 @!p0 $0x1C03  }
0xd2: {  	[timem:s3], [sflag:s2] =	dma.local @!p0 [hbm:s0], s1  }
0xd3: {  	s0 =	simm.s32 @!p0 $0x3  }
0xd4: {  	_ =	swait.ge @!p0 [sflag:s0], s1  }
0xd5: {  	s1 =	ssub.s32 @!p0 $0x0, s1;
	[sflag:s0] =	ssyncset.done @!p0 $0x0  }
0xd6: {  	[sflag:s0] =	ssyncadd.s32 @!p0 s1  }
0xd7: {  	[bflag:$0x3] =	sbarrier.arrive $0xFFFF  }
0xd8: {  	_ =	shalt  }

// kernel: kernel.8.cloned.1.call-start
scs
__scs_entry_jumppad:
0x0: {  	(pc) =	sbr.rel $0x88, $3  }
0x1: {  	(tag) =	ssettag $0x0;
	lr =	simm.s32 $0x1  }
0x2: {  	[smem:$0x3F9A] =	sst lr;
	_ =	strace $0xD0000000  }
0x3: {  	_ = 	snop  }
0x4: {  	_ = 	snop  }
0x5: {  	_ = 	snop  }
0x6: {  	_ = 	snop  }
0x7: {  	_ = 	snop  }
__scs_overlays_trampoline_lowered:
0x8: {  	[smem:$0x3FA9] =	sst s0  }
0x9: {  	[smem:$0x3FAA] =	sst s1  }
0xa: {  	[smem:$0x3FAB] =	sst s2  }
0xb: {  	[smem:$0x3FAC] =	sst s3  }
0xc: {  	[smem:$0x3FAD] =	sst s4  }
0xd: {  	[smem:$0x3FAE] =	sst s5  }
0xe: {  	[smem:$0x3FAF] =	sst s6  }
0xf: {  	[smem:$0x3FB0] =	sst s7  }
0x10: {  	[smem:$0x3FB1] =	sst s8  }
0x11: {  	[smem:$0x3FB2] =	sst s9;
	s0 =	simm.s32 @!p0 $0x0  }
0x12: {  	s1 =	sld [smem:$0x3F98];
	s0 =	simm.s32 @p0 $0x1  }
0x13: {  	[smem:$0x3FB3] =	sst s0;
	s0 =	simm.s32 @!p1 $0x0  }
0x14: {  	s2 =	sld [smem:$0x3F97];
	s0 =	simm.s32 @p1 $0x1  }
0x15: {  	[smem:$0x3FB4] =	sst s0;
	s0 =	simm.s32 @!p2 $0x0  }
0x16: {  	s3 =	sld [smem:$0x3FDB];
	s0 =	simm.s32 @p2 $0x1  }
0x17: {  	s4 =	simm.s32 $0x1BF5;
	[smem:$0x3FB6] =	sst s0  }
0x18: {  	s0 =	sld [smem:$0x3F99];
	_ =	swait.ge [sflag:s4], $0x0  }
0x19: {  	s7 =	sld [smem:$0x3F9A]  }
0x1a: {  	s8 =	sadd.s32 $0xFFFFE003, lr  }
0x1b: {  	s9 =	sadd.s32 $0xFFFFFEF7, lr;
	s5 =	simm.s32 $0xFFFFFFFF;
	p2 =	slt.u32 s8, $0xFFFFF086  }
0x1c: {  	p1 =	slt.u32 s9, $0xF7A;
	s5 =	simm.s32 @!p2 $0x0  }
0x1d: {  	s5 =	simm.s32 @p1 $0x1;
	p0 =	seq.s32 s7, s2  }
0x1e: {  	s7 =	smul.u32 @!p0 $0xF7A, s2;
	p2 =	seq.s32 @!p0 s5, $0x0  }
0x1f: {  	s9 =	smul.u32 $0xF7A, s1;
	s8 =	simm.s32 @!p0 $0x1BF5;
	p2 =	por !p2, p0  }
0x20: {  	[sflag:s8] =	ssyncset.s32 @!p0 $0xFFFFF086;
	s6 =	sadd.s32 @!p0 s3, s7;
	s7 =	simm.s32 @!p0 $0x108  }
0x21: {  	s3 =	sadd.s32 s3, s9;
	s6 =	sadd.s32 @!p0 $0x88, s6;
	s7 =	simm.s32 @p2 $0x1082  }
0x22: {  	[simem:s7], [sflag:s8] =	dma.local @!p0 [hbm:s6], $0xF7A  }
0x23: {  	s9 =	sor.u32 $0xD0000000, s2;
	s6 =	simm.s32 $0x108;
	_ =	swait.ge @!p0 [sflag:s8], $0x0  }
0x24: {  	s3 =	sadd.s32 $0x88, s3;
	s6 =	simm.s32 @!p1 $0x1082;
	[sflag:s4] =	ssyncset.s32 $0xFFFFF086  }
0x25: {  	[simem:s6], [sflag:s4] =	dma.local [hbm:s3], $0xF7A  }
0x26: {  	[smem:$0x3F9A] =	sst s1;
	(tag) =	ssettag s2;
	_ =	strace s9  }
0x27: {  	s1 =	sld [smem:$0x3FAA]  }
0x28: {  	s2 =	sld [smem:$0x3FAB]  }
0x29: {  	s4 =	sld [smem:$0x3FAD]  }
0x2a: {  	p0 =	seq.s32 s5, $0x0;
	s5 =	sld [smem:$0x3FAE]  }
0x2b: {  	s6 =	sld [smem:$0x3FAF]  }
0x2c: {  	s7 =	sld [smem:$0x3FB0]  }
0x2d: {  	s3 =	simm.s32 $0x108;
	s8 =	sld [smem:$0x3FB1]  }
0x2e: {  	s3 =	simm.s32 @!p0 $0x1082;
	s9 =	sld [smem:$0x3FB2]  }
0x2f: {  	lr =	sadd.s32 s0, s3;
	s0 =	sld [smem:$0x3FA9]  }
0x30: {  	s3 =	sld [smem:$0x3FAC]  }
0x31: {  	[smem:$0x3FB5] =	sst s10  }
0x32: {  	s10 =	sld [smem:$0x3FB3];
	_ =	sdelay $0x3  }
0x33: {  	p0 =	seq.s32 s10, $0x1;
	s10 =	sld [smem:$0x3FB5];
	_ =	sdelay $0x3  }
0x34: {  	[smem:$0x3FB5] =	sst s10  }
0x35: {  	s10 =	sld [smem:$0x3FB4];
	_ =	sdelay $0x3  }
0x36: {  	p1 =	seq.s32 s10, $0x1;
	s10 =	sld [smem:$0x3FB5];
	_ =	sdelay $0x3  }
0x37: {  	[smem:$0x3FB5] =	sst s10  }
0x38: {  	s10 =	sld [smem:$0x3FB6]  }
0x39: {  	_ = 	snop;
	(pc) =	sbr.ind lr, $3  }
0x3a: {  	_ = 	snop  }
0x3b: {  	_ = 	snop  }
0x3c: {  	p2 =	seq.s32 s10, $0x1;
	s10 =	sld [smem:$0x3FB5]  }
0x3d: {  	_ =	shalt  }
0x3e: {  	_ =	shalt  }
0x3f: {  	_ =	shalt  }
0x40: {  	_ =	shalt  }
0x41: {  	_ =	shalt  }
0x42: {  	_ =	shalt  }
0x43: {  	_ =	shalt  }
0x44: {  	_ =	shalt  }
0x45: {  	_ =	shalt  }
0x46: {  	_ =	shalt  }
0x47: {  	_ =	shalt  }
0x48: {  	_ =	shalt  }
0x49: {  	_ =	shalt  }
0x4a: {  	_ =	shalt  }
0x4b: {  	_ =	shalt  }
0x4c: {  	_ =	shalt  }
0x4d: {  	_ =	shalt  }
0x4e: {  	_ =	shalt  }
0x4f: {  	_ =	shalt  }
0x50: {  	_ =	shalt  }
0x51: {  	_ =	shalt  }
0x52: {  	_ =	shalt  }
0x53: {  	_ =	shalt  }
0x54: {  	_ =	shalt  }
0x55: {  	_ =	shalt  }
0x56: {  	_ =	shalt  }
0x57: {  	_ =	shalt  }
0x58: {  	_ =	shalt  }
0x59: {  	_ =	shalt  }
0x5a: {  	_ =	shalt  }
0x5b: {  	_ =	shalt  }
0x5c: {  	_ =	shalt  }
0x5d: {  	_ =	shalt  }
0x5e: {  	_ =	shalt  }
0x5f: {  	_ =	shalt  }
0x60: {  	_ =	shalt  }
0x61: {  	_ =	shalt  }
0x62: {  	_ =	shalt  }
0x63: {  	_ =	shalt  }
0x64: {  	_ =	shalt  }
0x65: {  	_ =	shalt  }
0x66: {  	_ =	shalt  }
0x67: {  	_ =	shalt  }
0x68: {  	_ =	shalt  }
0x69: {  	_ =	shalt  }
0x6a: {  	_ =	shalt  }
0x6b: {  	_ =	shalt  }
0x6c: {  	_ =	shalt  }
0x6d: {  	_ =	shalt  }
0x6e: {  	_ =	shalt  }
0x6f: {  	_ =	shalt  }
0x70: {  	_ =	shalt  }
0x71: {  	_ =	shalt  }
0x72: {  	_ =	shalt  }
0x73: {  	_ =	shalt  }
0x74: {  	_ =	shalt  }
0x75: {  	_ =	shalt  }
0x76: {  	_ =	shalt  }
0x77: {  	_ =	shalt  }
0x78: {  	_ =	shalt  }
0x79: {  	_ =	shalt  }
0x7a: {  	_ =	shalt  }
0x7b: {  	_ =	shalt  }
0x7c: {  	_ =	shalt  }
0x7d: {  	_ =	shalt  }
0x7e: {  	_ =	shalt  }
0x7f: {  	_ =	shalt  }
0x80: {  	_ =	shalt  }
0x81: {  	_ =	shalt  }
0x82: {  	_ =	shalt  }
0x83: {  	_ =	shalt  }
0x84: {  	_ =	shalt  }
0x85: {  	_ =	shalt  }
0x86: {  	_ =	shalt  }
0x87: {  	_ =	shalt  }
.Lfunc_end0:
.L_simem_size_0:
called_computation_lowered:
.L_overlay_start_0:
0x88: {  	s2 =	sld [smem:$0x3FD9]  }
0x89: {  	s3 =	sld [smem:$0x3FFE];
	_ =	sdelay $0x1  }
0x8a: {  	s1 =	srdreg.scid  }
0x8b: {  	s0 =	sand.u32 $0x1, s1  }
0x8c: {  	s17 =	sshll.u32 s0, $0xA;
	s2 =	sadd.s32 s3, s2  }
0x8d: {  	s2 =	sadd.s32 s2, s17  }
0x8e: {  	[smem:$0x3FC1] =	sst s2  }
0x8f: {  	_ = 	snop  }
0x90: {  	s2 =	sld [smem:$0x3FD0];
	(tm) =	ssettm $0x1  }
0x91: {  	s18 =	sld [smem:$0x3FFB];
	_ =	sdelay $0x3  }
0x92: {  	_ =	strace s18  }
0x93: {  	s3 =	sld [smem:$0x3FFC];
	_ =	sdelay $0x3  }
0x94: {  	_ =	strace s3  }
0x95: {  	s3 =	sld [smem:$0x3FFD];
	_ =	sdelay $0x3  }
0x96: {  	_ =	strace s3  }
0x97: {  	_ =	strace $0x8FFFFFFF  }
0x98: {  	s19 =	sld [smem:$0x3FDB];
	_ =	sdelay $0x1  }
0x99: {  	s4 =	simm.s32 $_scs_section_size  }
0x9a: {  	s5 =	simm.s32 $_size__tile_overlayer_lowered;
	s6 =	simm.s32 $_tile_overlayer_lowered  }
0x9b: {  	s22 =	simm.s32 $0x1BFF;
	s21 =	sshll.u32 s6, $0x1;
	s3 =	sadd.s32 s4, s19  }
0x9c: {  	s7 =	simm.s32 $0x0;
	s20 =	sshll.u32 s5, $0x1;
	s5 =	sadd.s32 s21, s3  }
0x9d: {  	[timem:s7], [sflag:s22] =	dma.local [hbm:s5], s20  }
0x9e: {  	_ =	swait.ge [sflag:s22], s20  }
0x9f: {  	s4 =	ssub.s32 $0x0, s20;
	[sflag:s22] =	ssyncset.done $0x0  }
0xa0: {  	[sflag:s22] =	ssyncadd.s32 s4;
	_ =	sdelay $0x1  }
0xa1: {  	s23 =	simm.s32 $0x1B8B  }
0xa2: {  	_ =	swait.ge [sflag:s23], $0x1  }
0xa3: {  	[sflag:s23] =	ssyncset.done $0x0  }
0xa4: {  	s25 =	simm.s32 $0x1B8E;
	s24 =	sld [smem:$0x3FFE];
	[sflag:s23] =	ssyncadd.s32 $0xFFFFFFFF  }
0xa5: {  	s26 =	simm.s32 $execute0_lowered;
	[smem:$0x3FD2] =	sst s25  }
0xa6: {  	s5 =	sshll.u32 s26, $0x1;
	_ =	strace $0x80000046;
	[dreg:$0x1] =	wrdreg $0xFFFFFFFF  }
0xa7: {  	s28 =	simm.s32 $_size_execute0_lowered;
	s3 =	sadd.s32 s3, s5;
	[dreg:$0x0] =	wrdreg $0x0  }
0xa8: {  	s5 =	sshll.u32 s28, $0x1;
	[dreg:$0x2] =	wrdreg s3  }
0xa9: {  	[dreg:$0x3] =	wrdreg s5  }
0xaa: {  	[dreg:$0x4] =	wrdreg $0xC0  }
0xab: {  	_ =	task [dreg:s7], $0x5FFFF  }
0xac: {  	[dreg:$0x1] =	wrdreg $0xFFFFFFFF  }
0xad: {  	[dreg:$0x0] =	wrdreg $0x60  }
0xae: {  	[dreg:$0x2] =	wrdreg s24  }
0xaf: {  	[dreg:$0x3] =	wrdreg s2  }
0xb0: {  	[dreg:$0x4] =	wrdreg $0x28800  }
0xb1: {  	[dreg:$0x5] =	wrdreg $0x9  }
0xb2: {  	_ =	task.clear_ibuf [dreg:s7], $0x6FFFF;
	_ =	strace $0x90000046  }
0xb3: {  	s29 =	simm.s32 $0x9;
	_ =	strace $0x80000048  }
0xb4: {  	_ =	swait.ge [sflag:s29], $0x1  }
0xb5: {  	[sflag:s29] =	ssyncadd.s32 $0xFFFFFFFF  }
0xb6: {  	_ =	strace $0x90000048  }
0xb7: {  	_ =	sfence  }
0xb8: {  	s30 =	sld [smem:$0x0];
	_ =	sdelay $0x2  }
0xb9: {  	s31 =	sshll.u32 s1, $0xD;
	s1 =	sshrl.u32 s1, $0x2  }
0xba: {  	s3 =	sand.u32 $0x4000, s31;
	s1 =	sadd.s32 s1, s30  }
0xbb: {  	s0 =	sor.u32 s3, s0;
	s1 =	sshll.u32 s1, $0x11  }
0xbc: {  	s0 =	sor.u32 s1, s0  }
0xbd: {  	s0 =	sadd.s32 $0x8F2B, s0  }
0xbe: {  	[sflag:s0] =	ssyncadd.remote.s32 $0x1  }
0xbf: {  	_ =	sfence.sel $0xFFFF  }
0xc0: {  	[dreg:$0x0] =	wrdreg $0xFFFFFFFF;
	(pc) =	sbr.abs _section_cstart, $3  }
0xc1: {  	[dreg:$0x1] =	wrdreg $0xFFFFFFFF  }
0xc2: {  	_ =	task.clear_ibuf [dreg:s7], $0x2FFFF;
	_ =	strace $0x9FFFFFFF  }
0xc3: {  	(tm) =	ssettm $0x7FFFFFFF  }
tec
execute0_lowered:
.L_overlay_start_1:
0x0: {  	(tag) =	ssettag $0x1  }
0x1: {  	s7 =	rddreg [dreg:$0x0]  }
0x2: {  	s8 =	rddreg [dreg:$0x1]  }
0x3: {  	s1 =	rddreg [dreg:$0x2]  }
0x4: {  	s0 =	rddreg [dreg:$0x3];
	s2 =	simm.s32 $0x0  }
0x5: {  	s3 =	srdreg.scid;
	s14 =	simm.s32 $0x1;
	s15 =	simm.s32 $0x0  }
0x6: {  	[smem:$0x7FF] =	sst s2;
	s4 =	sand.u32 $0x1, s3;
	s3 =	stileid.u32  }
0x7: {  	_ =	strace $0x80000047;
	s5 =	sshll.u32 s4, $0x4;
	s6 =	ssub.s32 $0x2, s4  }
0x8: {  	s9 =	smul.u32 $0xA00, s3;
	s4 =	sadd.s32 $0x16A00, s7;
	s31 =	sshll.u32 s3, $0x6  }
0x9: {  	s10 =	sor.u32 s3, s5;
	s11 =	sshrl.u32 s6, $0x1;
	s5 =	sadd.s32 $0x16C00, s7  }
0xa: {  	s12 =	smul.u32 $0x2800, s10;
	s11 =	ssub.s32 s6, s11;
	s30 =	sshrl.u32 s9, $0x2  }
0xb: {  	s10 =	smul.u32 $0x50, s10;
	s6 =	sor.u32 $0x1C02, s31;
	s13 =	sadd.s32 s30, s1  }
0xc: {  	s9 =	smax.u32 s11, $0x1;
	s11 =	simm.s32 $0x2;
	s12 =	sshrl.u32 s12, $0x3  }
0xd: {  	s8 =	sadd.s32 s8, s10;
	s10 =	sshrl.u32 s13, $0x3;
	s7 =	sadd.s32 s7, s12  }
0xe: {  	s13 =	simm.s32 $0x80;
	s12 =	simm.s32 $0x2800;
	s7 =	sadd.s32 $0xCA00, s7  }
.LBB2_1:
0xf: {  	[spmem:s10], [sflag:s6] =	dma.local [hbm:s5], $0x50  }
0x10: {  	_ =	swait.ge [sflag:s11], $0x50  }
0x11: {  	[sflag:s11] =	ssyncset.done $0x0  }
0x12: {  	[sflag:s11] =	ssyncadd.s32 $0xFFFFFFB0  }
0x13: {  	[tilespmem:s12], [sflag:$0x2] =	stream.linear.gather [hbm4b:s4+s2], $0x80, $0x38;
	[tilespmem:$0x2B00] =	vst v63  }
0x14: {  	_ =	swait.ge [sflag:s11], $0x80  }
0x15: {  	[sflag:s11] =	ssyncset.done $0x0  }
0x16: {  	[sflag:s11] =	ssyncadd.s32 $0xFFFFFF80  }
0x17: {  	[tilespmem:s2], [sflag:$0x2] =	stream.linear.gather [hbm4b:s7+s2], $0x2800, $0x38;
	[tilespmem:$0x2B00] =	vst v63  }
0x18: {  	_ =	swait.ge [sflag:s11], $0x2800  }
0x19: {  	[sflag:s11] =	ssyncset.done $0x0  }
0x1a: {  	[sflag:s11] =	ssyncadd.s32 $0xFFFFD800  }
0x1b: {  	s16 =	simm.s32 $0x0;
	[bflag:$0x0] =	sbarrier.arrive $0xFFFF  }
0x1c: {  	[spmem:s1] =	stream.indirect.scatter.add.f32 [tilespmem:s12], [sflag:$0x1], $0x1, s16, s13, $0xb8;
	[tilespmem:$0x2B00] =	vst v63  }
0x1d: {  	s24 =	simm.s32 $0x80  }
0x1e: {  	[spmem:s1] =	stream.indirect.scatter.add.f32 [tilespmem:s12], [sflag:$0x1], $0x1, s24, s13, $0xb8;
	[tilespmem:$0x2B00] =	vst v63  }
0x1f: {  	s25 =	simm.s32 $0x100  }
0x20: {  	[spmem:s1] =	stream.indirect.scatter.add.f32 [tilespmem:s12], [sflag:$0x1], $0x1, s25, s13, $0xb8;
	[tilespmem:$0x2B00] =	vst v63  }
0x21: {  	s26 =	simm.s32 $0x180  }
0x22: {  	[spmem:s1] =	stream.indirect.scatter.add.f32 [tilespmem:s12], [sflag:$0x1], $0x1, s26, s13, $0xb8;
	[tilespmem:$0x2B00] =	vst v63  }
0x23: {  	s28 =	simm.s32 $0x200  }
0x24: {  	[spmem:s1] =	stream.indirect.scatter.add.f32 [tilespmem:s12], [sflag:$0x1], $0x1, s28, s13, $0xb8;
	[tilespmem:$0x2B00] =	vst v63  }
0x25: {  	s29 =	simm.s32 $0x280  }
0x26: {  	[spmem:s1] =	stream.indirect.scatter.add.f32 [tilespmem:s12], [sflag:$0x1], $0x1, s29, s13, $0xb8;
	[tilespmem:$0x2B00] =	vst v63  }
0x27: {  	s30 =	simm.s32 $0x300  }
0x28: {  	[spmem:s1] =	stream.indirect.scatter.add.f32 [tilespmem:s12], [sflag:$0x1], $0x1, s30, s13, $0xb8;
	[tilespmem:$0x2B00] =	vst v63  }
0x29: {  	s31 =	simm.s32 $0x380  }
0x2a: {  	[spmem:s1] =	stream.indirect.scatter.add.f32 [tilespmem:s12], [sflag:$0x1], $0x1, s31, s13, $0xb8;
	[tilespmem:$0x2B00] =	vst v63  }
0x2b: {  	_ =	swait.ge [sflag:s14], $0x80  }
0x2c: {  	[sflag:s14] =	ssyncset.done $0x0  }
0x2d: {  	[sflag:s14] =	ssyncadd.s32 $0xFFFFFF80  }
0x2e: {  	_ =	swait.ge [sflag:s14], $0x80  }
0x2f: {  	[sflag:s14] =	ssyncset.done $0x0  }
0x30: {  	[sflag:s14] =	ssyncadd.s32 $0xFFFFFF80  }
0x31: {  	_ =	swait.ge [sflag:s14], $0x80  }
0x32: {  	[sflag:s14] =	ssyncset.done $0x0  }
0x33: {  	[sflag:s14] =	ssyncadd.s32 $0xFFFFFF80  }
0x34: {  	_ =	swait.ge [sflag:s14], $0x80  }
0x35: {  	[sflag:s14] =	ssyncset.done $0x0  }
0x36: {  	[sflag:s14] =	ssyncadd.s32 $0xFFFFFF80  }
0x37: {  	_ =	swait.ge [sflag:s14], $0x80  }
0x38: {  	[sflag:s14] =	ssyncset.done $0x0  }
0x39: {  	[sflag:s14] =	ssyncadd.s32 $0xFFFFFF80  }
0x3a: {  	_ =	swait.ge [sflag:s14], $0x80  }
0x3b: {  	[sflag:s14] =	ssyncset.done $0x0  }
0x3c: {  	[sflag:s14] =	ssyncadd.s32 $0xFFFFFF80  }
0x3d: {  	_ =	swait.ge [sflag:s14], $0x80  }
0x3e: {  	[sflag:s14] =	ssyncset.done $0x0  }
0x3f: {  	[sflag:s14] =	ssyncadd.s32 $0xFFFFFF80  }
0x40: {  	_ =	swait.ge [sflag:s14], $0x80  }
0x41: {  	s18 =	simm.s32 $0x2000;
	s16 =	simm.s32 $0x1000;
	[sflag:s14] =	ssyncset.done $0x0  }
.LBB2_2:
0x42: {  	s19 =	sshra.s32 s16, $0x2  }
0x43: {  	[sflag:s14] =	ssyncadd.s32 $0xFFFFFF80;
	s16 =	smov.u32 s18;
	s17 =	sadd.s32 $0x1000, s18  }
0x44: {  	[spmem:s1] =	stream.indirect.scatter.add.f32 [tilespmem:s12], [sflag:$0x1], $0x1, s19, s13, $0xb8;
	[tilespmem:$0x2B00] =	vst v63  }
0x45: {  	p0 =	sne.s32 s18, $0x9000;
	s18 =	sadd.s32 $0x80, s19  }
0x46: {  	[spmem:s1] =	stream.indirect.scatter.add.f32 [tilespmem:s12], [sflag:$0x1], $0x1, s18, s13, $0xb8;
	[tilespmem:$0x2B00] =	vst v63  }
0x47: {  	s18 =	sadd.s32 $0x100, s19  }
0x48: {  	[spmem:s1] =	stream.indirect.scatter.add.f32 [tilespmem:s12], [sflag:$0x1], $0x1, s18, s13, $0xb8;
	[tilespmem:$0x2B00] =	vst v63  }
0x49: {  	s18 =	sadd.s32 $0x180, s19  }
0x4a: {  	[spmem:s1] =	stream.indirect.scatter.add.f32 [tilespmem:s12], [sflag:$0x1], $0x1, s18, s13, $0xb8;
	[tilespmem:$0x2B00] =	vst v63  }
0x4b: {  	s18 =	sadd.s32 $0x200, s19  }
0x4c: {  	[spmem:s1] =	stream.indirect.scatter.add.f32 [tilespmem:s12], [sflag:$0x1], $0x1, s18, s13, $0xb8;
	[tilespmem:$0x2B00] =	vst v63  }
0x4d: {  	s18 =	sadd.s32 $0x280, s19  }
0x4e: {  	[spmem:s1] =	stream.indirect.scatter.add.f32 [tilespmem:s12], [sflag:$0x1], $0x1, s18, s13, $0xb8;
	[tilespmem:$0x2B00] =	vst v63  }
0x4f: {  	s18 =	sadd.s32 $0x300, s19  }
0x50: {  	[spmem:s1] =	stream.indirect.scatter.add.f32 [tilespmem:s12], [sflag:$0x1], $0x1, s18, s13, $0xb8;
	[tilespmem:$0x2B00] =	vst v63  }
0x51: {  	s18 =	sadd.s32 $0x380, s19  }
0x52: {  	[spmem:s1] =	stream.indirect.scatter.add.f32 [tilespmem:s12], [sflag:$0x1], $0x1, s18, s13, $0xb8;
	[tilespmem:$0x2B00] =	vst v63  }
0x53: {  	_ =	swait.ge [sflag:s14], $0x80  }
0x54: {  	[sflag:s14] =	ssyncset.done $0x0  }
0x55: {  	[sflag:s14] =	ssyncadd.s32 $0xFFFFFF80  }
0x56: {  	_ =	swait.ge [sflag:s14], $0x80  }
0x57: {  	[sflag:s14] =	ssyncset.done $0x0  }
0x58: {  	[sflag:s14] =	ssyncadd.s32 $0xFFFFFF80  }
0x59: {  	_ =	swait.ge [sflag:s14], $0x80  }
0x5a: {  	[sflag:s14] =	ssyncset.done $0x0  }
0x5b: {  	[sflag:s14] =	ssyncadd.s32 $0xFFFFFF80  }
0x5c: {  	_ =	swait.ge [sflag:s14], $0x80  }
0x5d: {  	[sflag:s14] =	ssyncset.done $0x0  }
0x5e: {  	[sflag:s14] =	ssyncadd.s32 $0xFFFFFF80  }
0x5f: {  	_ =	swait.ge [sflag:s14], $0x80  }
0x60: {  	[sflag:s14] =	ssyncset.done $0x0  }
0x61: {  	[sflag:s14] =	ssyncadd.s32 $0xFFFFFF80  }
0x62: {  	_ =	swait.ge [sflag:s14], $0x80  }
0x63: {  	[sflag:s14] =	ssyncset.done $0x0  }
0x64: {  	[sflag:s14] =	ssyncadd.s32 $0xFFFFFF80  }
.Ltmp0:
0x65: {  	_ =	swait.ge [sflag:s14], $0x80;
	(pc) =	sbr.rel @p0 .LBB2_2-.Ltmp0, $4  }
0x66: {  	[sflag:s14] =	ssyncset.done $0x0  }
0x67: {  	[sflag:s14] =	ssyncadd.s32 $0xFFFFFF80  }
0x68: {  	_ =	swait.ge [sflag:s14], $0x80  }
0x69: {  	s18 =	smov.u32 s17;
	[sflag:s14] =	ssyncset.done $0x0  }
0x6a: {  	s16 =	sshra.s32 s16, $0x2;
	[sflag:s14] =	ssyncadd.s32 $0xFFFFFF80  }
0x6b: {  	[spmem:s1] =	stream.indirect.scatter.add.f32 [tilespmem:s12], [sflag:$0x1], $0x1, s16, s13, $0xb8;
	[tilespmem:$0x2B00] =	vst v63  }
0x6c: {  	s17 =	sadd.s32 $0x80, s16  }
0x6d: {  	[spmem:s1] =	stream.indirect.scatter.add.f32 [tilespmem:s12], [sflag:$0x1], $0x1, s17, s13, $0xb8;
	[tilespmem:$0x2B00] =	vst v63  }
0x6e: {  	s26 =	sadd.s32 $0x100, s16  }
0x6f: {  	[spmem:s1] =	stream.indirect.scatter.add.f32 [tilespmem:s12], [sflag:$0x1], $0x1, s26, s13, $0xb8;
	[tilespmem:$0x2B00] =	vst v63  }
0x70: {  	s28 =	sadd.s32 $0x180, s16  }
0x71: {  	[spmem:s1] =	stream.indirect.scatter.add.f32 [tilespmem:s12], [sflag:$0x1], $0x1, s28, s13, $0xb8;
	[tilespmem:$0x2B00] =	vst v63  }
0x72: {  	s29 =	sadd.s32 $0x200, s16  }
0x73: {  	[spmem:s1] =	stream.indirect.scatter.add.f32 [tilespmem:s12], [sflag:$0x1], $0x1, s29, s13, $0xb8;
	[tilespmem:$0x2B00] =	vst v63  }
0x74: {  	s30 =	sadd.s32 $0x280, s16  }
0x75: {  	[spmem:s1] =	stream.indirect.scatter.add.f32 [tilespmem:s12], [sflag:$0x1], $0x1, s30, s13, $0xb8;
	[tilespmem:$0x2B00] =	vst v63  }
0x76: {  	s31 =	sadd.s32 $0x300, s16  }
0x77: {  	[spmem:s1] =	stream.indirect.scatter.add.f32 [tilespmem:s12], [sflag:$0x1], $0x1, s31, s13, $0xb8;
	[tilespmem:$0x2B00] =	vst v63  }
0x78: {  	s16 =	sadd.s32 $0x380, s16  }
0x79: {  	[spmem:s1] =	stream.indirect.scatter.add.f32 [tilespmem:s12], [sflag:$0x1], $0x1, s16, s13, $0xb8;
	[tilespmem:$0x2B00] =	vst v63  }
0x7a: {  	_ =	swait.ge [sflag:s14], $0x80  }
0x7b: {  	[sflag:s14] =	ssyncset.done $0x0  }
0x7c: {  	[sflag:s14] =	ssyncadd.s32 $0xFFFFFF80  }
0x7d: {  	_ =	swait.ge [sflag:s14], $0x80  }
0x7e: {  	[sflag:s14] =	ssyncset.done $0x0  }
0x7f: {  	[sflag:s14] =	ssyncadd.s32 $0xFFFFFF80  }
0x80: {  	_ =	swait.ge [sflag:s14], $0x80  }
0x81: {  	[sflag:s14] =	ssyncset.done $0x0  }
0x82: {  	[sflag:s14] =	ssyncadd.s32 $0xFFFFFF80  }
0x83: {  	_ =	swait.ge [sflag:s14], $0x80  }
0x84: {  	[sflag:s14] =	ssyncset.done $0x0  }
0x85: {  	[sflag:s14] =	ssyncadd.s32 $0xFFFFFF80  }
0x86: {  	_ =	swait.ge [sflag:s14], $0x80  }
0x87: {  	[sflag:s14] =	ssyncset.done $0x0  }
0x88: {  	[sflag:s14] =	ssyncadd.s32 $0xFFFFFF80  }
0x89: {  	_ =	swait.ge [sflag:s14], $0x80  }
0x8a: {  	[sflag:s14] =	ssyncset.done $0x0  }
0x8b: {  	[sflag:s14] =	ssyncadd.s32 $0xFFFFFF80  }
0x8c: {  	_ =	swait.ge [sflag:s14], $0x80  }
0x8d: {  	[sflag:s14] =	ssyncset.done $0x0  }
0x8e: {  	[sflag:s14] =	ssyncadd.s32 $0xFFFFFF80  }
0x8f: {  	_ =	swait.ge [sflag:s14], $0x80  }
0x90: {  	s15 =	sadd.s32 $0x1, s15;
	[sflag:s14] =	ssyncset.done $0x0  }
0x91: {  	p0 =	sne.s32 s15, s9;
	[sflag:s14] =	ssyncadd.s32 $0xFFFFFF80  }
.Ltmp1:
0x92: {  	[bflag:$0x0] =	sbarrier.arrive $0xFFFF;
	(pc) =	sbr.rel @p0 .LBB2_1-.Ltmp1, $4  }
0x93: {  	[hbm:s8], [sflag:s6] =	dma.local [spmem:s10], $0x50  }
0x94: {  	_ =	swait.ge [sflag:s11], $0x50  }
0x95: {  	[sflag:s11] =	ssyncset.done $0x0  }
0x96: {  	[sflag:s11] =	ssyncadd.s32 $0xFFFFFFB0  }
0x97: {  	_ =	sfence.sel $0x180000  }
0x98: {  	[bflag:$0x0] =	sbarrier.arrive $0xFFFF  }
0x99: {  	p0 =	sne.s32 s3, $0x0;
	_ =	strace $0x90000047  }
0x9a: {  	s0 =	sadd.s32 @!p0 $0x100000, s0;
	[bflag:$0x2] =	sbarrier.arrive $0xFFFF  }
0x9b: {  	[sflag:s0] =	ssyncadd.tile.s32 @!p0 $0x1;
	_ =	shalt  }
.Lfunc_end2:
_tile_overlayer_lowered:
.L_overlay_start_2:
0x9c: {  	(tag) =	ssettag $0x2  }
0x9d: {  	s0 =	rddreg [dreg:$0x0];
	s2 =	stileid.u32  }
0x9e: {  	s1 =	rddreg [dreg:$0x1];
	p0 =	sne.s32 s2, $0x0  }
0x9f: {  	s3 =	rddreg [dreg:$0x2];
	[bflag:$0x3] =	sbarrier.arrive $0xFFFF;
	s2 =	simm.s32 @!p0 $0x1C02  }
0xa0: {  	[timem:s3], [sflag:s2] =	dma.local @!p0 [hbm:s0], s1  }
0xa1: {  	s0 =	simm.s32 @!p0 $0x2  }
0xa2: {  	_ =	swait.ge @!p0 [sflag:s0], s1  }
0xa3: {  	s1 =	ssub.s32 @!p0 $0x0, s1;
	[sflag:s0] =	ssyncset.done @!p0 $0x0  }
0xa4: {  	[sflag:s0] =	ssyncadd.s32 @!p0 s1  }
0xa5: {  	[bflag:$0x3] =	sbarrier.arrive $0xFFFF  }
0xa6: {  	_ =	shalt  }

</sc_bundles>
